<compile_context>
chip_gen: v7x
topology: tpu7x:2x2x1
jax: 0.10.2.dev20260603
libtpu: 0.0.44.dev20260713+nightly
codegen_flags: <defaults>
</compile_context>

<pallas_src>
import functools

import jax
import jax.numpy as jnp
from jax import lax
from jax.experimental import pallas as pl
from jax.experimental.pallas import tpu as pltpu
from jax.experimental.pallas import tpu_sc as plsc

N = 10000
E = 160000
H = 64

NC = 2
NS = 16
NW = NC * NS

C = 128
EPW = 5120
E_PAD = EPW * NW
NCH = EPW // C
N_ACC = 10112
RPT = N_ACC // NS

EB = 1280
NB_E = E // EB
NB_EP = E_PAD // EB

N_HALF = 5056
EPT = E_PAD // NS
NCH2 = EPT // C
ACC_R = 5120
RPT2 = ACC_R // NS



def _bn_mlp_small(x, w1, b1, g, be, w2, b2):
    def body(x_ref, w1_ref, b1_ref, g_ref, be_ref, w2_ref, b2_ref, o_ref):
        h = jnp.dot(x_ref[...], w1_ref[...],
                    preferred_element_type=jnp.float32) + b1_ref[...]
        mu = jnp.mean(h, axis=0, keepdims=True)
        hc = h - mu
        var = jnp.mean(hc * hc, axis=0, keepdims=True)
        hn = hc * lax.rsqrt(var + 1e-5) * g_ref[...] + be_ref[...]
        hn = jnp.maximum(hn, 0.0)
        o_ref[...] = jnp.dot(hn, w2_ref[...],
                             preferred_element_type=jnp.float32) + b2_ref[...]

    r = x.shape[0]
    dout = w2.shape[1]
    return pl.pallas_call(
        body,
        out_shape=jax.ShapeDtypeStruct((r, dout), jnp.float32),
    )(x, w1, b1.reshape(1, -1), g.reshape(1, -1), be.reshape(1, -1),
      w2, b2.reshape(1, -1))


def _bn_mlp_big(x, w1, b1, g, be, w2, b2, nb_out, nb_stat, rows):
    din = x.shape[1]
    dh = w1.shape[1]
    dout = w2.shape[1]

    def stats_body(x_ref, w1_ref, b1_ref, o_ref):
        j = pl.program_id(0)
        h = jnp.dot(x_ref[...], w1_ref[...],
                    preferred_element_type=jnp.float32) + b1_ref[...]

        @pl.when(j == 0)
        def _():
            o_ref[...] = jnp.zeros_like(o_ref)

        o_ref[0:1, :] += jnp.sum(h, axis=0, keepdims=True)
        o_ref[1:2, :] += jnp.sum(h * h, axis=0, keepdims=True)

    full = lambda s: pl.BlockSpec(s, lambda j: (0,) * len(s))
    stats = pl.pallas_call(
        stats_body,
        grid=(nb_stat,),
        in_specs=[
            pl.BlockSpec((EB, din), lambda j: (j, 0)),
            full((din, dh)), full((1, dh)),
        ],
        out_specs=pl.BlockSpec((2, dh), lambda j: (0, 0)),
        out_shape=jax.ShapeDtypeStruct((2, dh), jnp.float32),
    )(x, w1, b1.reshape(1, -1))

    def apply_body(x_ref, st_ref, w1_ref, b1_ref, g_ref, be_ref, w2_ref,
                   b2_ref, o_ref):
        h = jnp.dot(x_ref[...], w1_ref[...],
                    preferred_element_type=jnp.float32) + b1_ref[...]
        mu = st_ref[0:1, :] * (1.0 / rows)
        var = st_ref[1:2, :] * (1.0 / rows) - mu * mu
        hn = (h - mu) * lax.rsqrt(var + 1e-5) * g_ref[...] + be_ref[...]
        hn = jnp.maximum(hn, 0.0)
        o_ref[...] = jnp.dot(hn, w2_ref[...],
                             preferred_element_type=jnp.float32) + b2_ref[...]

    return pl.pallas_call(
        apply_body,
        grid=(nb_out,),
        in_specs=[
            pl.BlockSpec((EB, din), lambda j: (j, 0)),
            full((2, dh)),
            full((din, dh)), full((1, dh)), full((1, dh)), full((1, dh)),
            full((dh, dout)), full((1, dout)),
        ],
        out_specs=pl.BlockSpec((EB, dout), lambda j: (j, 0)),
        out_shape=jax.ShapeDtypeStruct((nb_out * EB, dout), jnp.float32),
    )(x, stats, w1, b1.reshape(1, -1), g.reshape(1, -1), be.reshape(1, -1),
      w2, b2.reshape(1, -1))


def _mid_update(v, acc_p, lp, t_prev, first):
    def body(v_ref, ac_ref, nw1, nb1, nw2, nb2, ew1, eb1, ew2, eb2,
             tp_ref, *o_refs):
        vcur = v_ref[...][:, :H]
        agg = jnp.concatenate(
            [ac_ref[0, :N_HALF, :H], ac_ref[1, :N - N_HALF, :H]], axis=0)
        h = jnp.maximum(jnp.dot(agg, nw1[...],
                                preferred_element_type=jnp.float32) + nb1[...], 0.0)
        v_new = vcur + jnp.dot(h, nw2[...],
                               preferred_element_type=jnp.float32) + nb2[...]
        nacc = jnp.concatenate(
            [ac_ref[0, :N_HALF, H:], ac_ref[1, :N - N_HALF, H:]], axis=0)
        h2 = jnp.maximum(jnp.dot(nacc, ew1[...],
                                 preferred_element_type=jnp.float32) + eb1[...], 0.0)
        t = jnp.dot(h2, ew2[...], preferred_element_type=jnp.float32) + eb2[...]
        if first:
            o_refs[0][...] = jnp.concatenate([v_new, t], axis=1)
        else:
            o_refs[0][...] = v_new
            o_refs[1][...] = jnp.concatenate(
                [tp_ref[...] + t, jnp.zeros((N, H), jnp.float32)], axis=1)

    if first:
        out_shape = jax.ShapeDtypeStruct((N, 2 * H), jnp.float32)
    else:
        out_shape = (jax.ShapeDtypeStruct((N, H), jnp.float32),
                     jax.ShapeDtypeStruct((N, 2 * H), jnp.float32))
    np_ = lp["node"]
    ep_ = lp["edge"]
    return pl.pallas_call(
        body,
        out_shape=out_shape,
    )(v, acc_p,
      np_["w1"], np_["b1"].reshape(1, -1), np_["w2"], np_["b2"].reshape(1, -1),
      ep_["w1"], ep_["b1"].reshape(1, -1), ep_["w2"], ep_["b2"].reshape(1, -1),
      t_prev)



def _mesh():
    return plsc.VectorSubcoreMesh(core_axis_name="c", subcore_axis_name="s",
                                  num_cores=NC, num_subcores=NS)


def _zero_buf(buf, groups):
    z = jnp.zeros((16,), jnp.float32)

    def row(i, _):
        for j in range(groups):
            buf[i, pl.ds(j * 16, 16)] = z
        return 0

    lax.fori_loop(0, C, row, 0)


def _sc_gather_pass(vt, e1, src, has_t):

    @functools.partial(
        pl.kernel,
        out_type=jax.ShapeDtypeStruct((E_PAD, 2 * H), jnp.float32),
        mesh=_mesh(),
        scratch_types=[
            pltpu.VMEM((NCH, C), jnp.int32),
            pltpu.VMEM((C, H), jnp.float32),
            pltpu.VMEM((C, 2 * H), jnp.float32),
            pltpu.SemaphoreType.DMA,
        ],
    )
    def k(vt_hbm, e_hbm, src2_hbm, p_hbm, sall, ev, tv, sem):
        c = lax.axis_index("c")
        s = lax.axis_index("s")
        w = c * NS + s
        ebase = w * EPW
        pltpu.sync_copy(src2_hbm.at[pl.ds(w * NCH, NCH)], sall)

        @pl.loop(0, NCH)
        def _(ci):
            off = ebase + ci * C
            pltpu.sync_copy(e_hbm.at[pl.ds(off, C)], ev)
            pltpu.async_copy(vt_hbm.at[sall.at[ci]], tv, sem).wait()

            def row(i, _):
                for j in range(4):
                    sl = pl.ds(j * 16, 16)
                    su = pl.ds((4 + j) * 16, 16)
                    e0 = ev[i, sl]
                    if has_t:
                        e0 = e0 + tv[i, su]
                    tv[i, sl] = jnp.maximum(tv[i, sl] + e0, 0.0) + 1e-7
                    tv[i, su] = jnp.maximum(e0, 0.0) + 1e-7
                return 0

            lax.fori_loop(0, C, row, 0)
            pltpu.sync_copy(tv, p_hbm.at[pl.ds(off, C)])

    return k(vt, e1, src)


def _sc_scatter_pass(pe, dst2):

    @functools.partial(
        pl.kernel,
        out_type=jax.ShapeDtypeStruct((NC, ACC_R, 2 * H), jnp.float32),
        mesh=_mesh(),
        scratch_types=[
            pltpu.VMEM((NCH2, C), jnp.int32),
            pltpu.VMEM((C, 2 * H), jnp.float32),
            pltpu.VMEM((C, 2 * H), jnp.float32),
            pltpu.VMEM_SHARED((ACC_R, 2 * H), jnp.float32),
        ],
    )
    def k(pe_hbm, dst2_hbm, acc_hbm, dall, pv, zb, acc_s):
        c = lax.axis_index("c")
        s = lax.axis_index("s")

        _zero_buf(zb, 8)
        rbase = s * RPT2
        for k2 in range(2):
            pltpu.sync_copy(zb, acc_s.at[pl.ds(rbase + k2 * C, C)])
        rem = RPT2 - 2 * C
        pltpu.sync_copy(zb.at[pl.ds(0, rem)], acc_s.at[pl.ds(rbase + 2 * C, rem)])

        pltpu.sync_copy(dst2_hbm.at[pl.ds(s * NCH2, NCH2)], dall)
        base = c * N_HALF

        def tx(ci, _):
            for g in range(C // 16):
                sl = pl.ds(g * 16, 16)
                l = dall[ci, sl] - base
                ok = jnp.logical_and(l >= 0, l < N_HALF)
                dall[ci, sl] = jnp.where(ok, l, N_HALF)
            return 0

        lax.fori_loop(0, NCH2, tx, 0)
        plsc.subcore_barrier()

        ebase = s * EPT

        @pl.loop(0, NCH2)
        def _(ci):
            off = ebase + ci * C
            pltpu.sync_copy(pe_hbm.at[pl.ds(off, C)], pv)
            pltpu.sync_copy(pv, acc_s.at[dall.at[ci]], add=True)

        plsc.subcore_barrier()

        for k2 in range(2):
            sl = pl.ds(rbase + k2 * C, C)
            pltpu.sync_copy(acc_s.at[sl], zb)
            pltpu.sync_copy(zb, acc_hbm.at[c, sl])
        sl = pl.ds(rbase + 2 * C, rem)
        pltpu.sync_copy(acc_s.at[sl], zb.at[pl.ds(0, rem)])
        pltpu.sync_copy(zb.at[pl.ds(0, rem)], acc_hbm.at[c, sl])

    return k(pe, dst2)


def _sc_gather_add(e1, t, src):

    @functools.partial(
        pl.kernel,
        out_type=jax.ShapeDtypeStruct((E_PAD, H), jnp.float32),
        mesh=_mesh(),
        scratch_types=[
            pltpu.VMEM((NCH, C), jnp.int32),
            pltpu.VMEM((C, H), jnp.float32),
            pltpu.VMEM((C, 2 * H), jnp.float32),
            pltpu.SemaphoreType.DMA,
        ],
    )
    def k(e_hbm, t_hbm, src_hbm, eo_hbm, sidx, ev, tv, sem):
        c = lax.axis_index("c")
        s = lax.axis_index("s")
        w = c * NS + s
        ebase = w * EPW

        pltpu.sync_copy(src_hbm.at[pl.ds(w * NCH, NCH)], sidx)

        @pl.loop(0, NCH)
        def _(ci):
            off = ebase + ci * C
            pltpu.sync_copy(e_hbm.at[pl.ds(off, C)], ev)
            pltpu.async_copy(t_hbm.at[sidx.at[ci]], tv, sem).wait()

            def row(i, _):
                for j in range(4):
                    sl = pl.ds(j * 16, 16)
                    ev[i, sl] = ev[i, sl] + tv[i, sl]
                return 0

            lax.fori_loop(0, C, row, 0)
            pltpu.sync_copy(ev, eo_hbm.at[pl.ds(off, C)])

    return k(e1, t, src)



def kernel(x, edge_index, edge_attr, params):
    src = edge_index[0].astype(jnp.int32)
    dst = edge_index[1].astype(jnp.int32)
    pad = E_PAD - E
    src_p = jnp.concatenate([src, jnp.zeros((pad,), jnp.int32)])
    dst_p = jnp.concatenate([dst, jnp.full((pad,), N, jnp.int32)])
    ea_p = jnp.concatenate(
        [edge_attr, jnp.zeros((pad, edge_attr.shape[1]), jnp.float32)])

    pe = params["node_enc"]
    w2p = jnp.concatenate([pe["w2"], jnp.zeros((pe["w2"].shape[0], H),
                                               jnp.float32)], axis=1)
    b2p = jnp.concatenate([pe["b2"], jnp.zeros((H,), jnp.float32)])
    v1 = _bn_mlp_small(x, pe["w1"], pe["b1"], pe["gamma"], pe["beta"],
                       w2p, b2p)
    pe = params["edge_enc"]
    e1 = _bn_mlp_big(ea_p, pe["w1"], pe["b1"], pe["gamma"], pe["beta"],
                     pe["w2"], pe["b2"], nb_out=NB_EP, nb_stat=NB_E, rows=E)

    dst2 = dst_p.reshape(E_PAD // C, C)
    src2 = src_p.reshape(E_PAD // C, C)
    zeros_t = jnp.zeros((N, H), jnp.float32)
    p1 = _sc_gather_pass(v1, e1, src2, has_t=False)
    acc1 = _sc_scatter_pass(p1, dst2)
    vt1 = _mid_update(v1, acc1, params["layers"][0], zeros_t, first=True)
    p2 = _sc_gather_pass(vt1, e1, src2, has_t=True)
    acc2 = _sc_scatter_pass(p2, dst2)
    v3, tsum = _mid_update(vt1, acc2, params["layers"][1],
                           vt1[:, H:], first=False)
    e3 = _sc_gather_add(e1, tsum, src2)

    pd = params["node_dec"]
    node_out = _bn_mlp_small(v3, pd["w1"], pd["b1"], pd["gamma"], pd["beta"],
                             pd["w2"], pd["b2"])
    pd = params["edge_dec"]
    edge_out = _bn_mlp_big(e3, pd["w1"], pd["b1"], pd["gamma"], pd["beta"],
                           pd["w2"], pd["b2"], nb_out=NB_E, nb_stat=NB_E,
                           rows=E)
    return (node_out, edge_out)

# --- scband reference (transcript-rebuilt; emitter-appended) ---
"""Pipeline reference for scband-spco-gcnet-25692494365012 (READ-ONLY COPY).

The authoritative reference and input builder live on the scoring server;
editing this copy changes nothing except your own understanding.
"""

import jax, jax.numpy as jnp
import numpy as np

N = 10000
E = 160000
D_NODE = 128
D_EDGE = 4
H = 64
L = 2
HID = 128
NODE_OUT = 2
EDGE_OUT = 2


def _linear(key, din, dout):
    w = jax.random.normal(key, (din, dout), dtype=jnp.float32) / np.sqrt(din)
    b = jnp.zeros((dout,), dtype=jnp.float32)
    return w, b


def _mlp_params(key, din, dhid, dout, norm):
    k1, k2 = jax.random.split(key)
    w1, b1 = _linear(k1, din, dhid)
    w2, b2 = _linear(k2, dhid, dout)
    p = {"w1": w1, "b1": b1, "w2": w2, "b2": b2}
    if norm:
        p["gamma"] = jnp.ones((dhid,), dtype=jnp.float32)
        p["beta"] = jnp.zeros((dhid,), dtype=jnp.float32)
    return p


def _bn(h, gamma, beta):
    mu = h.mean(axis=0)
    var = h.var(axis=0)
    return (h - mu) / jnp.sqrt(var + 1e-5) * gamma + beta


def _mlp(h, p):
    h = h @ p["w1"] + p["b1"]
    if "gamma" in p:
        h = _bn(h, p["gamma"], p["beta"])
    h = jax.nn.relu(h)
    return h @ p["w2"] + p["b2"]


def _build_linegraph(edge_index, num_nodes):
    # Faithful (vectorized) version of undirected_linegraph_index.
    # Assumes edge_index is already coalesced (sorted by (row, col), unique),
    # which setup_inputs guarantees, so coalesce is the identity here.
    row = np.asarray(edge_index[0])
    col = np.asarray(edge_index[1])
    count = np.bincount(row, minlength=num_nodes).astype(np.int64)
    cumsum = np.concatenate([np.zeros(1, dtype=np.int64), np.cumsum(count)])
    reps = count[col]
    total = int(reps.sum())
    ne = row.shape[0]
    lrow = np.repeat(np.arange(ne, dtype=np.int64), reps)
    starts = cumsum[col]
    seg_starts = np.concatenate([np.zeros(1, dtype=np.int64), np.cumsum(reps)[:-1]])
    offsets = np.arange(total, dtype=np.int64) - np.repeat(seg_starts, reps)
    lcol = np.repeat(starts, reps) + offsets
    return np.stack([lrow, lcol]).astype(np.int64)


def setup_inputs(seed: int = 0):
    key = jax.random.key(seed)
    ks = jax.random.split(key, 12)
    x = jax.random.normal(ks[0], (N, D_NODE), dtype=jnp.float32)
    rng = np.random.default_rng(0)
    codes = np.sort(rng.choice(N * N, size=E, replace=False))
    row = (codes // N).astype(np.int64)
    col = (codes % N).astype(np.int64)
    edge_index = jnp.asarray(np.stack([row, col]))
    edge_attr = jax.random.normal(ks[1], (E, D_EDGE), dtype=jnp.float32)
    params = {
        "node_enc": _mlp_params(ks[2], D_NODE, HID, H, True),
        "edge_enc": _mlp_params(ks[3], D_EDGE, HID, H, True),
        "layers": [
            {
                "node": _mlp_params(jax.random.fold_in(ks[4], i), H, H, H, False),
                "edge": _mlp_params(jax.random.fold_in(ks[5], i), H, H, H, False),
            }
            for i in range(L)
        ],
        "node_dec": _mlp_params(ks[6], H, HID, NODE_OUT, True),
        "edge_dec": _mlp_params(ks[7], H, HID, EDGE_OUT, True),
    }
    return {"x": x, "edge_index": edge_index, "edge_attr": edge_attr, "params": params}


def reference(x, edge_index, edge_attr, params):
    src = edge_index[0]
    dst = edge_index[1]
    num_nodes = x.shape[0]
    v = _mlp(x, params["node_enc"])
    e = _mlp(edge_attr, params["edge_enc"])
    for lp in params["layers"]:
        # GENConv-style node update: msg = relu(x_src + e) + eps, sum-aggregate at dst
        msg = jax.nn.relu(v[src] + e) + 1e-7
        agg = jax.ops.segment_sum(msg, dst, num_segments=N)
        v = v + _mlp(agg, lp["node"])
        # Edge co-embedding update over the line graph
        emsg = jax.nn.relu(e) + 1e-7
        node_acc = jax.ops.segment_sum(emsg, dst, num_segments=num_nodes)
        eagg = node_acc[src]
        e = e + _mlp(eagg, lp["edge"])
    node_out = _mlp(v, params["node_dec"])
    edge_out = _mlp(e, params["edge_dec"])
    return (node_out, edge_out)

if __name__ == "__main__":
    import jax
    _d = setup_inputs()
    print(jax.jit(kernel)(*tuple(_d.values())))

</pallas_src>

<mosaic_0001>
#map = affine_map<(d0, d1) -> (0, 0)>
module attributes {stable_mosaic.version = 14 : i64} {
  func.func @k(%arg0: i32, %arg1: i32, %arg2: memref<10000x128xf32, #tpu.memory_space<hbm>>, %arg3: memref<163840x64xf32, #tpu.memory_space<hbm>>, %arg4: memref<1280x128xi32, #tpu.memory_space<hbm>>, %arg5: memref<163840x128xf32, #tpu.memory_space<hbm>>, %arg6: memref<40x128xi32, #tpu.memory_space<vmem>>, %arg7: memref<128x64xf32, #tpu.memory_space<vmem>>, %arg8: memref<128x128xf32, #tpu.memory_space<vmem>>, %arg9: memref<!tpu.dma_semaphore, #tpu.memory_space<semaphore_mem>>) attributes {dimension_semantics = [#tpu.dimension_semantics<core_parallel>, #tpu.dimension_semantics<subcore_parallel>], iteration_bounds = array<i64: 2, 16>, scalar_prefetch = 0 : i64, scratch_operands = 4 : i64, tpu.core_type = #tpu.core_type<sc_vector_subcore>, window_params = [{transform_indices = #map}, {transform_indices = #map}, {transform_indices = #map}, {transform_indices = #map}]} {
    %mul3A = arith.constant 16 : i32
    %mul3A_0 = arith.muli %arg0, %mul3A : i32
    %add3A = arith.addi %mul3A_0, %arg1 : i32
    %mul3A_1 = arith.constant 5120 : i32
    %mul3A_2 = arith.muli %add3A, %mul3A_1 : i32
    %mul3A_3 = arith.constant 40 : i32
    %mul3A_4 = arith.muli %add3A, %mul3A_3 : i32
    "tpu.region"() ({
      %run_scoped3A = tpu.sem_alloc : memref<!tpu.dma_semaphore, #tpu.memory_space<semaphore_mem>>
      %dma_start3A = arith.constant 0 : i32
      %dma_start3A_9 = tpu.memref_slice %arg4[%mul3A_4, %dma_start3A] : memref<1280x128xi32, #tpu.memory_space<hbm>> -> memref<40x128xi32, #tpu.memory_space<hbm>>
      %dma_start3A_10 = arith.constant 0 : i32
      %dma_start3A_11 = tpu.memref_slice %arg4[%mul3A_4, %dma_start3A_10] : memref<1280x128xi32, #tpu.memory_space<hbm>> -> memref<40x128xi32, #tpu.memory_space<hbm>>
      tpu.enqueue_dma source(%dma_start3A_11 : memref<40x128xi32, #tpu.memory_space<hbm>>) target(%arg6 : memref<40x128xi32, #tpu.memory_space<vmem>>) target_semaphore(%run_scoped3A : memref<!tpu.dma_semaphore, #tpu.memory_space<semaphore_mem>>)
      %dma_wait3A = arith.constant 0 : i32
      %dma_wait3A_12 = tpu.memref_slice %arg4[%mul3A_4, %dma_wait3A] : memref<1280x128xi32, #tpu.memory_space<hbm>> -> memref<40x128xi32, #tpu.memory_space<hbm>>
      %dma_wait3A_13 = arith.constant 0 : i32
      %dma_wait3A_14 = tpu.memref_slice %arg4[%mul3A_4, %dma_wait3A_13] : memref<1280x128xi32, #tpu.memory_space<hbm>> -> memref<40x128xi32, #tpu.memory_space<hbm>>
      tpu.wait_dma2 semaphore(%run_scoped3A : memref<!tpu.dma_semaphore, #tpu.memory_space<semaphore_mem>>) src(%dma_wait3A_14 : memref<40x128xi32, #tpu.memory_space<hbm>>) dst(%arg6 : memref<40x128xi32, #tpu.memory_space<vmem>>)
      tpu.yield
    }) : () -> ()
    %scan3A = arith.constant 0 : i32
    %scan3A_5 = arith.constant 40 : i32
    %scan3A_6 = arith.addi %scan3A, %scan3A_5 : i32
    %scan3A_7 = arith.constant 1 : i32
    scf.for %scan3A_9 = %scan3A to %scan3A_6 step %scan3A_7  : i32 {
      %mul3A_10 = arith.constant 1 : i32
      %mul3A_11 = arith.muli %scan3A_9, %mul3A_10 : i32
      %add3A_12 = arith.constant 0 : i32
      %add3A_13 = arith.addi %add3A_12, %mul3A_11 : i32
      %mul3A_14 = arith.constant 128 : i32
      %mul3A_15 = arith.muli %add3A_13, %mul3A_14 : i32
      %add3A_16 = arith.addi %mul3A_2, %mul3A_15 : i32
      "tpu.region"() ({
        %run_scoped3A = tpu.sem_alloc : memref<!tpu.dma_semaphore, #tpu.memory_space<semaphore_mem>>
        %dma_start3A_34 = arith.constant 0 : i32
        %dma_start3A_35 = tpu.memref_slice %arg3[%add3A_16, %dma_start3A_34] : memref<163840x64xf32, #tpu.memory_space<hbm>> -> memref<128x64xf32, #tpu.memory_space<hbm>>
        %dma_start3A_36 = arith.constant 0 : i32
        %dma_start3A_37 = tpu.memref_slice %arg3[%add3A_16, %dma_start3A_36] : memref<163840x64xf32, #tpu.memory_space<hbm>> -> memref<128x64xf32, #tpu.memory_space<hbm>>
        tpu.enqueue_dma source(%dma_start3A_37 : memref<128x64xf32, #tpu.memory_space<hbm>>) target(%arg7 : memref<128x64xf32, #tpu.memory_space<vmem>>) target_semaphore(%run_scoped3A : memref<!tpu.dma_semaphore, #tpu.memory_space<semaphore_mem>>)
        %dma_wait3A_38 = arith.constant 0 : i32
        %dma_wait3A_39 = tpu.memref_slice %arg3[%add3A_16, %dma_wait3A_38] : memref<163840x64xf32, #tpu.memory_space<hbm>> -> memref<128x64xf32, #tpu.memory_space<hbm>>
        %dma_wait3A_40 = arith.constant 0 : i32
        %dma_wait3A_41 = tpu.memref_slice %arg3[%add3A_16, %dma_wait3A_40] : memref<163840x64xf32, #tpu.memory_space<hbm>> -> memref<128x64xf32, #tpu.memory_space<hbm>>
        tpu.wait_dma2 semaphore(%run_scoped3A : memref<!tpu.dma_semaphore, #tpu.memory_space<semaphore_mem>>) src(%dma_wait3A_41 : memref<128x64xf32, #tpu.memory_space<hbm>>) dst(%arg7 : memref<128x64xf32, #tpu.memory_space<vmem>>)
        tpu.yield
      }) : () -> ()
      %dma_start3A = arith.constant 0 : i32
      %dma_start3A_17 = tpu.memref_slice %arg6[%add3A_13, %dma_start3A] : memref<40x128xi32, #tpu.memory_space<vmem>> -> memref<1x128xi32, #tpu.memory_space<vmem>>
      %dma_start3A_18 = tpu.memref_squeeze %dma_start3A_17 : memref<1x128xi32, #tpu.memory_space<vmem>> -> memref<128xi32, #tpu.memory_space<vmem>>
      %dma_start3A_19 = arith.constant 0 : i32
      %dma_start3A_20 = arith.constant 0 : i32
      %dma_start3A_21 = tpu.memref_slice %arg2[%dma_start3A_19, %dma_start3A_20] : memref<10000x128xf32, #tpu.memory_space<hbm>> -> memref<10000x128xf32, #tpu.memory_space<hbm>>
      tpu.enqueue_indirect_dma source(%dma_start3A_21 : memref<10000x128xf32, #tpu.memory_space<hbm>>) target(%arg8 : memref<128x128xf32, #tpu.memory_space<vmem>>) offsets(%dma_start3A_18 : memref<128xi32, #tpu.memory_space<vmem>>) semaphore(%arg9 : memref<!tpu.dma_semaphore, #tpu.memory_space<semaphore_mem>>)
      %dma_wait3A = arith.constant 0 : i32
      %dma_wait3A_22 = tpu.memref_slice %arg6[%add3A_13, %dma_wait3A] : memref<40x128xi32, #tpu.memory_space<vmem>> -> memref<1x128xi32, #tpu.memory_space<vmem>>
      %dma_wait3A_23 = tpu.memref_squeeze %dma_wait3A_22 : memref<1x128xi32, #tpu.memory_space<vmem>> -> memref<128xi32, #tpu.memory_space<vmem>>
      %dma_wait3A_24 = arith.constant 0 : i32
      %dma_wait3A_25 = arith.constant 0 : i32
      %dma_wait3A_26 = tpu.memref_slice %arg2[%dma_wait3A_24, %dma_wait3A_25] : memref<10000x128xf32, #tpu.memory_space<hbm>> -> memref<10000x128xf32, #tpu.memory_space<hbm>>
      tpu.wait_indirect_dma semaphore(%arg9 : memref<!tpu.dma_semaphore, #tpu.memory_space<semaphore_mem>>) src(%dma_wait3A_26 : memref<10000x128xf32, #tpu.memory_space<hbm>>) dst(%arg8 : memref<128x128xf32, #tpu.memory_space<vmem>>)
      %scan3A_27 = arith.constant 0 : i32
      %scan3A_28 = arith.constant 0 : i32
      %scan3A_29 = arith.constant 128 : i32
      %scan3A_30 = arith.addi %scan3A_28, %scan3A_29 : i32
      %scan3A_31 = arith.constant 1 : i32
      %scan3A_32 = scf.for %scan3A_34 = %scan3A_28 to %scan3A_30 step %scan3A_31 iter_args(%scan3A_35 = %scan3A_27) -> (i32)  : i32 {
        %get3A = arith.index_cast %scan3A_34 : i32 to index
        %get3A_36 = arith.constant 0 : index
        %get3A_37 = tpu.vector_load %arg7[%get3A, %get3A_36] {strides = array<i32>} : memref<128x64xf32, #tpu.memory_space<vmem>>, vector<1x16xf32>,
        %get3A_38 = vector.shape_cast %get3A_37 : vector<1x16xf32> to vector<16xf32>
        %get3A_39 = arith.index_cast %scan3A_34 : i32 to index
        %get3A_40 = arith.constant 0 : index
        %get3A_41 = tpu.vector_load %arg8[%get3A_39, %get3A_40] {strides = array<i32>} : memref<128x128xf32, #tpu.memory_space<vmem>>, vector<1x16xf32>,
        %get3A_42 = vector.shape_cast %get3A_41 : vector<1x16xf32> to vector<16xf32>
        %add3A_43 = arith.addf %get3A_42, %get3A_38 : vector<16xf32>
        %max3A = arith.constant 0.000000e+00 : f32
        %max3A_44 = vector.broadcast %max3A : f32 to vector<16xf32>
        %max3A_45 = arith.maximumf %add3A_43, %max3A_44 : vector<16xf32>
        %add3A_46 = arith.constant 1.000000e-07 : f32
        %add3A_47 = vector.broadcast %add3A_46 : f32 to vector<16xf32>
        %add3A_48 = arith.addf %max3A_45, %add3A_47 : vector<16xf32>
        %swap3A = arith.index_cast %scan3A_34 : i32 to index
        %swap3A_49 = arith.constant 0 : index
        %swap3A_50 = tpu.vector_load %arg8[%swap3A, %swap3A_49] {strides = array<i32>} : memref<128x128xf32, #tpu.memory_space<vmem>>, vector<1x16xf32>,
        %swap3A_51 = vector.shape_cast %swap3A_50 : vector<1x16xf32> to vector<16xf32>
        %swap3A_52 = vector.shape_cast %add3A_48 : vector<16xf32> to vector<1x16xf32>
        tpu.vector_store %arg8[%swap3A, %swap3A_49], %swap3A_52 {strides = array<i32>} : memref<128x128xf32, #tpu.memory_space<vmem>>, vector<1x16xf32>,
        %max3A_53 = arith.constant 0.000000e+00 : f32
        %max3A_54 = vector.broadcast %max3A_53 : f32 to vector<16xf32>
        %max3A_55 = arith.maximumf %get3A_38, %max3A_54 : vector<16xf32>
        %add3A_56 = arith.constant 1.000000e-07 : f32
        %add3A_57 = vector.broadcast %add3A_56 : f32 to vector<16xf32>
        %add3A_58 = arith.addf %max3A_55, %add3A_57 : vector<16xf32>
        %swap3A_59 = arith.index_cast %scan3A_34 : i32 to index
        %swap3A_60 = arith.constant 64 : index
        %swap3A_61 = tpu.vector_load %arg8[%swap3A_59, %swap3A_60] {strides = array<i32>} : memref<128x128xf32, #tpu.memory_space<vmem>>, vector<1x16xf32>,
        %swap3A_62 = vector.shape_cast %swap3A_61 : vector<1x16xf32> to vector<16xf32>
        %swap3A_63 = vector.shape_cast %add3A_58 : vector<16xf32> to vector<1x16xf32>
        tpu.vector_store %arg8[%swap3A_59, %swap3A_60], %swap3A_63 {strides = array<i32>} : memref<128x128xf32, #tpu.memory_space<vmem>>, vector<1x16xf32>,
        %get3A_64 = arith.index_cast %scan3A_34 : i32 to index
        %get3A_65 = arith.constant 16 : index
        %get3A_66 = tpu.vector_load %arg7[%get3A_64, %get3A_65] {strides = array<i32>} : memref<128x64xf32, #tpu.memory_space<vmem>>, vector<1x16xf32>,
        %get3A_67 = vector.shape_cast %get3A_66 : vector<1x16xf32> to vector<16xf32>
        %get3A_68 = arith.index_cast %scan3A_34 : i32 to index
        %get3A_69 = arith.constant 16 : index
        %get3A_70 = tpu.vector_load %arg8[%get3A_68, %get3A_69] {strides = array<i32>} : memref<128x128xf32, #tpu.memory_space<vmem>>, vector<1x16xf32>,
        %get3A_71 = vector.shape_cast %get3A_70 : vector<1x16xf32> to vector<16xf32>
        %add3A_72 = arith.addf %get3A_71, %get3A_67 : vector<16xf32>
        %max3A_73 = arith.constant 0.000000e+00 : f32
        %max3A_74 = vector.broadcast %max3A_73 : f32 to vector<16xf32>
        %max3A_75 = arith.maximumf %add3A_72, %max3A_74 : vector<16xf32>
        %add3A_76 = arith.constant 1.000000e-07 : f32
        %add3A_77 = vector.broadcast %add3A_76 : f32 to vector<16xf32>
        %add3A_78 = arith.addf %max3A_75, %add3A_77 : vector<16xf32>
        %swap3A_79 = arith.index_cast %scan3A_34 : i32 to index
        %swap3A_80 = arith.constant 16 : index
        %swap3A_81 = tpu.vector_load %arg8[%swap3A_79, %swap3A_80] {strides = array<i32>} : memref<128x128xf32, #tpu.memory_space<vmem>>, vector<1x16xf32>,
        %swap3A_82 = vector.shape_cast %swap3A_81 : vector<1x16xf32> to vector<16xf32>
        %swap3A_83 = vector.shape_cast %add3A_78 : vector<16xf32> to vector<1x16xf32>
        tpu.vector_store %arg8[%swap3A_79, %swap3A_80], %swap3A_83 {strides = array<i32>} : memref<128x128xf32, #tpu.memory_space<vmem>>, vector<1x16xf32>,
        %max3A_84 = arith.constant 0.000000e+00 : f32
        %max3A_85 = vector.broadcast %max3A_84 : f32 to vector<16xf32>
        %max3A_86 = arith.maximumf %get3A_67, %max3A_85 : vector<16xf32>
        %add3A_87 = arith.constant 1.000000e-07 : f32
        %add3A_88 = vector.broadcast %add3A_87 : f32 to vector<16xf32>
        %add3A_89 = arith.addf %max3A_86, %add3A_88 : vector<16xf32>
        %swap3A_90 = arith.index_cast %scan3A_34 : i32 to index
        %swap3A_91 = arith.constant 80 : index
        %swap3A_92 = tpu.vector_load %arg8[%swap3A_90, %swap3A_91] {strides = array<i32>} : memref<128x128xf32, #tpu.memory_space<vmem>>, vector<1x16xf32>,
        %swap3A_93 = vector.shape_cast %swap3A_92 : vector<1x16xf32> to vector<16xf32>
        %swap3A_94 = vector.shape_cast %add3A_89 : vector<16xf32> to vector<1x16xf32>
        tpu.vector_store %arg8[%swap3A_90, %swap3A_91], %swap3A_94 {strides = array<i32>} : memref<128x128xf32, #tpu.memory_space<vmem>>, vector<1x16xf32>,
        %get3A_95 = arith.index_cast %scan3A_34 : i32 to index
        %get3A_96 = arith.constant 32 : index
        %get3A_97 = tpu.vector_load %arg7[%get3A_95, %get3A_96] {strides = array<i32>} : memref<128x64xf32, #tpu.memory_space<vmem>>, vector<1x16xf32>,
        %get3A_98 = vector.shape_cast %get3A_97 : vector<1x16xf32> to vector<16xf32>
        %get3A_99 = arith.index_cast %scan3A_34 : i32 to index
        %get3A_100 = arith.constant 32 : index
        %get3A_101 = tpu.vector_load %arg8[%get3A_99, %get3A_100] {strides = array<i32>} : memref<128x128xf32, #tpu.memory_space<vmem>>, vector<1x16xf32>,
        %get3A_102 = vector.shape_cast %get3A_101 : vector<1x16xf32> to vector<16xf32>
        %add3A_103 = arith.addf %get3A_102, %get3A_98 : vector<16xf32>
        %max3A_104 = arith.constant 0.000000e+00 : f32
        %max3A_105 = vector.broadcast %max3A_104 : f32 to vector<16xf32>
        %max3A_106 = arith.maximumf %add3A_103, %max3A_105 : vector<16xf32>
        %add3A_107 = arith.constant 1.000000e-07 : f32
        %add3A_108 = vector.broadcast %add3A_107 : f32 to vector<16xf32>
        %add3A_109 = arith.addf %max3A_106, %add3A_108 : vector<16xf32>
        %swap3A_110 = arith.index_cast %scan3A_34 : i32 to index
        %swap3A_111 = arith.constant 32 : index
        %swap3A_112 = tpu.vector_load %arg8[%swap3A_110, %swap3A_111] {strides = array<i32>} : memref<128x128xf32, #tpu.memory_space<vmem>>, vector<1x16xf32>,
        %swap3A_113 = vector.shape_cast %swap3A_112 : vector<1x16xf32> to vector<16xf32>
        %swap3A_114 = vector.shape_cast %add3A_109 : vector<16xf32> to vector<1x16xf32>
        tpu.vector_store %arg8[%swap3A_110, %swap3A_111], %swap3A_114 {strides = array<i32>} : memref<128x128xf32, #tpu.memory_space<vmem>>, vector<1x16xf32>,
        %max3A_115 = arith.constant 0.000000e+00 : f32
        %max3A_116 = vector.broadcast %max3A_115 : f32 to vector<16xf32>
        %max3A_117 = arith.maximumf %get3A_98, %max3A_116 : vector<16xf32>
        %add3A_118 = arith.constant 1.000000e-07 : f32
        %add3A_119 = vector.broadcast %add3A_118 : f32 to vector<16xf32>
        %add3A_120 = arith.addf %max3A_117, %add3A_119 : vector<16xf32>
        %swap3A_121 = arith.index_cast %scan3A_34 : i32 to index
        %swap3A_122 = arith.constant 96 : index
        %swap3A_123 = tpu.vector_load %arg8[%swap3A_121, %swap3A_122] {strides = array<i32>} : memref<128x128xf32, #tpu.memory_space<vmem>>, vector<1x16xf32>,
        %swap3A_124 = vector.shape_cast %swap3A_123 : vector<1x16xf32> to vector<16xf32>
        %swap3A_125 = vector.shape_cast %add3A_120 : vector<16xf32> to vector<1x16xf32>
        tpu.vector_store %arg8[%swap3A_121, %swap3A_122], %swap3A_125 {strides = array<i32>} : memref<128x128xf32, #tpu.memory_space<vmem>>, vector<1x16xf32>,
        %get3A_126 = arith.index_cast %scan3A_34 : i32 to index
        %get3A_127 = arith.constant 48 : index
        %get3A_128 = tpu.vector_load %arg7[%get3A_126, %get3A_127] {strides = array<i32>} : memref<128x64xf32, #tpu.memory_space<vmem>>, vector<1x16xf32>,
        %get3A_129 = vector.shape_cast %get3A_128 : vector<1x16xf32> to vector<16xf32>
        %get3A_130 = arith.index_cast %scan3A_34 : i32 to index
        %get3A_131 = arith.constant 48 : index
        %get3A_132 = tpu.vector_load %arg8[%get3A_130, %get3A_131] {strides = array<i32>} : memref<128x128xf32, #tpu.memory_space<vmem>>, vector<1x16xf32>,
        %get3A_133 = vector.shape_cast %get3A_132 : vector<1x16xf32> to vector<16xf32>
        %add3A_134 = arith.addf %get3A_133, %get3A_129 : vector<16xf32>
        %max3A_135 = arith.constant 0.000000e+00 : f32
        %max3A_136 = vector.broadcast %max3A_135 : f32 to vector<16xf32>
        %max3A_137 = arith.maximumf %add3A_134, %max3A_136 : vector<16xf32>
        %add3A_138 = arith.constant 1.000000e-07 : f32
        %add3A_139 = vector.broadcast %add3A_138 : f32 to vector<16xf32>
        %add3A_140 = arith.addf %max3A_137, %add3A_139 : vector<16xf32>
        %swap3A_141 = arith.index_cast %scan3A_34 : i32 to index
        %swap3A_142 = arith.constant 48 : index
        %swap3A_143 = tpu.vector_load %arg8[%swap3A_141, %swap3A_142] {strides = array<i32>} : memref<128x128xf32, #tpu.memory_space<vmem>>, vector<1x16xf32>,
        %swap3A_144 = vector.shape_cast %swap3A_143 : vector<1x16xf32> to vector<16xf32>
        %swap3A_145 = vector.shape_cast %add3A_140 : vector<16xf32> to vector<1x16xf32>
        tpu.vector_store %arg8[%swap3A_141, %swap3A_142], %swap3A_145 {strides = array<i32>} : memref<128x128xf32, #tpu.memory_space<vmem>>, vector<1x16xf32>,
        %max3A_146 = arith.constant 0.000000e+00 : f32
        %max3A_147 = vector.broadcast %max3A_146 : f32 to vector<16xf32>
        %max3A_148 = arith.maximumf %get3A_129, %max3A_147 : vector<16xf32>
        %add3A_149 = arith.constant 1.000000e-07 : f32
        %add3A_150 = vector.broadcast %add3A_149 : f32 to vector<16xf32>
        %add3A_151 = arith.addf %max3A_148, %add3A_150 : vector<16xf32>
        %swap3A_152 = arith.index_cast %scan3A_34 : i32 to index
        %swap3A_153 = arith.constant 112 : index
        %swap3A_154 = tpu.vector_load %arg8[%swap3A_152, %swap3A_153] {strides = array<i32>} : memref<128x128xf32, #tpu.memory_space<vmem>>, vector<1x16xf32>,
        %swap3A_155 = vector.shape_cast %swap3A_154 : vector<1x16xf32> to vector<16xf32>
        %swap3A_156 = vector.shape_cast %add3A_151 : vector<16xf32> to vector<1x16xf32>
        tpu.vector_store %arg8[%swap3A_152, %swap3A_153], %swap3A_156 {strides = array<i32>} : memref<128x128xf32, #tpu.memory_space<vmem>>, vector<1x16xf32>,
        %scan3A_157 = arith.constant 0 : i32
        scf.yield %scan3A_157 : i32
      }
      %scan3A_33 = arith.constant 128 : i32
      "tpu.region"() ({
        %run_scoped3A = tpu.sem_alloc : memref<!tpu.dma_semaphore, #tpu.memory_space<semaphore_mem>>
        %dma_start3A_34 = arith.constant 0 : i32
        %dma_start3A_35 = tpu.memref_slice %arg5[%add3A_16, %dma_start3A_34] : memref<163840x128xf32, #tpu.memory_space<hbm>> -> memref<128x128xf32, #tpu.memory_space<hbm>>
        %dma_start3A_36 = arith.constant 0 : i32
        %dma_start3A_37 = tpu.memref_slice %arg5[%add3A_16, %dma_start3A_36] : memref<163840x128xf32, #tpu.memory_space<hbm>> -> memref<128x128xf32, #tpu.memory_space<hbm>>
        tpu.enqueue_dma source(%arg8 : memref<128x128xf32, #tpu.memory_space<vmem>>) target(%dma_start3A_37 : memref<128x128xf32, #tpu.memory_space<hbm>>) target_semaphore(%run_scoped3A : memref<!tpu.dma_semaphore, #tpu.memory_space<semaphore_mem>>)
        %dma_wait3A_38 = arith.constant 0 : i32
        %dma_wait3A_39 = tpu.memref_slice %arg5[%add3A_16, %dma_wait3A_38] : memref<163840x128xf32, #tpu.memory_space<hbm>> -> memref<128x128xf32, #tpu.memory_space<hbm>>
        %dma_wait3A_40 = arith.constant 0 : i32
        %dma_wait3A_41 = tpu.memref_slice %arg5[%add3A_16, %dma_wait3A_40] : memref<163840x128xf32, #tpu.memory_space<hbm>> -> memref<128x128xf32, #tpu.memory_space<hbm>>
        tpu.wait_dma2 semaphore(%run_scoped3A : memref<!tpu.dma_semaphore, #tpu.memory_space<semaphore_mem>>) src(%arg8 : memref<128x128xf32, #tpu.memory_space<vmem>>) dst(%dma_wait3A_41 : memref<128x128xf32, #tpu.memory_space<hbm>>)
        tpu.yield
      }) : () -> ()
    }
    %scan3A_8 = arith.constant 40 : i32
    return
  }
}

#map = affine_map<(d0, d1) -> (0, 0)>
module attributes {stable_mosaic.version = 14 : i64} {
  func.func @k(%arg0: i32, %arg1: i32, %arg2: memref<10000x128xf32, #tpu.memory_space<hbm>>, %arg3: memref<163840x64xf32, #tpu.memory_space<hbm>>, %arg4: memref<1280x128xi32, #tpu.memory_space<hbm>>, %arg5: memref<163840x128xf32, #tpu.memory_space<hbm>>, %arg6: memref<40x128xi32, #tpu.memory_space<vmem>>, %arg7: memref<128x64xf32, #tpu.memory_space<vmem>>, %arg8: memref<128x128xf32, #tpu.memory_space<vmem>>, %arg9: memref<!tpu.dma_semaphore, #tpu.memory_space<semaphore_mem>>) attributes {dimension_semantics = [#tpu.dimension_semantics<core_parallel>, #tpu.dimension_semantics<subcore_parallel>], iteration_bounds = array<i64: 2, 16>, scalar_prefetch = 0 : i64, scratch_operands = 4 : i64, tpu.core_type = #tpu.core_type<sc_vector_subcore>, window_params = [{transform_indices = #map}, {transform_indices = #map}, {transform_indices = #map}, {transform_indices = #map}]} {
    %mul3A = arith.constant 16 : i32
    %mul3A_0 = arith.muli %arg0, %mul3A : i32
    %add3A = arith.addi %mul3A_0, %arg1 : i32
    %mul3A_1 = arith.constant 5120 : i32
    %mul3A_2 = arith.muli %add3A, %mul3A_1 : i32
    %mul3A_3 = arith.constant 40 : i32
    %mul3A_4 = arith.muli %add3A, %mul3A_3 : i32
    "tpu.region"() ({
      %run_scoped3A = tpu.sem_alloc : memref<!tpu.dma_semaphore, #tpu.memory_space<semaphore_mem>>
      %dma_start3A = arith.constant 0 : i32
      %dma_start3A_9 = tpu.memref_slice %arg4[%mul3A_4, %dma_start3A] : memref<1280x128xi32, #tpu.memory_space<hbm>> -> memref<40x128xi32, #tpu.memory_space<hbm>>
      %dma_start3A_10 = arith.constant 0 : i32
      %dma_start3A_11 = tpu.memref_slice %arg4[%mul3A_4, %dma_start3A_10] : memref<1280x128xi32, #tpu.memory_space<hbm>> -> memref<40x128xi32, #tpu.memory_space<hbm>>
      tpu.enqueue_dma source(%dma_start3A_11 : memref<40x128xi32, #tpu.memory_space<hbm>>) target(%arg6 : memref<40x128xi32, #tpu.memory_space<vmem>>) target_semaphore(%run_scoped3A : memref<!tpu.dma_semaphore, #tpu.memory_space<semaphore_mem>>)
      %dma_wait3A = arith.constant 0 : i32
      %dma_wait3A_12 = tpu.memref_slice %arg4[%mul3A_4, %dma_wait3A] : memref<1280x128xi32, #tpu.memory_space<hbm>> -> memref<40x128xi32, #tpu.memory_space<hbm>>
      %dma_wait3A_13 = arith.constant 0 : i32
      %dma_wait3A_14 = tpu.memref_slice %arg4[%mul3A_4, %dma_wait3A_13] : memref<1280x128xi32, #tpu.memory_space<hbm>> -> memref<40x128xi32, #tpu.memory_space<hbm>>
      tpu.wait_dma2 semaphore(%run_scoped3A : memref<!tpu.dma_semaphore, #tpu.memory_space<semaphore_mem>>) src(%dma_wait3A_14 : memref<40x128xi32, #tpu.memory_space<hbm>>) dst(%arg6 : memref<40x128xi32, #tpu.memory_space<vmem>>)
      tpu.yield
    }) : () -> ()
    %scan3A = arith.constant 0 : i32
    %scan3A_5 = arith.constant 40 : i32
    %scan3A_6 = arith.addi %scan3A, %scan3A_5 : i32
    %scan3A_7 = arith.constant 1 : i32
    scf.for %scan3A_9 = %scan3A to %scan3A_6 step %scan3A_7  : i32 {
      %mul3A_10 = arith.constant 1 : i32
      %mul3A_11 = arith.muli %scan3A_9, %mul3A_10 : i32
      %add3A_12 = arith.constant 0 : i32
      %add3A_13 = arith.addi %add3A_12, %mul3A_11 : i32
      %mul3A_14 = arith.constant 128 : i32
      %mul3A_15 = arith.muli %add3A_13, %mul3A_14 : i32
      %add3A_16 = arith.addi %mul3A_2, %mul3A_15 : i32
      "tpu.region"() ({
        %run_scoped3A = tpu.sem_alloc : memref<!tpu.dma_semaphore, #tpu.memory_space<semaphore_mem>>
        %dma_start3A_34 = arith.constant 0 : i32
        %dma_start3A_35 = tpu.memref_slice %arg3[%add3A_16, %dma_start3A_34] : memref<163840x64xf32, #tpu.memory_space<hbm>> -> memref<128x64xf32, #tpu.memory_space<hbm>>
        %dma_start3A_36 = arith.constant 0 : i32
        %dma_start3A_37 = tpu.memref_slice %arg3[%add3A_16, %dma_start3A_36] : memref<163840x64xf32, #tpu.memory_space<hbm>> -> memref<128x64xf32, #tpu.memory_space<hbm>>
        tpu.enqueue_dma source(%dma_start3A_37 : memref<128x64xf32, #tpu.memory_space<hbm>>) target(%arg7 : memref<128x64xf32, #tpu.memory_space<vmem>>) target_semaphore(%run_scoped3A : memref<!tpu.dma_semaphore, #tpu.memory_space<semaphore_mem>>)
        %dma_wait3A_38 = arith.constant 0 : i32
        %dma_wait3A_39 = tpu.memref_slice %arg3[%add3A_16, %dma_wait3A_38] : memref<163840x64xf32, #tpu.memory_space<hbm>> -> memref<128x64xf32, #tpu.memory_space<hbm>>
        %dma_wait3A_40 = arith.constant 0 : i32
        %dma_wait3A_41 = tpu.memref_slice %arg3[%add3A_16, %dma_wait3A_40] : memref<163840x64xf32, #tpu.memory_space<hbm>> -> memref<128x64xf32, #tpu.memory_space<hbm>>
        tpu.wait_dma2 semaphore(%run_scoped3A : memref<!tpu.dma_semaphore, #tpu.memory_space<semaphore_mem>>) src(%dma_wait3A_41 : memref<128x64xf32, #tpu.memory_space<hbm>>) dst(%arg7 : memref<128x64xf32, #tpu.memory_space<vmem>>)
        tpu.yield
      }) : () -> ()
      %dma_start3A = arith.constant 0 : i32
      %dma_start3A_17 = tpu.memref_slice %arg6[%add3A_13, %dma_start3A] : memref<40x128xi32, #tpu.memory_space<vmem>> -> memref<1x128xi32, #tpu.memory_space<vmem>>
      %dma_start3A_18 = tpu.memref_squeeze %dma_start3A_17 : memref<1x128xi32, #tpu.memory_space<vmem>> -> memref<128xi32, #tpu.memory_space<vmem>>
      %dma_start3A_19 = arith.constant 0 : i32
      %dma_start3A_20 = arith.constant 0 : i32
      %dma_start3A_21 = tpu.memref_slice %arg2[%dma_start3A_19, %dma_start3A_20] : memref<10000x128xf32, #tpu.memory_space<hbm>> -> memref<10000x128xf32, #tpu.memory_space<hbm>>
      tpu.enqueue_indirect_dma source(%dma_start3A_21 : memref<10000x128xf32, #tpu.memory_space<hbm>>) target(%arg8 : memref<128x128xf32, #tpu.memory_space<vmem>>) offsets(%dma_start3A_18 : memref<128xi32, #tpu.memory_space<vmem>>) semaphore(%arg9 : memref<!tpu.dma_semaphore, #tpu.memory_space<semaphore_mem>>)
      %dma_wait3A = arith.constant 0 : i32
      %dma_wait3A_22 = tpu.memref_slice %arg6[%add3A_13, %dma_wait3A] : memref<40x128xi32, #tpu.memory_space<vmem>> -> memref<1x128xi32, #tpu.memory_space<vmem>>
      %dma_wait3A_23 = tpu.memref_squeeze %dma_wait3A_22 : memref<1x128xi32, #tpu.memory_space<vmem>> -> memref<128xi32, #tpu.memory_space<vmem>>
      %dma_wait3A_24 = arith.constant 0 : i32
      %dma_wait3A_25 = arith.constant 0 : i32
      %dma_wait3A_26 = tpu.memref_slice %arg2[%dma_wait3A_24, %dma_wait3A_25] : memref<10000x128xf32, #tpu.memory_space<hbm>> -> memref<10000x128xf32, #tpu.memory_space<hbm>>
      tpu.wait_indirect_dma semaphore(%arg9 : memref<!tpu.dma_semaphore, #tpu.memory_space<semaphore_mem>>) src(%dma_wait3A_26 : memref<10000x128xf32, #tpu.memory_space<hbm>>) dst(%arg8 : memref<128x128xf32, #tpu.memory_space<vmem>>)
      %scan3A_27 = arith.constant 0 : i32
      %scan3A_28 = arith.constant 0 : i32
      %scan3A_29 = arith.constant 128 : i32
      %scan3A_30 = arith.addi %scan3A_28, %scan3A_29 : i32
      %scan3A_31 = arith.constant 1 : i32
      %scan3A_32 = scf.for %scan3A_34 = %scan3A_28 to %scan3A_30 step %scan3A_31 iter_args(%scan3A_35 = %scan3A_27) -> (i32)  : i32 {
        %get3A = arith.index_cast %scan3A_34 : i32 to index
        %get3A_36 = arith.constant 0 : index
        %get3A_37 = tpu.vector_load %arg7[%get3A, %get3A_36] {strides = array<i32>} : memref<128x64xf32, #tpu.memory_space<vmem>>, vector<1x16xf32>,
        %get3A_38 = vector.shape_cast %get3A_37 : vector<1x16xf32> to vector<16xf32>
        %get3A_39 = arith.index_cast %scan3A_34 : i32 to index
        %get3A_40 = arith.constant 64 : index
        %get3A_41 = tpu.vector_load %arg8[%get3A_39, %get3A_40] {strides = array<i32>} : memref<128x128xf32, #tpu.memory_space<vmem>>, vector<1x16xf32>,
        %get3A_42 = vector.shape_cast %get3A_41 : vector<1x16xf32> to vector<16xf32>
        %add3A_43 = arith.addf %get3A_38, %get3A_42 : vector<16xf32>
        %get3A_44 = arith.index_cast %scan3A_34 : i32 to index
        %get3A_45 = arith.constant 0 : index
        %get3A_46 = tpu.vector_load %arg8[%get3A_44, %get3A_45] {strides = array<i32>} : memref<128x128xf32, #tpu.memory_space<vmem>>, vector<1x16xf32>,
        %get3A_47 = vector.shape_cast %get3A_46 : vector<1x16xf32> to vector<16xf32>
        %add3A_48 = arith.addf %get3A_47, %add3A_43 : vector<16xf32>
        %max3A = arith.constant 0.000000e+00 : f32
        %max3A_49 = vector.broadcast %max3A : f32 to vector<16xf32>
        %max3A_50 = arith.maximumf %add3A_48, %max3A_49 : vector<16xf32>
        %add3A_51 = arith.constant 1.000000e-07 : f32
        %add3A_52 = vector.broadcast %add3A_51 : f32 to vector<16xf32>
        %add3A_53 = arith.addf %max3A_50, %add3A_52 : vector<16xf32>
        %swap3A = arith.index_cast %scan3A_34 : i32 to index
        %swap3A_54 = arith.constant 0 : index
        %swap3A_55 = tpu.vector_load %arg8[%swap3A, %swap3A_54] {strides = array<i32>} : memref<128x128xf32, #tpu.memory_space<vmem>>, vector<1x16xf32>,
        %swap3A_56 = vector.shape_cast %swap3A_55 : vector<1x16xf32> to vector<16xf32>
        %swap3A_57 = vector.shape_cast %add3A_53 : vector<16xf32> to vector<1x16xf32>
        tpu.vector_store %arg8[%swap3A, %swap3A_54], %swap3A_57 {strides = array<i32>} : memref<128x128xf32, #tpu.memory_space<vmem>>, vector<1x16xf32>,
        %max3A_58 = arith.constant 0.000000e+00 : f32
        %max3A_59 = vector.broadcast %max3A_58 : f32 to vector<16xf32>
        %max3A_60 = arith.maximumf %add3A_43, %max3A_59 : vector<16xf32>
        %add3A_61 = arith.constant 1.000000e-07 : f32
        %add3A_62 = vector.broadcast %add3A_61 : f32 to vector<16xf32>
        %add3A_63 = arith.addf %max3A_60, %add3A_62 : vector<16xf32>
        %swap3A_64 = arith.index_cast %scan3A_34 : i32 to index
        %swap3A_65 = arith.constant 64 : index
        %swap3A_66 = tpu.vector_load %arg8[%swap3A_64, %swap3A_65] {strides = array<i32>} : memref<128x128xf32, #tpu.memory_space<vmem>>, vector<1x16xf32>,
        %swap3A_67 = vector.shape_cast %swap3A_66 : vector<1x16xf32> to vector<16xf32>
        %swap3A_68 = vector.shape_cast %add3A_63 : vector<16xf32> to vector<1x16xf32>
        tpu.vector_store %arg8[%swap3A_64, %swap3A_65], %swap3A_68 {strides = array<i32>} : memref<128x128xf32, #tpu.memory_space<vmem>>, vector<1x16xf32>,
        %get3A_69 = arith.index_cast %scan3A_34 : i32 to index
        %get3A_70 = arith.constant 16 : index
        %get3A_71 = tpu.vector_load %arg7[%get3A_69, %get3A_70] {strides = array<i32>} : memref<128x64xf32, #tpu.memory_space<vmem>>, vector<1x16xf32>,
        %get3A_72 = vector.shape_cast %get3A_71 : vector<1x16xf32> to vector<16xf32>
        %get3A_73 = arith.index_cast %scan3A_34 : i32 to index
        %get3A_74 = arith.constant 80 : index
        %get3A_75 = tpu.vector_load %arg8[%get3A_73, %get3A_74] {strides = array<i32>} : memref<128x128xf32, #tpu.memory_space<vmem>>, vector<1x16xf32>,
        %get3A_76 = vector.shape_cast %get3A_75 : vector<1x16xf32> to vector<16xf32>
        %add3A_77 = arith.addf %get3A_72, %get3A_76 : vector<16xf32>
        %get3A_78 = arith.index_cast %scan3A_34 : i32 to index
        %get3A_79 = arith.constant 16 : index
        %get3A_80 = tpu.vector_load %arg8[%get3A_78, %get3A_79] {strides = array<i32>} : memref<128x128xf32, #tpu.memory_space<vmem>>, vector<1x16xf32>,
        %get3A_81 = vector.shape_cast %get3A_80 : vector<1x16xf32> to vector<16xf32>
        %add3A_82 = arith.addf %get3A_81, %add3A_77 : vector<16xf32>
        %max3A_83 = arith.constant 0.000000e+00 : f32
        %max3A_84 = vector.broadcast %max3A_83 : f32 to vector<16xf32>
        %max3A_85 = arith.maximumf %add3A_82, %max3A_84 : vector<16xf32>
        %add3A_86 = arith.constant 1.000000e-07 : f32
        %add3A_87 = vector.broadcast %add3A_86 : f32 to vector<16xf32>
        %add3A_88 = arith.addf %max3A_85, %add3A_87 : vector<16xf32>
        %swap3A_89 = arith.index_cast %scan3A_34 : i32 to index
        %swap3A_90 = arith.constant 16 : index
        %swap3A_91 = tpu.vector_load %arg8[%swap3A_89, %swap3A_90] {strides = array<i32>} : memref<128x128xf32, #tpu.memory_space<vmem>>, vector<1x16xf32>,
        %swap3A_92 = vector.shape_cast %swap3A_91 : vector<1x16xf32> to vector<16xf32>
        %swap3A_93 = vector.shape_cast %add3A_88 : vector<16xf32> to vector<1x16xf32>
        tpu.vector_store %arg8[%swap3A_89, %swap3A_90], %swap3A_93 {strides = array<i32>} : memref<128x128xf32, #tpu.memory_space<vmem>>, vector<1x16xf32>,
        %max3A_94 = arith.constant 0.000000e+00 : f32
        %max3A_95 = vector.broadcast %max3A_94 : f32 to vector<16xf32>
        %max3A_96 = arith.maximumf %add3A_77, %max3A_95 : vector<16xf32>
        %add3A_97 = arith.constant 1.000000e-07 : f32
        %add3A_98 = vector.broadcast %add3A_97 : f32 to vector<16xf32>
        %add3A_99 = arith.addf %max3A_96, %add3A_98 : vector<16xf32>
        %swap3A_100 = arith.index_cast %scan3A_34 : i32 to index
        %swap3A_101 = arith.constant 80 : index
        %swap3A_102 = tpu.vector_load %arg8[%swap3A_100, %swap3A_101] {strides = array<i32>} : memref<128x128xf32, #tpu.memory_space<vmem>>, vector<1x16xf32>,
        %swap3A_103 = vector.shape_cast %swap3A_102 : vector<1x16xf32> to vector<16xf32>
        %swap3A_104 = vector.shape_cast %add3A_99 : vector<16xf32> to vector<1x16xf32>
        tpu.vector_store %arg8[%swap3A_100, %swap3A_101], %swap3A_104 {strides = array<i32>} : memref<128x128xf32, #tpu.memory_space<vmem>>, vector<1x16xf32>,
        %get3A_105 = arith.index_cast %scan3A_34 : i32 to index
        %get3A_106 = arith.constant 32 : index
        %get3A_107 = tpu.vector_load %arg7[%get3A_105, %get3A_106] {strides = array<i32>} : memref<128x64xf32, #tpu.memory_space<vmem>>, vector<1x16xf32>,
        %get3A_108 = vector.shape_cast %get3A_107 : vector<1x16xf32> to vector<16xf32>
        %get3A_109 = arith.index_cast %scan3A_34 : i32 to index
        %get3A_110 = arith.constant 96 : index
        %get3A_111 = tpu.vector_load %arg8[%get3A_109, %get3A_110] {strides = array<i32>} : memref<128x128xf32, #tpu.memory_space<vmem>>, vector<1x16xf32>,
        %get3A_112 = vector.shape_cast %get3A_111 : vector<1x16xf32> to vector<16xf32>
        %add3A_113 = arith.addf %get3A_108, %get3A_112 : vector<16xf32>
        %get3A_114 = arith.index_cast %scan3A_34 : i32 to index
        %get3A_115 = arith.constant 32 : index
        %get3A_116 = tpu.vector_load %arg8[%get3A_114, %get3A_115] {strides = array<i32>} : memref<128x128xf32, #tpu.memory_space<vmem>>, vector<1x16xf32>,
        %get3A_117 = vector.shape_cast %get3A_116 : vector<1x16xf32> to vector<16xf32>
        %add3A_118 = arith.addf %get3A_117, %add3A_113 : vector<16xf32>
        %max3A_119 = arith.constant 0.000000e+00 : f32
        %max3A_120 = vector.broadcast %max3A_119 : f32 to vector<16xf32>
        %max3A_121 = arith.maximumf %add3A_118, %max3A_120 : vector<16xf32>
        %add3A_122 = arith.constant 1.000000e-07 : f32
        %add3A_123 = vector.broadcast %add3A_122 : f32 to vector<16xf32>
        %add3A_124 = arith.addf %max3A_121, %add3A_123 : vector<16xf32>
        %swap3A_125 = arith.index_cast %scan3A_34 : i32 to index
        %swap3A_126 = arith.constant 32 : index
        %swap3A_127 = tpu.vector_load %arg8[%swap3A_125, %swap3A_126] {strides = array<i32>} : memref<128x128xf32, #tpu.memory_space<vmem>>, vector<1x16xf32>,
        %swap3A_128 = vector.shape_cast %swap3A_127 : vector<1x16xf32> to vector<16xf32>
        %swap3A_129 = vector.shape_cast %add3A_124 : vector<16xf32> to vector<1x16xf32>
        tpu.vector_store %arg8[%swap3A_125, %swap3A_126], %swap3A_129 {strides = array<i32>} : memref<128x128xf32, #tpu.memory_space<vmem>>, vector<1x16xf32>,
        %max3A_130 = arith.constant 0.000000e+00 : f32
        %max3A_131 = vector.broadcast %max3A_130 : f32 to vector<16xf32>
        %max3A_132 = arith.maximumf %add3A_113, %max3A_131 : vector<16xf32>
        %add3A_133 = arith.constant 1.000000e-07 : f32
        %add3A_134 = vector.broadcast %add3A_133 : f32 to vector<16xf32>
        %add3A_135 = arith.addf %max3A_132, %add3A_134 : vector<16xf32>
        %swap3A_136 = arith.index_cast %scan3A_34 : i32 to index
        %swap3A_137 = arith.constant 96 : index
        %swap3A_138 = tpu.vector_load %arg8[%swap3A_136, %swap3A_137] {strides = array<i32>} : memref<128x128xf32, #tpu.memory_space<vmem>>, vector<1x16xf32>,
        %swap3A_139 = vector.shape_cast %swap3A_138 : vector<1x16xf32> to vector<16xf32>
        %swap3A_140 = vector.shape_cast %add3A_135 : vector<16xf32> to vector<1x16xf32>
        tpu.vector_store %arg8[%swap3A_136, %swap3A_137], %swap3A_140 {strides = array<i32>} : memref<128x128xf32, #tpu.memory_space<vmem>>, vector<1x16xf32>,
        %get3A_141 = arith.index_cast %scan3A_34 : i32 to index
        %get3A_142 = arith.constant 48 : index
        %get3A_143 = tpu.vector_load %arg7[%get3A_141, %get3A_142] {strides = array<i32>} : memref<128x64xf32, #tpu.memory_space<vmem>>, vector<1x16xf32>,
        %get3A_144 = vector.shape_cast %get3A_143 : vector<1x16xf32> to vector<16xf32>
        %get3A_145 = arith.index_cast %scan3A_34 : i32 to index
        %get3A_146 = arith.constant 112 : index
        %get3A_147 = tpu.vector_load %arg8[%get3A_145, %get3A_146] {strides = array<i32>} : memref<128x128xf32, #tpu.memory_space<vmem>>, vector<1x16xf32>,
        %get3A_148 = vector.shape_cast %get3A_147 : vector<1x16xf32> to vector<16xf32>
        %add3A_149 = arith.addf %get3A_144, %get3A_148 : vector<16xf32>
        %get3A_150 = arith.index_cast %scan3A_34 : i32 to index
        %get3A_151 = arith.constant 48 : index
        %get3A_152 = tpu.vector_load %arg8[%get3A_150, %get3A_151] {strides = array<i32>} : memref<128x128xf32, #tpu.memory_space<vmem>>, vector<1x16xf32>,
        %get3A_153 = vector.shape_cast %get3A_152 : vector<1x16xf32> to vector<16xf32>
        %add3A_154 = arith.addf %get3A_153, %add3A_149 : vector<16xf32>
        %max3A_155 = arith.constant 0.000000e+00 : f32
        %max3A_156 = vector.broadcast %max3A_155 : f32 to vector<16xf32>
        %max3A_157 = arith.maximumf %add3A_154, %max3A_156 : vector<16xf32>
        %add3A_158 = arith.constant 1.000000e-07 : f32
        %add3A_159 = vector.broadcast %add3A_158 : f32 to vector<16xf32>
        %add3A_160 = arith.addf %max3A_157, %add3A_159 : vector<16xf32>
        %swap3A_161 = arith.index_cast %scan3A_34 : i32 to index
        %swap3A_162 = arith.constant 48 : index
        %swap3A_163 = tpu.vector_load %arg8[%swap3A_161, %swap3A_162] {strides = array<i32>} : memref<128x128xf32, #tpu.memory_space<vmem>>, vector<1x16xf32>,
        %swap3A_164 = vector.shape_cast %swap3A_163 : vector<1x16xf32> to vector<16xf32>
        %swap3A_165 = vector.shape_cast %add3A_160 : vector<16xf32> to vector<1x16xf32>
        tpu.vector_store %arg8[%swap3A_161, %swap3A_162], %swap3A_165 {strides = array<i32>} : memref<128x128xf32, #tpu.memory_space<vmem>>, vector<1x16xf32>,
        %max3A_166 = arith.constant 0.000000e+00 : f32
        %max3A_167 = vector.broadcast %max3A_166 : f32 to vector<16xf32>
        %max3A_168 = arith.maximumf %add3A_149, %max3A_167 : vector<16xf32>
        %add3A_169 = arith.constant 1.000000e-07 : f32
        %add3A_170 = vector.broadcast %add3A_169 : f32 to vector<16xf32>
        %add3A_171 = arith.addf %max3A_168, %add3A_170 : vector<16xf32>
        %swap3A_172 = arith.index_cast %scan3A_34 : i32 to index
        %swap3A_173 = arith.constant 112 : index
        %swap3A_174 = tpu.vector_load %arg8[%swap3A_172, %swap3A_173] {strides = array<i32>} : memref<128x128xf32, #tpu.memory_space<vmem>>, vector<1x16xf32>,
        %swap3A_175 = vector.shape_cast %swap3A_174 : vector<1x16xf32> to vector<16xf32>
        %swap3A_176 = vector.shape_cast %add3A_171 : vector<16xf32> to vector<1x16xf32>
        tpu.vector_store %arg8[%swap3A_172, %swap3A_173], %swap3A_176 {strides = array<i32>} : memref<128x128xf32, #tpu.memory_space<vmem>>, vector<1x16xf32>,
        %scan3A_177 = arith.constant 0 : i32
        scf.yield %scan3A_177 : i32
      }
      %scan3A_33 = arith.constant 128 : i32
      "tpu.region"() ({
        %run_scoped3A = tpu.sem_alloc : memref<!tpu.dma_semaphore, #tpu.memory_space<semaphore_mem>>
        %dma_start3A_34 = arith.constant 0 : i32
        %dma_start3A_35 = tpu.memref_slice %arg5[%add3A_16, %dma_start3A_34] : memref<163840x128xf32, #tpu.memory_space<hbm>> -> memref<128x128xf32, #tpu.memory_space<hbm>>
        %dma_start3A_36 = arith.constant 0 : i32
        %dma_start3A_37 = tpu.memref_slice %arg5[%add3A_16, %dma_start3A_36] : memref<163840x128xf32, #tpu.memory_space<hbm>> -> memref<128x128xf32, #tpu.memory_space<hbm>>
        tpu.enqueue_dma source(%arg8 : memref<128x128xf32, #tpu.memory_space<vmem>>) target(%dma_start3A_37 : memref<128x128xf32, #tpu.memory_space<hbm>>) target_semaphore(%run_scoped3A : memref<!tpu.dma_semaphore, #tpu.memory_space<semaphore_mem>>)
        %dma_wait3A_38 = arith.constant 0 : i32
        %dma_wait3A_39 = tpu.memref_slice %arg5[%add3A_16, %dma_wait3A_38] : memref<163840x128xf32, #tpu.memory_space<hbm>> -> memref<128x128xf32, #tpu.memory_space<hbm>>
        %dma_wait3A_40 = arith.constant 0 : i32
        %dma_wait3A_41 = tpu.memref_slice %arg5[%add3A_16, %dma_wait3A_40] : memref<163840x128xf32, #tpu.memory_space<hbm>> -> memref<128x128xf32, #tpu.memory_space<hbm>>
        tpu.wait_dma2 semaphore(%run_scoped3A : memref<!tpu.dma_semaphore, #tpu.memory_space<semaphore_mem>>) src(%arg8 : memref<128x128xf32, #tpu.memory_space<vmem>>) dst(%dma_wait3A_41 : memref<128x128xf32, #tpu.memory_space<hbm>>)
        tpu.yield
      }) : () -> ()
    }
    %scan3A_8 = arith.constant 40 : i32
    return
  }
}

#map = affine_map<(d0, d1) -> (0, 0)>
#map1 = affine_map<(d0, d1) -> (0, 0, 0)>
module attributes {stable_mosaic.version = 14 : i64} {
  func.func @k(%arg0: i32, %arg1: i32, %arg2: memref<163840x128xf32, #tpu.memory_space<hbm>>, %arg3: memref<1280x128xi32, #tpu.memory_space<hbm>>, %arg4: memref<2x5120x128xf32, #tpu.memory_space<hbm>>, %arg5: memref<80x128xi32, #tpu.memory_space<vmem>>, %arg6: memref<128x128xf32, #tpu.memory_space<vmem>>, %arg7: memref<128x128xf32, #tpu.memory_space<vmem>>, %arg8: memref<5120x128xf32, #tpu.memory_space<vmem_shared>>) attributes {dimension_semantics = [#tpu.dimension_semantics<core_parallel>, #tpu.dimension_semantics<subcore_parallel>], iteration_bounds = array<i64: 2, 16>, scalar_prefetch = 0 : i64, scratch_operands = 4 : i64, tpu.core_type = #tpu.core_type<sc_vector_subcore>, window_params = [{transform_indices = #map}, {transform_indices = #map}, {transform_indices = #map1}]} {
    %broadcast_in_dim3A = arith.constant 0.000000e+00 : f32
    %broadcast_in_dim3A_0 = vector.broadcast %broadcast_in_dim3A : f32 to vector<16xf32>
    %scan3A = arith.constant 0 : i32
    %scan3A_1 = arith.constant 0 : i32
    %scan3A_2 = arith.constant 128 : i32
    %scan3A_3 = arith.addi %scan3A_1, %scan3A_2 : i32
    %scan3A_4 = arith.constant 1 : i32
    %scan3A_5 = scf.for %scan3A_38 = %scan3A_1 to %scan3A_3 step %scan3A_4 iter_args(%scan3A_39 = %scan3A) -> (i32)  : i32 {
      %swap3A = arith.index_cast %scan3A_38 : i32 to index
      %swap3A_40 = arith.constant 0 : index
      %swap3A_41 = tpu.vector_load %arg7[%swap3A, %swap3A_40] {strides = array<i32>} : memref<128x128xf32, #tpu.memory_space<vmem>>, vector<1x16xf32>,
      %swap3A_42 = vector.shape_cast %swap3A_41 : vector<1x16xf32> to vector<16xf32>
      %swap3A_43 = vector.shape_cast %broadcast_in_dim3A_0 : vector<16xf32> to vector<1x16xf32>
      tpu.vector_store %arg7[%swap3A, %swap3A_40], %swap3A_43 {strides = array<i32>} : memref<128x128xf32, #tpu.memory_space<vmem>>, vector<1x16xf32>,
      %swap3A_44 = arith.index_cast %scan3A_38 : i32 to index
      %swap3A_45 = arith.constant 16 : index
      %swap3A_46 = tpu.vector_load %arg7[%swap3A_44, %swap3A_45] {strides = array<i32>} : memref<128x128xf32, #tpu.memory_space<vmem>>, vector<1x16xf32>,
      %swap3A_47 = vector.shape_cast %swap3A_46 : vector<1x16xf32> to vector<16xf32>
      %swap3A_48 = vector.shape_cast %broadcast_in_dim3A_0 : vector<16xf32> to vector<1x16xf32>
      tpu.vector_store %arg7[%swap3A_44, %swap3A_45], %swap3A_48 {strides = array<i32>} : memref<128x128xf32, #tpu.memory_space<vmem>>, vector<1x16xf32>,
      %swap3A_49 = arith.index_cast %scan3A_38 : i32 to index
      %swap3A_50 = arith.constant 32 : index
      %swap3A_51 = tpu.vector_load %arg7[%swap3A_49, %swap3A_50] {strides = array<i32>} : memref<128x128xf32, #tpu.memory_space<vmem>>, vector<1x16xf32>,
      %swap3A_52 = vector.shape_cast %swap3A_51 : vector<1x16xf32> to vector<16xf32>
      %swap3A_53 = vector.shape_cast %broadcast_in_dim3A_0 : vector<16xf32> to vector<1x16xf32>
      tpu.vector_store %arg7[%swap3A_49, %swap3A_50], %swap3A_53 {strides = array<i32>} : memref<128x128xf32, #tpu.memory_space<vmem>>, vector<1x16xf32>,
      %swap3A_54 = arith.index_cast %scan3A_38 : i32 to index
      %swap3A_55 = arith.constant 48 : index
      %swap3A_56 = tpu.vector_load %arg7[%swap3A_54, %swap3A_55] {strides = array<i32>} : memref<128x128xf32, #tpu.memory_space<vmem>>, vector<1x16xf32>,
      %swap3A_57 = vector.shape_cast %swap3A_56 : vector<1x16xf32> to vector<16xf32>
      %swap3A_58 = vector.shape_cast %broadcast_in_dim3A_0 : vector<16xf32> to vector<1x16xf32>
      tpu.vector_store %arg7[%swap3A_54, %swap3A_55], %swap3A_58 {strides = array<i32>} : memref<128x128xf32, #tpu.memory_space<vmem>>, vector<1x16xf32>,
      %swap3A_59 = arith.index_cast %scan3A_38 : i32 to index
      %swap3A_60 = arith.constant 64 : index
      %swap3A_61 = tpu.vector_load %arg7[%swap3A_59, %swap3A_60] {strides = array<i32>} : memref<128x128xf32, #tpu.memory_space<vmem>>, vector<1x16xf32>,
      %swap3A_62 = vector.shape_cast %swap3A_61 : vector<1x16xf32> to vector<16xf32>
      %swap3A_63 = vector.shape_cast %broadcast_in_dim3A_0 : vector<16xf32> to vector<1x16xf32>
      tpu.vector_store %arg7[%swap3A_59, %swap3A_60], %swap3A_63 {strides = array<i32>} : memref<128x128xf32, #tpu.memory_space<vmem>>, vector<1x16xf32>,
      %swap3A_64 = arith.index_cast %scan3A_38 : i32 to index
      %swap3A_65 = arith.constant 80 : index
      %swap3A_66 = tpu.vector_load %arg7[%swap3A_64, %swap3A_65] {strides = array<i32>} : memref<128x128xf32, #tpu.memory_space<vmem>>, vector<1x16xf32>,
      %swap3A_67 = vector.shape_cast %swap3A_66 : vector<1x16xf32> to vector<16xf32>
      %swap3A_68 = vector.shape_cast %broadcast_in_dim3A_0 : vector<16xf32> to vector<1x16xf32>
      tpu.vector_store %arg7[%swap3A_64, %swap3A_65], %swap3A_68 {strides = array<i32>} : memref<128x128xf32, #tpu.memory_space<vmem>>, vector<1x16xf32>,
      %swap3A_69 = arith.index_cast %scan3A_38 : i32 to index
      %swap3A_70 = arith.constant 96 : index
      %swap3A_71 = tpu.vector_load %arg7[%swap3A_69, %swap3A_70] {strides = array<i32>} : memref<128x128xf32, #tpu.memory_space<vmem>>, vector<1x16xf32>,
      %swap3A_72 = vector.shape_cast %swap3A_71 : vector<1x16xf32> to vector<16xf32>
      %swap3A_73 = vector.shape_cast %broadcast_in_dim3A_0 : vector<16xf32> to vector<1x16xf32>
      tpu.vector_store %arg7[%swap3A_69, %swap3A_70], %swap3A_73 {strides = array<i32>} : memref<128x128xf32, #tpu.memory_space<vmem>>, vector<1x16xf32>,
      %swap3A_74 = arith.index_cast %scan3A_38 : i32 to index
      %swap3A_75 = arith.constant 112 : index
      %swap3A_76 = tpu.vector_load %arg7[%swap3A_74, %swap3A_75] {strides = array<i32>} : memref<128x128xf32, #tpu.memory_space<vmem>>, vector<1x16xf32>,
      %swap3A_77 = vector.shape_cast %swap3A_76 : vector<1x16xf32> to vector<16xf32>
      %swap3A_78 = vector.shape_cast %broadcast_in_dim3A_0 : vector<16xf32> to vector<1x16xf32>
      tpu.vector_store %arg7[%swap3A_74, %swap3A_75], %swap3A_78 {strides = array<i32>} : memref<128x128xf32, #tpu.memory_space<vmem>>, vector<1x16xf32>,
      %scan3A_79 = arith.constant 0 : i32
      scf.yield %scan3A_79 : i32
    }
    %scan3A_6 = arith.constant 128 : i32
    %mul3A = arith.constant 320 : i32
    %mul3A_7 = arith.muli %arg1, %mul3A : i32
    %add3A = arith.constant 0 : i32
    %add3A_8 = arith.addi %mul3A_7, %add3A : i32
    "tpu.region"() ({
      %run_scoped3A = tpu.sem_alloc : memref<!tpu.dma_semaphore, #tpu.memory_space<semaphore_mem>>
      %dma_start3A = arith.constant 0 : i32
      %dma_start3A_38 = tpu.memref_slice %arg8[%add3A_8, %dma_start3A] : memref<5120x128xf32, #tpu.memory_space<vmem_shared>> -> memref<128x128xf32, #tpu.memory_space<vmem_shared>>
      %dma_start3A_39 = arith.constant 0 : i32
      %dma_start3A_40 = tpu.memref_slice %arg8[%add3A_8, %dma_start3A_39] : memref<5120x128xf32, #tpu.memory_space<vmem_shared>> -> memref<128x128xf32, #tpu.memory_space<vmem_shared>>
      tpu.enqueue_dma source(%arg7 : memref<128x128xf32, #tpu.memory_space<vmem>>) target(%dma_start3A_40 : memref<128x128xf32, #tpu.memory_space<vmem_shared>>) target_semaphore(%run_scoped3A : memref<!tpu.dma_semaphore, #tpu.memory_space<semaphore_mem>>)
      %dma_wait3A = arith.constant 0 : i32
      %dma_wait3A_41 = tpu.memref_slice %arg8[%add3A_8, %dma_wait3A] : memref<5120x128xf32, #tpu.memory_space<vmem_shared>> -> memref<128x128xf32, #tpu.memory_space<vmem_shared>>
      %dma_wait3A_42 = arith.constant 0 : i32
      %dma_wait3A_43 = tpu.memref_slice %arg8[%add3A_8, %dma_wait3A_42] : memref<5120x128xf32, #tpu.memory_space<vmem_shared>> -> memref<128x128xf32, #tpu.memory_space<vmem_shared>>
      tpu.wait_dma2 semaphore(%run_scoped3A : memref<!tpu.dma_semaphore, #tpu.memory_space<semaphore_mem>>) src(%arg7 : memref<128x128xf32, #tpu.memory_space<vmem>>) dst(%dma_wait3A_43 : memref<128x128xf32, #tpu.memory_space<vmem_shared>>)
      tpu.yield
    }) : () -> ()
    %add3A_9 = arith.constant 128 : i32
    %add3A_10 = arith.addi %mul3A_7, %add3A_9 : i32
    "tpu.region"() ({
      %run_scoped3A = tpu.sem_alloc : memref<!tpu.dma_semaphore, #tpu.memory_space<semaphore_mem>>
      %dma_start3A = arith.constant 0 : i32
      %dma_start3A_38 = tpu.memref_slice %arg8[%add3A_10, %dma_start3A] : memref<5120x128xf32, #tpu.memory_space<vmem_shared>> -> memref<128x128xf32, #tpu.memory_space<vmem_shared>>
      %dma_start3A_39 = arith.constant 0 : i32
      %dma_start3A_40 = tpu.memref_slice %arg8[%add3A_10, %dma_start3A_39] : memref<5120x128xf32, #tpu.memory_space<vmem_shared>> -> memref<128x128xf32, #tpu.memory_space<vmem_shared>>
      tpu.enqueue_dma source(%arg7 : memref<128x128xf32, #tpu.memory_space<vmem>>) target(%dma_start3A_40 : memref<128x128xf32, #tpu.memory_space<vmem_shared>>) target_semaphore(%run_scoped3A : memref<!tpu.dma_semaphore, #tpu.memory_space<semaphore_mem>>)
      %dma_wait3A = arith.constant 0 : i32
      %dma_wait3A_41 = tpu.memref_slice %arg8[%add3A_10, %dma_wait3A] : memref<5120x128xf32, #tpu.memory_space<vmem_shared>> -> memref<128x128xf32, #tpu.memory_space<vmem_shared>>
      %dma_wait3A_42 = arith.constant 0 : i32
      %dma_wait3A_43 = tpu.memref_slice %arg8[%add3A_10, %dma_wait3A_42] : memref<5120x128xf32, #tpu.memory_space<vmem_shared>> -> memref<128x128xf32, #tpu.memory_space<vmem_shared>>
      tpu.wait_dma2 semaphore(%run_scoped3A : memref<!tpu.dma_semaphore, #tpu.memory_space<semaphore_mem>>) src(%arg7 : memref<128x128xf32, #tpu.memory_space<vmem>>) dst(%dma_wait3A_43 : memref<128x128xf32, #tpu.memory_space<vmem_shared>>)
      tpu.yield
    }) : () -> ()
    %add3A_11 = arith.constant 256 : i32
    %add3A_12 = arith.addi %mul3A_7, %add3A_11 : i32
    "tpu.region"() ({
      %run_scoped3A = tpu.sem_alloc : memref<!tpu.dma_semaphore, #tpu.memory_space<semaphore_mem>>
      %dma_start3A = arith.constant 0 : i32
      %dma_start3A_38 = arith.constant 0 : i32
      %dma_start3A_39 = tpu.memref_slice %arg7[%dma_start3A, %dma_start3A_38] : memref<128x128xf32, #tpu.memory_space<vmem>> -> memref<64x128xf32, #tpu.memory_space<vmem>>
      %dma_start3A_40 = arith.constant 0 : i32
      %dma_start3A_41 = tpu.memref_slice %arg8[%add3A_12, %dma_start3A_40] : memref<5120x128xf32, #tpu.memory_space<vmem_shared>> -> memref<64x128xf32, #tpu.memory_space<vmem_shared>>
      %dma_start3A_42 = arith.constant 0 : i32
      %dma_start3A_43 = tpu.memref_slice %arg8[%add3A_12, %dma_start3A_42] : memref<5120x128xf32, #tpu.memory_space<vmem_shared>> -> memref<64x128xf32, #tpu.memory_space<vmem_shared>>
      %dma_start3A_44 = arith.constant 0 : i32
      %dma_start3A_45 = arith.constant 0 : i32
      %dma_start3A_46 = tpu.memref_slice %arg7[%dma_start3A_44, %dma_start3A_45] : memref<128x128xf32, #tpu.memory_space<vmem>> -> memref<64x128xf32, #tpu.memory_space<vmem>>
      tpu.enqueue_dma source(%dma_start3A_46 : memref<64x128xf32, #tpu.memory_space<vmem>>) target(%dma_start3A_43 : memref<64x128xf32, #tpu.memory_space<vmem_shared>>) target_semaphore(%run_scoped3A : memref<!tpu.dma_semaphore, #tpu.memory_space<semaphore_mem>>)
      %dma_wait3A = arith.constant 0 : i32
      %dma_wait3A_47 = arith.constant 0 : i32
      %dma_wait3A_48 = tpu.memref_slice %arg7[%dma_wait3A, %dma_wait3A_47] : memref<128x128xf32, #tpu.memory_space<vmem>> -> memref<64x128xf32, #tpu.memory_space<vmem>>
      %dma_wait3A_49 = arith.constant 0 : i32
      %dma_wait3A_50 = tpu.memref_slice %arg8[%add3A_12, %dma_wait3A_49] : memref<5120x128xf32, #tpu.memory_space<vmem_shared>> -> memref<64x128xf32, #tpu.memory_space<vmem_shared>>
      %dma_wait3A_51 = arith.constant 0 : i32
      %dma_wait3A_52 = tpu.memref_slice %arg8[%add3A_12, %dma_wait3A_51] : memref<5120x128xf32, #tpu.memory_space<vmem_shared>> -> memref<64x128xf32, #tpu.memory_space<vmem_shared>>
      %dma_wait3A_53 = arith.constant 0 : i32
      %dma_wait3A_54 = arith.constant 0 : i32
      %dma_wait3A_55 = tpu.memref_slice %arg7[%dma_wait3A_53, %dma_wait3A_54] : memref<128x128xf32, #tpu.memory_space<vmem>> -> memref<64x128xf32, #tpu.memory_space<vmem>>
      tpu.wait_dma2 semaphore(%run_scoped3A : memref<!tpu.dma_semaphore, #tpu.memory_space<semaphore_mem>>) src(%dma_wait3A_55 : memref<64x128xf32, #tpu.memory_space<vmem>>) dst(%dma_wait3A_52 : memref<64x128xf32, #tpu.memory_space<vmem_shared>>)
      tpu.yield
    }) : () -> ()
    %mul3A_13 = arith.constant 80 : i32
    %mul3A_14 = arith.muli %arg1, %mul3A_13 : i32
    "tpu.region"() ({
      %run_scoped3A = tpu.sem_alloc : memref<!tpu.dma_semaphore, #tpu.memory_space<semaphore_mem>>
      %dma_start3A = arith.constant 0 : i32
      %dma_start3A_38 = tpu.memref_slice %arg3[%mul3A_14, %dma_start3A] : memref<1280x128xi32, #tpu.memory_space<hbm>> -> memref<80x128xi32, #tpu.memory_space<hbm>>
      %dma_start3A_39 = arith.constant 0 : i32
      %dma_start3A_40 = tpu.memref_slice %arg3[%mul3A_14, %dma_start3A_39] : memref<1280x128xi32, #tpu.memory_space<hbm>> -> memref<80x128xi32, #tpu.memory_space<hbm>>
      tpu.enqueue_dma source(%dma_start3A_40 : memref<80x128xi32, #tpu.memory_space<hbm>>) target(%arg5 : memref<80x128xi32, #tpu.memory_space<vmem>>) target_semaphore(%run_scoped3A : memref<!tpu.dma_semaphore, #tpu.memory_space<semaphore_mem>>)
      %dma_wait3A = arith.constant 0 : i32
      %dma_wait3A_41 = tpu.memref_slice %arg3[%mul3A_14, %dma_wait3A] : memref<1280x128xi32, #tpu.memory_space<hbm>> -> memref<80x128xi32, #tpu.memory_space<hbm>>
      %dma_wait3A_42 = arith.constant 0 : i32
      %dma_wait3A_43 = tpu.memref_slice %arg3[%mul3A_14, %dma_wait3A_42] : memref<1280x128xi32, #tpu.memory_space<hbm>> -> memref<80x128xi32, #tpu.memory_space<hbm>>
      tpu.wait_dma2 semaphore(%run_scoped3A : memref<!tpu.dma_semaphore, #tpu.memory_space<semaphore_mem>>) src(%dma_wait3A_43 : memref<80x128xi32, #tpu.memory_space<hbm>>) dst(%arg5 : memref<80x128xi32, #tpu.memory_space<vmem>>)
      tpu.yield
    }) : () -> ()
    %mul3A_15 = arith.constant 5056 : i32
    %mul3A_16 = arith.muli %arg0, %mul3A_15 : i32
    %scan3A_17 = arith.constant 0 : i32
    %scan3A_18 = arith.constant 0 : i32
    %scan3A_19 = arith.constant 80 : i32
    %scan3A_20 = arith.addi %scan3A_18, %scan3A_19 : i32
    %scan3A_21 = arith.constant 1 : i32
    %scan3A_22 = scf.for %scan3A_38 = %scan3A_18 to %scan3A_20 step %scan3A_21 iter_args(%scan3A_39 = %scan3A_17) -> (i32)  : i32 {
      %get3A = arith.index_cast %scan3A_38 : i32 to index
      %get3A_40 = arith.constant 0 : index
      %get3A_41 = tpu.vector_load %arg5[%get3A, %get3A_40] {strides = array<i32>} : memref<80x128xi32, #tpu.memory_space<vmem>>, vector<1x16xi32>,
      %get3A_42 = vector.shape_cast %get3A_41 : vector<1x16xi32> to vector<16xi32>
      %sub3A = vector.broadcast %mul3A_16 : i32 to vector<16xi32>
      %sub3A_43 = arith.subi %get3A_42, %sub3A : vector<16xi32>
      %ge3A = arith.constant 0 : i32
      %ge3A_44 = vector.broadcast %ge3A : i32 to vector<16xi32>
      %ge3A_45 = arith.cmpi sge, %sub3A_43, %ge3A_44 : vector<16xi32>
      %lt3A = arith.constant 5056 : i32
      %lt3A_46 = vector.broadcast %lt3A : i32 to vector<16xi32>
      %lt3A_47 = arith.cmpi slt, %sub3A_43, %lt3A_46 : vector<16xi32>
      %and3A = arith.andi %ge3A_45, %lt3A_47 : vector<16xi1>
      %jit3A = arith.constant 5056 : i32
      %broadcast_in_dim3A_48 = vector.broadcast %jit3A : i32 to vector<16xi32>
      %select_n3A = arith.select %and3A, %sub3A_43, %broadcast_in_dim3A_48 : vector<16xi1>, vector<16xi32>
      %swap3A = arith.index_cast %scan3A_38 : i32 to index
      %swap3A_49 = arith.constant 0 : index
      %swap3A_50 = tpu.vector_load %arg5[%swap3A, %swap3A_49] {strides = array<i32>} : memref<80x128xi32, #tpu.memory_space<vmem>>, vector<1x16xi32>,
      %swap3A_51 = vector.shape_cast %swap3A_50 : vector<1x16xi32> to vector<16xi32>
      %swap3A_52 = vector.shape_cast %select_n3A : vector<16xi32> to vector<1x16xi32>
      tpu.vector_store %arg5[%swap3A, %swap3A_49], %swap3A_52 {strides = array<i32>} : memref<80x128xi32, #tpu.memory_space<vmem>>, vector<1x16xi32>,
      %get3A_53 = arith.index_cast %scan3A_38 : i32 to index
      %get3A_54 = arith.constant 16 : index
      %get3A_55 = tpu.vector_load %arg5[%get3A_53, %get3A_54] {strides = array<i32>} : memref<80x128xi32, #tpu.memory_space<vmem>>, vector<1x16xi32>,
      %get3A_56 = vector.shape_cast %get3A_55 : vector<1x16xi32> to vector<16xi32>
      %sub3A_57 = vector.broadcast %mul3A_16 : i32 to vector<16xi32>
      %sub3A_58 = arith.subi %get3A_56, %sub3A_57 : vector<16xi32>
      %ge3A_59 = arith.constant 0 : i32
      %ge3A_60 = vector.broadcast %ge3A_59 : i32 to vector<16xi32>
      %ge3A_61 = arith.cmpi sge, %sub3A_58, %ge3A_60 : vector<16xi32>
      %lt3A_62 = arith.constant 5056 : i32
      %lt3A_63 = vector.broadcast %lt3A_62 : i32 to vector<16xi32>
      %lt3A_64 = arith.cmpi slt, %sub3A_58, %lt3A_63 : vector<16xi32>
      %and3A_65 = arith.andi %ge3A_61, %lt3A_64 : vector<16xi1>
      %jit3A_66 = arith.constant 5056 : i32
      %broadcast_in_dim3A_67 = vector.broadcast %jit3A_66 : i32 to vector<16xi32>
      %select_n3A_68 = arith.select %and3A_65, %sub3A_58, %broadcast_in_dim3A_67 : vector<16xi1>, vector<16xi32>
      %swap3A_69 = arith.index_cast %scan3A_38 : i32 to index
      %swap3A_70 = arith.constant 16 : index
      %swap3A_71 = tpu.vector_load %arg5[%swap3A_69, %swap3A_70] {strides = array<i32>} : memref<80x128xi32, #tpu.memory_space<vmem>>, vector<1x16xi32>,
      %swap3A_72 = vector.shape_cast %swap3A_71 : vector<1x16xi32> to vector<16xi32>
      %swap3A_73 = vector.shape_cast %select_n3A_68 : vector<16xi32> to vector<1x16xi32>
      tpu.vector_store %arg5[%swap3A_69, %swap3A_70], %swap3A_73 {strides = array<i32>} : memref<80x128xi32, #tpu.memory_space<vmem>>, vector<1x16xi32>,
      %get3A_74 = arith.index_cast %scan3A_38 : i32 to index
      %get3A_75 = arith.constant 32 : index
      %get3A_76 = tpu.vector_load %arg5[%get3A_74, %get3A_75] {strides = array<i32>} : memref<80x128xi32, #tpu.memory_space<vmem>>, vector<1x16xi32>,
      %get3A_77 = vector.shape_cast %get3A_76 : vector<1x16xi32> to vector<16xi32>
      %sub3A_78 = vector.broadcast %mul3A_16 : i32 to vector<16xi32>
      %sub3A_79 = arith.subi %get3A_77, %sub3A_78 : vector<16xi32>
      %ge3A_80 = arith.constant 0 : i32
      %ge3A_81 = vector.broadcast %ge3A_80 : i32 to vector<16xi32>
      %ge3A_82 = arith.cmpi sge, %sub3A_79, %ge3A_81 : vector<16xi32>
      %lt3A_83 = arith.constant 5056 : i32
      %lt3A_84 = vector.broadcast %lt3A_83 : i32 to vector<16xi32>
      %lt3A_85 = arith.cmpi slt, %sub3A_79, %lt3A_84 : vector<16xi32>
      %and3A_86 = arith.andi %ge3A_82, %lt3A_85 : vector<16xi1>
      %jit3A_87 = arith.constant 5056 : i32
      %broadcast_in_dim3A_88 = vector.broadcast %jit3A_87 : i32 to vector<16xi32>
      %select_n3A_89 = arith.select %and3A_86, %sub3A_79, %broadcast_in_dim3A_88 : vector<16xi1>, vector<16xi32>
      %swap3A_90 = arith.index_cast %scan3A_38 : i32 to index
      %swap3A_91 = arith.constant 32 : index
      %swap3A_92 = tpu.vector_load %arg5[%swap3A_90, %swap3A_91] {strides = array<i32>} : memref<80x128xi32, #tpu.memory_space<vmem>>, vector<1x16xi32>,
      %swap3A_93 = vector.shape_cast %swap3A_92 : vector<1x16xi32> to vector<16xi32>
      %swap3A_94 = vector.shape_cast %select_n3A_89 : vector<16xi32> to vector<1x16xi32>
      tpu.vector_store %arg5[%swap3A_90, %swap3A_91], %swap3A_94 {strides = array<i32>} : memref<80x128xi32, #tpu.memory_space<vmem>>, vector<1x16xi32>,
      %get3A_95 = arith.index_cast %scan3A_38 : i32 to index
      %get3A_96 = arith.constant 48 : index
      %get3A_97 = tpu.vector_load %arg5[%get3A_95, %get3A_96] {strides = array<i32>} : memref<80x128xi32, #tpu.memory_space<vmem>>, vector<1x16xi32>,
      %get3A_98 = vector.shape_cast %get3A_97 : vector<1x16xi32> to vector<16xi32>
      %sub3A_99 = vector.broadcast %mul3A_16 : i32 to vector<16xi32>
      %sub3A_100 = arith.subi %get3A_98, %sub3A_99 : vector<16xi32>
      %ge3A_101 = arith.constant 0 : i32
      %ge3A_102 = vector.broadcast %ge3A_101 : i32 to vector<16xi32>
      %ge3A_103 = arith.cmpi sge, %sub3A_100, %ge3A_102 : vector<16xi32>
      %lt3A_104 = arith.constant 5056 : i32
      %lt3A_105 = vector.broadcast %lt3A_104 : i32 to vector<16xi32>
      %lt3A_106 = arith.cmpi slt, %sub3A_100, %lt3A_105 : vector<16xi32>
      %and3A_107 = arith.andi %ge3A_103, %lt3A_106 : vector<16xi1>
      %jit3A_108 = arith.constant 5056 : i32
      %broadcast_in_dim3A_109 = vector.broadcast %jit3A_108 : i32 to vector<16xi32>
      %select_n3A_110 = arith.select %and3A_107, %sub3A_100, %broadcast_in_dim3A_109 : vector<16xi1>, vector<16xi32>
      %swap3A_111 = arith.index_cast %scan3A_38 : i32 to index
      %swap3A_112 = arith.constant 48 : index
      %swap3A_113 = tpu.vector_load %arg5[%swap3A_111, %swap3A_112] {strides = array<i32>} : memref<80x128xi32, #tpu.memory_space<vmem>>, vector<1x16xi32>,
      %swap3A_114 = vector.shape_cast %swap3A_113 : vector<1x16xi32> to vector<16xi32>
      %swap3A_115 = vector.shape_cast %select_n3A_110 : vector<16xi32> to vector<1x16xi32>
      tpu.vector_store %arg5[%swap3A_111, %swap3A_112], %swap3A_115 {strides = array<i32>} : memref<80x128xi32, #tpu.memory_space<vmem>>, vector<1x16xi32>,
      %get3A_116 = arith.index_cast %scan3A_38 : i32 to index
      %get3A_117 = arith.constant 64 : index
      %get3A_118 = tpu.vector_load %arg5[%get3A_116, %get3A_117] {strides = array<i32>} : memref<80x128xi32, #tpu.memory_space<vmem>>, vector<1x16xi32>,
      %get3A_119 = vector.shape_cast %get3A_118 : vector<1x16xi32> to vector<16xi32>
      %sub3A_120 = vector.broadcast %mul3A_16 : i32 to vector<16xi32>
      %sub3A_121 = arith.subi %get3A_119, %sub3A_120 : vector<16xi32>
      %ge3A_122 = arith.constant 0 : i32
      %ge3A_123 = vector.broadcast %ge3A_122 : i32 to vector<16xi32>
      %ge3A_124 = arith.cmpi sge, %sub3A_121, %ge3A_123 : vector<16xi32>
      %lt3A_125 = arith.constant 5056 : i32
      %lt3A_126 = vector.broadcast %lt3A_125 : i32 to vector<16xi32>
      %lt3A_127 = arith.cmpi slt, %sub3A_121, %lt3A_126 : vector<16xi32>
      %and3A_128 = arith.andi %ge3A_124, %lt3A_127 : vector<16xi1>
      %jit3A_129 = arith.constant 5056 : i32
      %broadcast_in_dim3A_130 = vector.broadcast %jit3A_129 : i32 to vector<16xi32>
      %select_n3A_131 = arith.select %and3A_128, %sub3A_121, %broadcast_in_dim3A_130 : vector<16xi1>, vector<16xi32>
      %swap3A_132 = arith.index_cast %scan3A_38 : i32 to index
      %swap3A_133 = arith.constant 64 : index
      %swap3A_134 = tpu.vector_load %arg5[%swap3A_132, %swap3A_133] {strides = array<i32>} : memref<80x128xi32, #tpu.memory_space<vmem>>, vector<1x16xi32>,
      %swap3A_135 = vector.shape_cast %swap3A_134 : vector<1x16xi32> to vector<16xi32>
      %swap3A_136 = vector.shape_cast %select_n3A_131 : vector<16xi32> to vector<1x16xi32>
      tpu.vector_store %arg5[%swap3A_132, %swap3A_133], %swap3A_136 {strides = array<i32>} : memref<80x128xi32, #tpu.memory_space<vmem>>, vector<1x16xi32>,
      %get3A_137 = arith.index_cast %scan3A_38 : i32 to index
      %get3A_138 = arith.constant 80 : index
      %get3A_139 = tpu.vector_load %arg5[%get3A_137, %get3A_138] {strides = array<i32>} : memref<80x128xi32, #tpu.memory_space<vmem>>, vector<1x16xi32>,
      %get3A_140 = vector.shape_cast %get3A_139 : vector<1x16xi32> to vector<16xi32>
      %sub3A_141 = vector.broadcast %mul3A_16 : i32 to vector<16xi32>
      %sub3A_142 = arith.subi %get3A_140, %sub3A_141 : vector<16xi32>
      %ge3A_143 = arith.constant 0 : i32
      %ge3A_144 = vector.broadcast %ge3A_143 : i32 to vector<16xi32>
      %ge3A_145 = arith.cmpi sge, %sub3A_142, %ge3A_144 : vector<16xi32>
      %lt3A_146 = arith.constant 5056 : i32
      %lt3A_147 = vector.broadcast %lt3A_146 : i32 to vector<16xi32>
      %lt3A_148 = arith.cmpi slt, %sub3A_142, %lt3A_147 : vector<16xi32>
      %and3A_149 = arith.andi %ge3A_145, %lt3A_148 : vector<16xi1>
      %jit3A_150 = arith.constant 5056 : i32
      %broadcast_in_dim3A_151 = vector.broadcast %jit3A_150 : i32 to vector<16xi32>
      %select_n3A_152 = arith.select %and3A_149, %sub3A_142, %broadcast_in_dim3A_151 : vector<16xi1>, vector<16xi32>
      %swap3A_153 = arith.index_cast %scan3A_38 : i32 to index
      %swap3A_154 = arith.constant 80 : index
      %swap3A_155 = tpu.vector_load %arg5[%swap3A_153, %swap3A_154] {strides = array<i32>} : memref<80x128xi32, #tpu.memory_space<vmem>>, vector<1x16xi32>,
      %swap3A_156 = vector.shape_cast %swap3A_155 : vector<1x16xi32> to vector<16xi32>
      %swap3A_157 = vector.shape_cast %select_n3A_152 : vector<16xi32> to vector<1x16xi32>
      tpu.vector_store %arg5[%swap3A_153, %swap3A_154], %swap3A_157 {strides = array<i32>} : memref<80x128xi32, #tpu.memory_space<vmem>>, vector<1x16xi32>,
      %get3A_158 = arith.index_cast %scan3A_38 : i32 to index
      %get3A_159 = arith.constant 96 : index
      %get3A_160 = tpu.vector_load %arg5[%get3A_158, %get3A_159] {strides = array<i32>} : memref<80x128xi32, #tpu.memory_space<vmem>>, vector<1x16xi32>,
      %get3A_161 = vector.shape_cast %get3A_160 : vector<1x16xi32> to vector<16xi32>
      %sub3A_162 = vector.broadcast %mul3A_16 : i32 to vector<16xi32>
      %sub3A_163 = arith.subi %get3A_161, %sub3A_162 : vector<16xi32>
      %ge3A_164 = arith.constant 0 : i32
      %ge3A_165 = vector.broadcast %ge3A_164 : i32 to vector<16xi32>
      %ge3A_166 = arith.cmpi sge, %sub3A_163, %ge3A_165 : vector<16xi32>
      %lt3A_167 = arith.constant 5056 : i32
      %lt3A_168 = vector.broadcast %lt3A_167 : i32 to vector<16xi32>
      %lt3A_169 = arith.cmpi slt, %sub3A_163, %lt3A_168 : vector<16xi32>
      %and3A_170 = arith.andi %ge3A_166, %lt3A_169 : vector<16xi1>
      %jit3A_171 = arith.constant 5056 : i32
      %broadcast_in_dim3A_172 = vector.broadcast %jit3A_171 : i32 to vector<16xi32>
      %select_n3A_173 = arith.select %and3A_170, %sub3A_163, %broadcast_in_dim3A_172 : vector<16xi1>, vector<16xi32>
      %swap3A_174 = arith.index_cast %scan3A_38 : i32 to index
      %swap3A_175 = arith.constant 96 : index
      %swap3A_176 = tpu.vector_load %arg5[%swap3A_174, %swap3A_175] {strides = array<i32>} : memref<80x128xi32, #tpu.memory_space<vmem>>, vector<1x16xi32>,
      %swap3A_177 = vector.shape_cast %swap3A_176 : vector<1x16xi32> to vector<16xi32>
      %swap3A_178 = vector.shape_cast %select_n3A_173 : vector<16xi32> to vector<1x16xi32>
      tpu.vector_store %arg5[%swap3A_174, %swap3A_175], %swap3A_178 {strides = array<i32>} : memref<80x128xi32, #tpu.memory_space<vmem>>, vector<1x16xi32>,
      %get3A_179 = arith.index_cast %scan3A_38 : i32 to index
      %get3A_180 = arith.constant 112 : index
      %get3A_181 = tpu.vector_load %arg5[%get3A_179, %get3A_180] {strides = array<i32>} : memref<80x128xi32, #tpu.memory_space<vmem>>, vector<1x16xi32>,
      %get3A_182 = vector.shape_cast %get3A_181 : vector<1x16xi32> to vector<16xi32>
      %sub3A_183 = vector.broadcast %mul3A_16 : i32 to vector<16xi32>
      %sub3A_184 = arith.subi %get3A_182, %sub3A_183 : vector<16xi32>
      %ge3A_185 = arith.constant 0 : i32
      %ge3A_186 = vector.broadcast %ge3A_185 : i32 to vector<16xi32>
      %ge3A_187 = arith.cmpi sge, %sub3A_184, %ge3A_186 : vector<16xi32>
      %lt3A_188 = arith.constant 5056 : i32
      %lt3A_189 = vector.broadcast %lt3A_188 : i32 to vector<16xi32>
      %lt3A_190 = arith.cmpi slt, %sub3A_184, %lt3A_189 : vector<16xi32>
      %and3A_191 = arith.andi %ge3A_187, %lt3A_190 : vector<16xi1>
      %jit3A_192 = arith.constant 5056 : i32
      %broadcast_in_dim3A_193 = vector.broadcast %jit3A_192 : i32 to vector<16xi32>
      %select_n3A_194 = arith.select %and3A_191, %sub3A_184, %broadcast_in_dim3A_193 : vector<16xi1>, vector<16xi32>
      %swap3A_195 = arith.index_cast %scan3A_38 : i32 to index
      %swap3A_196 = arith.constant 112 : index
      %swap3A_197 = tpu.vector_load %arg5[%swap3A_195, %swap3A_196] {strides = array<i32>} : memref<80x128xi32, #tpu.memory_space<vmem>>, vector<1x16xi32>,
      %swap3A_198 = vector.shape_cast %swap3A_197 : vector<1x16xi32> to vector<16xi32>
      %swap3A_199 = vector.shape_cast %select_n3A_194 : vector<16xi32> to vector<1x16xi32>
      tpu.vector_store %arg5[%swap3A_195, %swap3A_196], %swap3A_199 {strides = array<i32>} : memref<80x128xi32, #tpu.memory_space<vmem>>, vector<1x16xi32>,
      %scan3A_200 = arith.constant 0 : i32
      scf.yield %scan3A_200 : i32
    }
    %scan3A_23 = arith.constant 80 : i32
    %barrier3A = arith.constant 0 : index
    tpu.barrier barrier_id(%barrier3A)
    %mul3A_24 = arith.constant 10240 : i32
    %mul3A_25 = arith.muli %arg1, %mul3A_24 : i32
    %scan3A_26 = arith.constant 0 : i32
    %scan3A_27 = arith.constant 80 : i32
    %scan3A_28 = arith.addi %scan3A_26, %scan3A_27 : i32
    %scan3A_29 = arith.constant 1 : i32
    scf.for %scan3A_38 = %scan3A_26 to %scan3A_28 step %scan3A_29  : i32 {
      %mul3A_39 = arith.constant 1 : i32
      %mul3A_40 = arith.muli %scan3A_38, %mul3A_39 : i32
      %add3A_41 = arith.constant 0 : i32
      %add3A_42 = arith.addi %add3A_41, %mul3A_40 : i32
      %mul3A_43 = arith.constant 128 : i32
      %mul3A_44 = arith.muli %add3A_42, %mul3A_43 : i32
      %add3A_45 = arith.addi %mul3A_25, %mul3A_44 : i32
      "tpu.region"() ({
        %run_scoped3A = tpu.sem_alloc : memref<!tpu.dma_semaphore, #tpu.memory_space<semaphore_mem>>
        %dma_start3A = arith.constant 0 : i32
        %dma_start3A_46 = tpu.memref_slice %arg2[%add3A_45, %dma_start3A] : memref<163840x128xf32, #tpu.memory_space<hbm>> -> memref<128x128xf32, #tpu.memory_space<hbm>>
        %dma_start3A_47 = arith.constant 0 : i32
        %dma_start3A_48 = tpu.memref_slice %arg2[%add3A_45, %dma_start3A_47] : memref<163840x128xf32, #tpu.memory_space<hbm>> -> memref<128x128xf32, #tpu.memory_space<hbm>>
        tpu.enqueue_dma source(%dma_start3A_48 : memref<128x128xf32, #tpu.memory_space<hbm>>) target(%arg6 : memref<128x128xf32, #tpu.memory_space<vmem>>) target_semaphore(%run_scoped3A : memref<!tpu.dma_semaphore, #tpu.memory_space<semaphore_mem>>)
        %dma_wait3A = arith.constant 0 : i32
        %dma_wait3A_49 = tpu.memref_slice %arg2[%add3A_45, %dma_wait3A] : memref<163840x128xf32, #tpu.memory_space<hbm>> -> memref<128x128xf32, #tpu.memory_space<hbm>>
        %dma_wait3A_50 = arith.constant 0 : i32
        %dma_wait3A_51 = tpu.memref_slice %arg2[%add3A_45, %dma_wait3A_50] : memref<163840x128xf32, #tpu.memory_space<hbm>> -> memref<128x128xf32, #tpu.memory_space<hbm>>
        tpu.wait_dma2 semaphore(%run_scoped3A : memref<!tpu.dma_semaphore, #tpu.memory_space<semaphore_mem>>) src(%dma_wait3A_51 : memref<128x128xf32, #tpu.memory_space<hbm>>) dst(%arg6 : memref<128x128xf32, #tpu.memory_space<vmem>>)
        tpu.yield
      }) : () -> ()
      "tpu.region"() ({
        %run_scoped3A = tpu.sem_alloc : memref<!tpu.dma_semaphore, #tpu.memory_space<semaphore_mem>>
        %dma_start3A = arith.constant 0 : i32
        %dma_start3A_46 = tpu.memref_slice %arg5[%add3A_42, %dma_start3A] : memref<80x128xi32, #tpu.memory_space<vmem>> -> memref<1x128xi32, #tpu.memory_space<vmem>>
        %dma_start3A_47 = tpu.memref_squeeze %dma_start3A_46 : memref<1x128xi32, #tpu.memory_space<vmem>> -> memref<128xi32, #tpu.memory_space<vmem>>
        %dma_start3A_48 = arith.constant 0 : i32
        %dma_start3A_49 = arith.constant 0 : i32
        %dma_start3A_50 = tpu.memref_slice %arg8[%dma_start3A_48, %dma_start3A_49] : memref<5120x128xf32, #tpu.memory_space<vmem_shared>> -> memref<5120x128xf32, #tpu.memory_space<vmem_shared>>
        tpu.enqueue_indirect_dma source(%arg6 : memref<128x128xf32, #tpu.memory_space<vmem>>) target(%dma_start3A_50 : memref<5120x128xf32, #tpu.memory_space<vmem_shared>>) offsets(%dma_start3A_47 : memref<128xi32, #tpu.memory_space<vmem>>) semaphore(%run_scoped3A : memref<!tpu.dma_semaphore, #tpu.memory_space<semaphore_mem>>) {add = true}
        %dma_wait3A = arith.constant 0 : i32
        %dma_wait3A_51 = tpu.memref_slice %arg5[%add3A_42, %dma_wait3A] : memref<80x128xi32, #tpu.memory_space<vmem>> -> memref<1x128xi32, #tpu.memory_space<vmem>>
        %dma_wait3A_52 = tpu.memref_squeeze %dma_wait3A_51 : memref<1x128xi32, #tpu.memory_space<vmem>> -> memref<128xi32, #tpu.memory_space<vmem>>
        %dma_wait3A_53 = arith.constant 0 : i32
        %dma_wait3A_54 = arith.constant 0 : i32
        %dma_wait3A_55 = tpu.memref_slice %arg8[%dma_wait3A_53, %dma_wait3A_54] : memref<5120x128xf32, #tpu.memory_space<vmem_shared>> -> memref<5120x128xf32, #tpu.memory_space<vmem_shared>>
        tpu.wait_indirect_dma semaphore(%run_scoped3A : memref<!tpu.dma_semaphore, #tpu.memory_space<semaphore_mem>>) src(%arg6 : memref<128x128xf32, #tpu.memory_space<vmem>>) dst(%dma_wait3A_55 : memref<5120x128xf32, #tpu.memory_space<vmem_shared>>)
        tpu.yield
      }) : () -> ()
    }
    %scan3A_30 = arith.constant 80 : i32
    %barrier3A_31 = arith.constant 0 : index
    tpu.barrier barrier_id(%barrier3A_31)
    %add3A_32 = arith.constant 0 : i32
    %add3A_33 = arith.addi %mul3A_7, %add3A_32 : i32
    "tpu.region"() ({
      %run_scoped3A = tpu.sem_alloc : memref<!tpu.dma_semaphore, #tpu.memory_space<semaphore_mem>>
      %dma_start3A = arith.constant 0 : i32
      %dma_start3A_38 = tpu.memref_slice %arg8[%add3A_33, %dma_start3A] : memref<5120x128xf32, #tpu.memory_space<vmem_shared>> -> memref<128x128xf32, #tpu.memory_space<vmem_shared>>
      %dma_start3A_39 = arith.constant 0 : i32
      %dma_start3A_40 = tpu.memref_slice %arg8[%add3A_33, %dma_start3A_39] : memref<5120x128xf32, #tpu.memory_space<vmem_shared>> -> memref<128x128xf32, #tpu.memory_space<vmem_shared>>
      tpu.enqueue_dma source(%dma_start3A_40 : memref<128x128xf32, #tpu.memory_space<vmem_shared>>) target(%arg7 : memref<128x128xf32, #tpu.memory_space<vmem>>) target_semaphore(%run_scoped3A : memref<!tpu.dma_semaphore, #tpu.memory_space<semaphore_mem>>)
      %dma_wait3A = arith.constant 0 : i32
      %dma_wait3A_41 = tpu.memref_slice %arg8[%add3A_33, %dma_wait3A] : memref<5120x128xf32, #tpu.memory_space<vmem_shared>> -> memref<128x128xf32, #tpu.memory_space<vmem_shared>>
      %dma_wait3A_42 = arith.constant 0 : i32
      %dma_wait3A_43 = tpu.memref_slice %arg8[%add3A_33, %dma_wait3A_42] : memref<5120x128xf32, #tpu.memory_space<vmem_shared>> -> memref<128x128xf32, #tpu.memory_space<vmem_shared>>
      tpu.wait_dma2 semaphore(%run_scoped3A : memref<!tpu.dma_semaphore, #tpu.memory_space<semaphore_mem>>) src(%dma_wait3A_43 : memref<128x128xf32, #tpu.memory_space<vmem_shared>>) dst(%arg7 : memref<128x128xf32, #tpu.memory_space<vmem>>)
      tpu.yield
    }) : () -> ()
    "tpu.region"() ({
      %run_scoped3A = tpu.sem_alloc : memref<!tpu.dma_semaphore, #tpu.memory_space<semaphore_mem>>
      %dma_start3A = arith.constant 0 : i32
      %dma_start3A_38 = tpu.memref_slice %arg4[%arg0, %add3A_33, %dma_start3A] : memref<2x5120x128xf32, #tpu.memory_space<hbm>> -> memref<1x128x128xf32, #tpu.memory_space<hbm>>
      %dma_start3A_39 = tpu.memref_squeeze %dma_start3A_38 : memref<1x128x128xf32, #tpu.memory_space<hbm>> -> memref<128x128xf32, #tpu.memory_space<hbm>>
      %dma_start3A_40 = arith.constant 0 : i32
      %dma_start3A_41 = tpu.memref_slice %arg4[%arg0, %add3A_33, %dma_start3A_40] : memref<2x5120x128xf32, #tpu.memory_space<hbm>> -> memref<1x128x128xf32, #tpu.memory_space<hbm>>
      %dma_start3A_42 = tpu.memref_squeeze %dma_start3A_41 : memref<1x128x128xf32, #tpu.memory_space<hbm>> -> memref<128x128xf32, #tpu.memory_space<hbm>>
      tpu.enqueue_dma source(%arg7 : memref<128x128xf32, #tpu.memory_space<vmem>>) target(%dma_start3A_42 : memref<128x128xf32, #tpu.memory_space<hbm>>) target_semaphore(%run_scoped3A : memref<!tpu.dma_semaphore, #tpu.memory_space<semaphore_mem>>)
      %dma_wait3A = arith.constant 0 : i32
      %dma_wait3A_43 = tpu.memref_slice %arg4[%arg0, %add3A_33, %dma_wait3A] : memref<2x5120x128xf32, #tpu.memory_space<hbm>> -> memref<1x128x128xf32, #tpu.memory_space<hbm>>
      %dma_wait3A_44 = tpu.memref_squeeze %dma_wait3A_43 : memref<1x128x128xf32, #tpu.memory_space<hbm>> -> memref<128x128xf32, #tpu.memory_space<hbm>>
      %dma_wait3A_45 = arith.constant 0 : i32
      %dma_wait3A_46 = tpu.memref_slice %arg4[%arg0, %add3A_33, %dma_wait3A_45] : memref<2x5120x128xf32, #tpu.memory_space<hbm>> -> memref<1x128x128xf32, #tpu.memory_space<hbm>>
      %dma_wait3A_47 = tpu.memref_squeeze %dma_wait3A_46 : memref<1x128x128xf32, #tpu.memory_space<hbm>> -> memref<128x128xf32, #tpu.memory_space<hbm>>
      tpu.wait_dma2 semaphore(%run_scoped3A : memref<!tpu.dma_semaphore, #tpu.memory_space<semaphore_mem>>) src(%arg7 : memref<128x128xf32, #tpu.memory_space<vmem>>) dst(%dma_wait3A_47 : memref<128x128xf32, #tpu.memory_space<hbm>>)
      tpu.yield
    }) : () -> ()
    %add3A_34 = arith.constant 128 : i32
    %add3A_35 = arith.addi %mul3A_7, %add3A_34 : i32
    "tpu.region"() ({
      %run_scoped3A = tpu.sem_alloc : memref<!tpu.dma_semaphore, #tpu.memory_space<semaphore_mem>>
      %dma_start3A = arith.constant 0 : i32
      %dma_start3A_38 = tpu.memref_slice %arg8[%add3A_35, %dma_start3A] : memref<5120x128xf32, #tpu.memory_space<vmem_shared>> -> memref<128x128xf32, #tpu.memory_space<vmem_shared>>
      %dma_start3A_39 = arith.constant 0 : i32
      %dma_start3A_40 = tpu.memref_slice %arg8[%add3A_35, %dma_start3A_39] : memref<5120x128xf32, #tpu.memory_space<vmem_shared>> -> memref<128x128xf32, #tpu.memory_space<vmem_shared>>
      tpu.enqueue_dma source(%dma_start3A_40 : memref<128x128xf32, #tpu.memory_space<vmem_shared>>) target(%arg7 : memref<128x128xf32, #tpu.memory_space<vmem>>) target_semaphore(%run_scoped3A : memref<!tpu.dma_semaphore, #tpu.memory_space<semaphore_mem>>)
      %dma_wait3A = arith.constant 0 : i32
      %dma_wait3A_41 = tpu.memref_slice %arg8[%add3A_35, %dma_wait3A] : memref<5120x128xf32, #tpu.memory_space<vmem_shared>> -> memref<128x128xf32, #tpu.memory_space<vmem_shared>>
      %dma_wait3A_42 = arith.constant 0 : i32
      %dma_wait3A_43 = tpu.memref_slice %arg8[%add3A_35, %dma_wait3A_42] : memref<5120x128xf32, #tpu.memory_space<vmem_shared>> -> memref<128x128xf32, #tpu.memory_space<vmem_shared>>
      tpu.wait_dma2 semaphore(%run_scoped3A : memref<!tpu.dma_semaphore, #tpu.memory_space<semaphore_mem>>) src(%dma_wait3A_43 : memref<128x128xf32, #tpu.memory_space<vmem_shared>>) dst(%arg7 : memref<128x128xf32, #tpu.memory_space<vmem>>)
      tpu.yield
    }) : () -> ()
    "tpu.region"() ({
      %run_scoped3A = tpu.sem_alloc : memref<!tpu.dma_semaphore, #tpu.memory_space<semaphore_mem>>
      %dma_start3A = arith.constant 0 : i32
      %dma_start3A_38 = tpu.memref_slice %arg4[%arg0, %add3A_35, %dma_start3A] : memref<2x5120x128xf32, #tpu.memory_space<hbm>> -> memref<1x128x128xf32, #tpu.memory_space<hbm>>
      %dma_start3A_39 = tpu.memref_squeeze %dma_start3A_38 : memref<1x128x128xf32, #tpu.memory_space<hbm>> -> memref<128x128xf32, #tpu.memory_space<hbm>>
      %dma_start3A_40 = arith.constant 0 : i32
      %dma_start3A_41 = tpu.memref_slice %arg4[%arg0, %add3A_35, %dma_start3A_40] : memref<2x5120x128xf32, #tpu.memory_space<hbm>> -> memref<1x128x128xf32, #tpu.memory_space<hbm>>
      %dma_start3A_42 = tpu.memref_squeeze %dma_start3A_41 : memref<1x128x128xf32, #tpu.memory_space<hbm>> -> memref<128x128xf32, #tpu.memory_space<hbm>>
      tpu.enqueue_dma source(%arg7 : memref<128x128xf32, #tpu.memory_space<vmem>>) target(%dma_start3A_42 : memref<128x128xf32, #tpu.memory_space<hbm>>) target_semaphore(%run_scoped3A : memref<!tpu.dma_semaphore, #tpu.memory_space<semaphore_mem>>)
      %dma_wait3A = arith.constant 0 : i32
      %dma_wait3A_43 = tpu.memref_slice %arg4[%arg0, %add3A_35, %dma_wait3A] : memref<2x5120x128xf32, #tpu.memory_space<hbm>> -> memref<1x128x128xf32, #tpu.memory_space<hbm>>
      %dma_wait3A_44 = tpu.memref_squeeze %dma_wait3A_43 : memref<1x128x128xf32, #tpu.memory_space<hbm>> -> memref<128x128xf32, #tpu.memory_space<hbm>>
      %dma_wait3A_45 = arith.constant 0 : i32
      %dma_wait3A_46 = tpu.memref_slice %arg4[%arg0, %add3A_35, %dma_wait3A_45] : memref<2x5120x128xf32, #tpu.memory_space<hbm>> -> memref<1x128x128xf32, #tpu.memory_space<hbm>>
      %dma_wait3A_47 = tpu.memref_squeeze %dma_wait3A_46 : memref<1x128x128xf32, #tpu.memory_space<hbm>> -> memref<128x128xf32, #tpu.memory_space<hbm>>
      tpu.wait_dma2 semaphore(%run_scoped3A : memref<!tpu.dma_semaphore, #tpu.memory_space<semaphore_mem>>) src(%arg7 : memref<128x128xf32, #tpu.memory_space<vmem>>) dst(%dma_wait3A_47 : memref<128x128xf32, #tpu.memory_space<hbm>>)
      tpu.yield
    }) : () -> ()
    %add3A_36 = arith.constant 256 : i32
    %add3A_37 = arith.addi %mul3A_7, %add3A_36 : i32
    "tpu.region"() ({
      %run_scoped3A = tpu.sem_alloc : memref<!tpu.dma_semaphore, #tpu.memory_space<semaphore_mem>>
      %dma_start3A = arith.constant 0 : i32
      %dma_start3A_38 = arith.constant 0 : i32
      %dma_start3A_39 = tpu.memref_slice %arg7[%dma_start3A, %dma_start3A_38] : memref<128x128xf32, #tpu.memory_space<vmem>> -> memref<64x128xf32, #tpu.memory_space<vmem>>
      %dma_start3A_40 = arith.constant 0 : i32
      %dma_start3A_41 = tpu.memref_slice %arg8[%add3A_37, %dma_start3A_40] : memref<5120x128xf32, #tpu.memory_space<vmem_shared>> -> memref<64x128xf32, #tpu.memory_space<vmem_shared>>
      %dma_start3A_42 = arith.constant 0 : i32
      %dma_start3A_43 = arith.constant 0 : i32
      %dma_start3A_44 = tpu.memref_slice %arg7[%dma_start3A_42, %dma_start3A_43] : memref<128x128xf32, #tpu.memory_space<vmem>> -> memref<64x128xf32, #tpu.memory_space<vmem>>
      %dma_start3A_45 = arith.constant 0 : i32
      %dma_start3A_46 = tpu.memref_slice %arg8[%add3A_37, %dma_start3A_45] : memref<5120x128xf32, #tpu.memory_space<vmem_shared>> -> memref<64x128xf32, #tpu.memory_space<vmem_shared>>
      tpu.enqueue_dma source(%dma_start3A_46 : memref<64x128xf32, #tpu.memory_space<vmem_shared>>) target(%dma_start3A_44 : memref<64x128xf32, #tpu.memory_space<vmem>>) target_semaphore(%run_scoped3A : memref<!tpu.dma_semaphore, #tpu.memory_space<semaphore_mem>>)
      %dma_wait3A = arith.constant 0 : i32
      %dma_wait3A_47 = arith.constant 0 : i32
      %dma_wait3A_48 = tpu.memref_slice %arg7[%dma_wait3A, %dma_wait3A_47] : memref<128x128xf32, #tpu.memory_space<vmem>> -> memref<64x128xf32, #tpu.memory_space<vmem>>
      %dma_wait3A_49 = arith.constant 0 : i32
      %dma_wait3A_50 = tpu.memref_slice %arg8[%add3A_37, %dma_wait3A_49] : memref<5120x128xf32, #tpu.memory_space<vmem_shared>> -> memref<64x128xf32, #tpu.memory_space<vmem_shared>>
      %dma_wait3A_51 = arith.constant 0 : i32
      %dma_wait3A_52 = arith.constant 0 : i32
      %dma_wait3A_53 = tpu.memref_slice %arg7[%dma_wait3A_51, %dma_wait3A_52] : memref<128x128xf32, #tpu.memory_space<vmem>> -> memref<64x128xf32, #tpu.memory_space<vmem>>
      %dma_wait3A_54 = arith.constant 0 : i32
      %dma_wait3A_55 = tpu.memref_slice %arg8[%add3A_37, %dma_wait3A_54] : memref<5120x128xf32, #tpu.memory_space<vmem_shared>> -> memref<64x128xf32, #tpu.memory_space<vmem_shared>>
      tpu.wait_dma2 semaphore(%run_scoped3A : memref<!tpu.dma_semaphore, #tpu.memory_space<semaphore_mem>>) src(%dma_wait3A_55 : memref<64x128xf32, #tpu.memory_space<vmem_shared>>) dst(%dma_wait3A_53 : memref<64x128xf32, #tpu.memory_space<vmem>>)
      tpu.yield
    }) : () -> ()
    "tpu.region"() ({
      %run_scoped3A = tpu.sem_alloc : memref<!tpu.dma_semaphore, #tpu.memory_space<semaphore_mem>>
      %dma_start3A = arith.constant 0 : i32
      %dma_start3A_38 = arith.constant 0 : i32
      %dma_start3A_39 = tpu.memref_slice %arg7[%dma_start3A, %dma_start3A_38] : memref<128x128xf32, #tpu.memory_space<vmem>> -> memref<64x128xf32, #tpu.memory_space<vmem>>
      %dma_start3A_40 = arith.constant 0 : i32
      %dma_start3A_41 = tpu.memref_slice %arg4[%arg0, %add3A_37, %dma_start3A_40] : memref<2x5120x128xf32, #tpu.memory_space<hbm>> -> memref<1x64x128xf32, #tpu.memory_space<hbm>>
      %dma_start3A_42 = tpu.memref_squeeze %dma_start3A_41 : memref<1x64x128xf32, #tpu.memory_space<hbm>> -> memref<64x128xf32, #tpu.memory_space<hbm>>
      %dma_start3A_43 = arith.constant 0 : i32
      %dma_start3A_44 = tpu.memref_slice %arg4[%arg0, %add3A_37, %dma_start3A_43] : memref<2x5120x128xf32, #tpu.memory_space<hbm>> -> memref<1x64x128xf32, #tpu.memory_space<hbm>>
      %dma_start3A_45 = tpu.memref_squeeze %dma_start3A_44 : memref<1x64x128xf32, #tpu.memory_space<hbm>> -> memref<64x128xf32, #tpu.memory_space<hbm>>
      %dma_start3A_46 = arith.constant 0 : i32
      %dma_start3A_47 = arith.constant 0 : i32
      %dma_start3A_48 = tpu.memref_slice %arg7[%dma_start3A_46, %dma_start3A_47] : memref<128x128xf32, #tpu.memory_space<vmem>> -> memref<64x128xf32, #tpu.memory_space<vmem>>
      tpu.enqueue_dma source(%dma_start3A_48 : memref<64x128xf32, #tpu.memory_space<vmem>>) target(%dma_start3A_45 : memref<64x128xf32, #tpu.memory_space<hbm>>) target_semaphore(%run_scoped3A : memref<!tpu.dma_semaphore, #tpu.memory_space<semaphore_mem>>)
      %dma_wait3A = arith.constant 0 : i32
      %dma_wait3A_49 = arith.constant 0 : i32
      %dma_wait3A_50 = tpu.memref_slice %arg7[%dma_wait3A, %dma_wait3A_49] : memref<128x128xf32, #tpu.memory_space<vmem>> -> memref<64x128xf32, #tpu.memory_space<vmem>>
      %dma_wait3A_51 = arith.constant 0 : i32
      %dma_wait3A_52 = tpu.memref_slice %arg4[%arg0, %add3A_37, %dma_wait3A_51] : memref<2x5120x128xf32, #tpu.memory_space<hbm>> -> memref<1x64x128xf32, #tpu.memory_space<hbm>>
      %dma_wait3A_53 = tpu.memref_squeeze %dma_wait3A_52 : memref<1x64x128xf32, #tpu.memory_space<hbm>> -> memref<64x128xf32, #tpu.memory_space<hbm>>
      %dma_wait3A_54 = arith.constant 0 : i32
      %dma_wait3A_55 = tpu.memref_slice %arg4[%arg0, %add3A_37, %dma_wait3A_54] : memref<2x5120x128xf32, #tpu.memory_space<hbm>> -> memref<1x64x128xf32, #tpu.memory_space<hbm>>
      %dma_wait3A_56 = tpu.memref_squeeze %dma_wait3A_55 : memref<1x64x128xf32, #tpu.memory_space<hbm>> -> memref<64x128xf32, #tpu.memory_space<hbm>>
      %dma_wait3A_57 = arith.constant 0 : i32
      %dma_wait3A_58 = arith.constant 0 : i32
      %dma_wait3A_59 = tpu.memref_slice %arg7[%dma_wait3A_57, %dma_wait3A_58] : memref<128x128xf32, #tpu.memory_space<vmem>> -> memref<64x128xf32, #tpu.memory_space<vmem>>
      tpu.wait_dma2 semaphore(%run_scoped3A : memref<!tpu.dma_semaphore, #tpu.memory_space<semaphore_mem>>) src(%dma_wait3A_59 : memref<64x128xf32, #tpu.memory_space<vmem>>) dst(%dma_wait3A_56 : memref<64x128xf32, #tpu.memory_space<hbm>>)
      tpu.yield
    }) : () -> ()
    return
  }
}

#map = affine_map<(d0, d1) -> (0, 0)>
#map1 = affine_map<(d0, d1) -> (0, 0, 0)>
module attributes {stable_mosaic.version = 14 : i64} {
  func.func @k(%arg0: i32, %arg1: i32, %arg2: memref<163840x128xf32, #tpu.memory_space<hbm>>, %arg3: memref<1280x128xi32, #tpu.memory_space<hbm>>, %arg4: memref<2x5120x128xf32, #tpu.memory_space<hbm>>, %arg5: memref<80x128xi32, #tpu.memory_space<vmem>>, %arg6: memref<128x128xf32, #tpu.memory_space<vmem>>, %arg7: memref<128x128xf32, #tpu.memory_space<vmem>>, %arg8: memref<5120x128xf32, #tpu.memory_space<vmem_shared>>) attributes {dimension_semantics = [#tpu.dimension_semantics<core_parallel>, #tpu.dimension_semantics<subcore_parallel>], iteration_bounds = array<i64: 2, 16>, scalar_prefetch = 0 : i64, scratch_operands = 4 : i64, tpu.core_type = #tpu.core_type<sc_vector_subcore>, window_params = [{transform_indices = #map}, {transform_indices = #map}, {transform_indices = #map1}]} {
    %broadcast_in_dim3A = arith.constant 0.000000e+00 : f32
    %broadcast_in_dim3A_0 = vector.broadcast %broadcast_in_dim3A : f32 to vector<16xf32>
    %scan3A = arith.constant 0 : i32
    %scan3A_1 = arith.constant 0 : i32
    %scan3A_2 = arith.constant 128 : i32
    %scan3A_3 = arith.addi %scan3A_1, %scan3A_2 : i32
    %scan3A_4 = arith.constant 1 : i32
    %scan3A_5 = scf.for %scan3A_38 = %scan3A_1 to %scan3A_3 step %scan3A_4 iter_args(%scan3A_39 = %scan3A) -> (i32)  : i32 {
      %swap3A = arith.index_cast %scan3A_38 : i32 to index
      %swap3A_40 = arith.constant 0 : index
      %swap3A_41 = tpu.vector_load %arg7[%swap3A, %swap3A_40] {strides = array<i32>} : memref<128x128xf32, #tpu.memory_space<vmem>>, vector<1x16xf32>,
      %swap3A_42 = vector.shape_cast %swap3A_41 : vector<1x16xf32> to vector<16xf32>
      %swap3A_43 = vector.shape_cast %broadcast_in_dim3A_0 : vector<16xf32> to vector<1x16xf32>
      tpu.vector_store %arg7[%swap3A, %swap3A_40], %swap3A_43 {strides = array<i32>} : memref<128x128xf32, #tpu.memory_space<vmem>>, vector<1x16xf32>,
      %swap3A_44 = arith.index_cast %scan3A_38 : i32 to index
      %swap3A_45 = arith.constant 16 : index
      %swap3A_46 = tpu.vector_load %arg7[%swap3A_44, %swap3A_45] {strides = array<i32>} : memref<128x128xf32, #tpu.memory_space<vmem>>, vector<1x16xf32>,
      %swap3A_47 = vector.shape_cast %swap3A_46 : vector<1x16xf32> to vector<16xf32>
      %swap3A_48 = vector.shape_cast %broadcast_in_dim3A_0 : vector<16xf32> to vector<1x16xf32>
      tpu.vector_store %arg7[%swap3A_44, %swap3A_45], %swap3A_48 {strides = array<i32>} : memref<128x128xf32, #tpu.memory_space<vmem>>, vector<1x16xf32>,
      %swap3A_49 = arith.index_cast %scan3A_38 : i32 to index
      %swap3A_50 = arith.constant 32 : index
      %swap3A_51 = tpu.vector_load %arg7[%swap3A_49, %swap3A_50] {strides = array<i32>} : memref<128x128xf32, #tpu.memory_space<vmem>>, vector<1x16xf32>,
      %swap3A_52 = vector.shape_cast %swap3A_51 : vector<1x16xf32> to vector<16xf32>
      %swap3A_53 = vector.shape_cast %broadcast_in_dim3A_0 : vector<16xf32> to vector<1x16xf32>
      tpu.vector_store %arg7[%swap3A_49, %swap3A_50], %swap3A_53 {strides = array<i32>} : memref<128x128xf32, #tpu.memory_space<vmem>>, vector<1x16xf32>,
      %swap3A_54 = arith.index_cast %scan3A_38 : i32 to index
      %swap3A_55 = arith.constant 48 : index
      %swap3A_56 = tpu.vector_load %arg7[%swap3A_54, %swap3A_55] {strides = array<i32>} : memref<128x128xf32, #tpu.memory_space<vmem>>, vector<1x16xf32>,
      %swap3A_57 = vector.shape_cast %swap3A_56 : vector<1x16xf32> to vector<16xf32>
      %swap3A_58 = vector.shape_cast %broadcast_in_dim3A_0 : vector<16xf32> to vector<1x16xf32>
      tpu.vector_store %arg7[%swap3A_54, %swap3A_55], %swap3A_58 {strides = array<i32>} : memref<128x128xf32, #tpu.memory_space<vmem>>, vector<1x16xf32>,
      %swap3A_59 = arith.index_cast %scan3A_38 : i32 to index
      %swap3A_60 = arith.constant 64 : index
      %swap3A_61 = tpu.vector_load %arg7[%swap3A_59, %swap3A_60] {strides = array<i32>} : memref<128x128xf32, #tpu.memory_space<vmem>>, vector<1x16xf32>,
      %swap3A_62 = vector.shape_cast %swap3A_61 : vector<1x16xf32> to vector<16xf32>
      %swap3A_63 = vector.shape_cast %broadcast_in_dim3A_0 : vector<16xf32> to vector<1x16xf32>
      tpu.vector_store %arg7[%swap3A_59, %swap3A_60], %swap3A_63 {strides = array<i32>} : memref<128x128xf32, #tpu.memory_space<vmem>>, vector<1x16xf32>,
      %swap3A_64 = arith.index_cast %scan3A_38 : i32 to index
      %swap3A_65 = arith.constant 80 : index
      %swap3A_66 = tpu.vector_load %arg7[%swap3A_64, %swap3A_65] {strides = array<i32>} : memref<128x128xf32, #tpu.memory_space<vmem>>, vector<1x16xf32>,
      %swap3A_67 = vector.shape_cast %swap3A_66 : vector<1x16xf32> to vector<16xf32>
      %swap3A_68 = vector.shape_cast %broadcast_in_dim3A_0 : vector<16xf32> to vector<1x16xf32>
      tpu.vector_store %arg7[%swap3A_64, %swap3A_65], %swap3A_68 {strides = array<i32>} : memref<128x128xf32, #tpu.memory_space<vmem>>, vector<1x16xf32>,
      %swap3A_69 = arith.index_cast %scan3A_38 : i32 to index
      %swap3A_70 = arith.constant 96 : index
      %swap3A_71 = tpu.vector_load %arg7[%swap3A_69, %swap3A_70] {strides = array<i32>} : memref<128x128xf32, #tpu.memory_space<vmem>>, vector<1x16xf32>,
      %swap3A_72 = vector.shape_cast %swap3A_71 : vector<1x16xf32> to vector<16xf32>
      %swap3A_73 = vector.shape_cast %broadcast_in_dim3A_0 : vector<16xf32> to vector<1x16xf32>
      tpu.vector_store %arg7[%swap3A_69, %swap3A_70], %swap3A_73 {strides = array<i32>} : memref<128x128xf32, #tpu.memory_space<vmem>>, vector<1x16xf32>,
      %swap3A_74 = arith.index_cast %scan3A_38 : i32 to index
      %swap3A_75 = arith.constant 112 : index
      %swap3A_76 = tpu.vector_load %arg7[%swap3A_74, %swap3A_75] {strides = array<i32>} : memref<128x128xf32, #tpu.memory_space<vmem>>, vector<1x16xf32>,
      %swap3A_77 = vector.shape_cast %swap3A_76 : vector<1x16xf32> to vector<16xf32>
      %swap3A_78 = vector.shape_cast %broadcast_in_dim3A_0 : vector<16xf32> to vector<1x16xf32>
      tpu.vector_store %arg7[%swap3A_74, %swap3A_75], %swap3A_78 {strides = array<i32>} : memref<128x128xf32, #tpu.memory_space<vmem>>, vector<1x16xf32>,
      %scan3A_79 = arith.constant 0 : i32
      scf.yield %scan3A_79 : i32
    }
    %scan3A_6 = arith.constant 128 : i32
    %mul3A = arith.constant 320 : i32
    %mul3A_7 = arith.muli %arg1, %mul3A : i32
    %add3A = arith.constant 0 : i32
    %add3A_8 = arith.addi %mul3A_7, %add3A : i32
    "tpu.region"() ({
      %run_scoped3A = tpu.sem_alloc : memref<!tpu.dma_semaphore, #tpu.memory_space<semaphore_mem>>
      %dma_start3A = arith.constant 0 : i32
      %dma_start3A_38 = tpu.memref_slice %arg8[%add3A_8, %dma_start3A] : memref<5120x128xf32, #tpu.memory_space<vmem_shared>> -> memref<128x128xf32, #tpu.memory_space<vmem_shared>>
      %dma_start3A_39 = arith.constant 0 : i32
      %dma_start3A_40 = tpu.memref_slice %arg8[%add3A_8, %dma_start3A_39] : memref<5120x128xf32, #tpu.memory_space<vmem_shared>> -> memref<128x128xf32, #tpu.memory_space<vmem_shared>>
      tpu.enqueue_dma source(%arg7 : memref<128x128xf32, #tpu.memory_space<vmem>>) target(%dma_start3A_40 : memref<128x128xf32, #tpu.memory_space<vmem_shared>>) target_semaphore(%run_scoped3A : memref<!tpu.dma_semaphore, #tpu.memory_space<semaphore_mem>>)
      %dma_wait3A = arith.constant 0 : i32
      %dma_wait3A_41 = tpu.memref_slice %arg8[%add3A_8, %dma_wait3A] : memref<5120x128xf32, #tpu.memory_space<vmem_shared>> -> memref<128x128xf32, #tpu.memory_space<vmem_shared>>
      %dma_wait3A_42 = arith.constant 0 : i32
      %dma_wait3A_43 = tpu.memref_slice %arg8[%add3A_8, %dma_wait3A_42] : memref<5120x128xf32, #tpu.memory_space<vmem_shared>> -> memref<128x128xf32, #tpu.memory_space<vmem_shared>>
      tpu.wait_dma2 semaphore(%run_scoped3A : memref<!tpu.dma_semaphore, #tpu.memory_space<semaphore_mem>>) src(%arg7 : memref<128x128xf32, #tpu.memory_space<vmem>>) dst(%dma_wait3A_43 : memref<128x128xf32, #tpu.memory_space<vmem_shared>>)
      tpu.yield
    }) : () -> ()
    %add3A_9 = arith.constant 128 : i32
    %add3A_10 = arith.addi %mul3A_7, %add3A_9 : i32
    "tpu.region"() ({
      %run_scoped3A = tpu.sem_alloc : memref<!tpu.dma_semaphore, #tpu.memory_space<semaphore_mem>>
      %dma_start3A = arith.constant 0 : i32
      %dma_start3A_38 = tpu.memref_slice %arg8[%add3A_10, %dma_start3A] : memref<5120x128xf32, #tpu.memory_space<vmem_shared>> -> memref<128x128xf32, #tpu.memory_space<vmem_shared>>
      %dma_start3A_39 = arith.constant 0 : i32
      %dma_start3A_40 = tpu.memref_slice %arg8[%add3A_10, %dma_start3A_39] : memref<5120x128xf32, #tpu.memory_space<vmem_shared>> -> memref<128x128xf32, #tpu.memory_space<vmem_shared>>
      tpu.enqueue_dma source(%arg7 : memref<128x128xf32, #tpu.memory_space<vmem>>) target(%dma_start3A_40 : memref<128x128xf32, #tpu.memory_space<vmem_shared>>) target_semaphore(%run_scoped3A : memref<!tpu.dma_semaphore, #tpu.memory_space<semaphore_mem>>)
      %dma_wait3A = arith.constant 0 : i32
      %dma_wait3A_41 = tpu.memref_slice %arg8[%add3A_10, %dma_wait3A] : memref<5120x128xf32, #tpu.memory_space<vmem_shared>> -> memref<128x128xf32, #tpu.memory_space<vmem_shared>>
      %dma_wait3A_42 = arith.constant 0 : i32
      %dma_wait3A_43 = tpu.memref_slice %arg8[%add3A_10, %dma_wait3A_42] : memref<5120x128xf32, #tpu.memory_space<vmem_shared>> -> memref<128x128xf32, #tpu.memory_space<vmem_shared>>
      tpu.wait_dma2 semaphore(%run_scoped3A : memref<!tpu.dma_semaphore, #tpu.memory_space<semaphore_mem>>) src(%arg7 : memref<128x128xf32, #tpu.memory_space<vmem>>) dst(%dma_wait3A_43 : memref<128x128xf32, #tpu.memory_space<vmem_shared>>)
      tpu.yield
    }) : () -> ()
    %add3A_11 = arith.constant 256 : i32
    %add3A_12 = arith.addi %mul3A_7, %add3A_11 : i32
    "tpu.region"() ({
      %run_scoped3A = tpu.sem_alloc : memref<!tpu.dma_semaphore, #tpu.memory_space<semaphore_mem>>
      %dma_start3A = arith.constant 0 : i32
      %dma_start3A_38 = arith.constant 0 : i32
      %dma_start3A_39 = tpu.memref_slice %arg7[%dma_start3A, %dma_start3A_38] : memref<128x128xf32, #tpu.memory_space<vmem>> -> memref<64x128xf32, #tpu.memory_space<vmem>>
      %dma_start3A_40 = arith.constant 0 : i32
      %dma_start3A_41 = tpu.memref_slice %arg8[%add3A_12, %dma_start3A_40] : memref<5120x128xf32, #tpu.memory_space<vmem_shared>> -> memref<64x128xf32, #tpu.memory_space<vmem_shared>>
      %dma_start3A_42 = arith.constant 0 : i32
      %dma_start3A_43 = tpu.memref_slice %arg8[%add3A_12, %dma_start3A_42] : memref<5120x128xf32, #tpu.memory_space<vmem_shared>> -> memref<64x128xf32, #tpu.memory_space<vmem_shared>>
      %dma_start3A_44 = arith.constant 0 : i32
      %dma_start3A_45 = arith.constant 0 : i32
      %dma_start3A_46 = tpu.memref_slice %arg7[%dma_start3A_44, %dma_start3A_45] : memref<128x128xf32, #tpu.memory_space<vmem>> -> memref<64x128xf32, #tpu.memory_space<vmem>>
      tpu.enqueue_dma source(%dma_start3A_46 : memref<64x128xf32, #tpu.memory_space<vmem>>) target(%dma_start3A_43 : memref<64x128xf32, #tpu.memory_space<vmem_shared>>) target_semaphore(%run_scoped3A : memref<!tpu.dma_semaphore, #tpu.memory_space<semaphore_mem>>)
      %dma_wait3A = arith.constant 0 : i32
      %dma_wait3A_47 = arith.constant 0 : i32
      %dma_wait3A_48 = tpu.memref_slice %arg7[%dma_wait3A, %dma_wait3A_47] : memref<128x128xf32, #tpu.memory_space<vmem>> -> memref<64x128xf32, #tpu.memory_space<vmem>>
      %dma_wait3A_49 = arith.constant 0 : i32
      %dma_wait3A_50 = tpu.memref_slice %arg8[%add3A_12, %dma_wait3A_49] : memref<5120x128xf32, #tpu.memory_space<vmem_shared>> -> memref<64x128xf32, #tpu.memory_space<vmem_shared>>
      %dma_wait3A_51 = arith.constant 0 : i32
      %dma_wait3A_52 = tpu.memref_slice %arg8[%add3A_12, %dma_wait3A_51] : memref<5120x128xf32, #tpu.memory_space<vmem_shared>> -> memref<64x128xf32, #tpu.memory_space<vmem_shared>>
      %dma_wait3A_53 = arith.constant 0 : i32
      %dma_wait3A_54 = arith.constant 0 : i32
      %dma_wait3A_55 = tpu.memref_slice %arg7[%dma_wait3A_53, %dma_wait3A_54] : memref<128x128xf32, #tpu.memory_space<vmem>> -> memref<64x128xf32, #tpu.memory_space<vmem>>
      tpu.wait_dma2 semaphore(%run_scoped3A : memref<!tpu.dma_semaphore, #tpu.memory_space<semaphore_mem>>) src(%dma_wait3A_55 : memref<64x128xf32, #tpu.memory_space<vmem>>) dst(%dma_wait3A_52 : memref<64x128xf32, #tpu.memory_space<vmem_shared>>)
      tpu.yield
    }) : () -> ()
    %mul3A_13 = arith.constant 80 : i32
    %mul3A_14 = arith.muli %arg1, %mul3A_13 : i32
    "tpu.region"() ({
      %run_scoped3A = tpu.sem_alloc : memref<!tpu.dma_semaphore, #tpu.memory_space<semaphore_mem>>
      %dma_start3A = arith.constant 0 : i32
      %dma_start3A_38 = tpu.memref_slice %arg3[%mul3A_14, %dma_start3A] : memref<1280x128xi32, #tpu.memory_space<hbm>> -> memref<80x128xi32, #tpu.memory_space<hbm>>
      %dma_start3A_39 = arith.constant 0 : i32
      %dma_start3A_40 = tpu.memref_slice %arg3[%mul3A_14, %dma_start3A_39] : memref<1280x128xi32, #tpu.memory_space<hbm>> -> memref<80x128xi32, #tpu.memory_space<hbm>>
      tpu.enqueue_dma source(%dma_start3A_40 : memref<80x128xi32, #tpu.memory_space<hbm>>) target(%arg5 : memref<80x128xi32, #tpu.memory_space<vmem>>) target_semaphore(%run_scoped3A : memref<!tpu.dma_semaphore, #tpu.memory_space<semaphore_mem>>)
      %dma_wait3A = arith.constant 0 : i32
      %dma_wait3A_41 = tpu.memref_slice %arg3[%mul3A_14, %dma_wait3A] : memref<1280x128xi32, #tpu.memory_space<hbm>> -> memref<80x128xi32, #tpu.memory_space<hbm>>
      %dma_wait3A_42 = arith.constant 0 : i32
      %dma_wait3A_43 = tpu.memref_slice %arg3[%mul3A_14, %dma_wait3A_42] : memref<1280x128xi32, #tpu.memory_space<hbm>> -> memref<80x128xi32, #tpu.memory_space<hbm>>
      tpu.wait_dma2 semaphore(%run_scoped3A : memref<!tpu.dma_semaphore, #tpu.memory_space<semaphore_mem>>) src(%dma_wait3A_43 : memref<80x128xi32, #tpu.memory_space<hbm>>) dst(%arg5 : memref<80x128xi32, #tpu.memory_space<vmem>>)
      tpu.yield
    }) : () -> ()
    %mul3A_15 = arith.constant 5056 : i32
    %mul3A_16 = arith.muli %arg0, %mul3A_15 : i32
    %scan3A_17 = arith.constant 0 : i32
    %scan3A_18 = arith.constant 0 : i32
    %scan3A_19 = arith.constant 80 : i32
    %scan3A_20 = arith.addi %scan3A_18, %scan3A_19 : i32
    %scan3A_21 = arith.constant 1 : i32
    %scan3A_22 = scf.for %scan3A_38 = %scan3A_18 to %scan3A_20 step %scan3A_21 iter_args(%scan3A_39 = %scan3A_17) -> (i32)  : i32 {
      %get3A = arith.index_cast %scan3A_38 : i32 to index
      %get3A_40 = arith.constant 0 : index
      %get3A_41 = tpu.vector_load %arg5[%get3A, %get3A_40] {strides = array<i32>} : memref<80x128xi32, #tpu.memory_space<vmem>>, vector<1x16xi32>,
      %get3A_42 = vector.shape_cast %get3A_41 : vector<1x16xi32> to vector<16xi32>
      %sub3A = vector.broadcast %mul3A_16 : i32 to vector<16xi32>
      %sub3A_43 = arith.subi %get3A_42, %sub3A : vector<16xi32>
      %ge3A = arith.constant 0 : i32
      %ge3A_44 = vector.broadcast %ge3A : i32 to vector<16xi32>
      %ge3A_45 = arith.cmpi sge, %sub3A_43, %ge3A_44 : vector<16xi32>
      %lt3A = arith.constant 5056 : i32
      %lt3A_46 = vector.broadcast %lt3A : i32 to vector<16xi32>
      %lt3A_47 = arith.cmpi slt, %sub3A_43, %lt3A_46 : vector<16xi32>
      %and3A = arith.andi %ge3A_45, %lt3A_47 : vector<16xi1>
      %jit3A = arith.constant 5056 : i32
      %broadcast_in_dim3A_48 = vector.broadcast %jit3A : i32 to vector<16xi32>
      %select_n3A = arith.select %and3A, %sub3A_43, %broadcast_in_dim3A_48 : vector<16xi1>, vector<16xi32>
      %swap3A = arith.index_cast %scan3A_38 : i32 to index
      %swap3A_49 = arith.constant 0 : index
      %swap3A_50 = tpu.vector_load %arg5[%swap3A, %swap3A_49] {strides = array<i32>} : memref<80x128xi32, #tpu.memory_space<vmem>>, vector<1x16xi32>,
      %swap3A_51 = vector.shape_cast %swap3A_50 : vector<1x16xi32> to vector<16xi32>
      %swap3A_52 = vector.shape_cast %select_n3A : vector<16xi32> to vector<1x16xi32>
      tpu.vector_store %arg5[%swap3A, %swap3A_49], %swap3A_52 {strides = array<i32>} : memref<80x128xi32, #tpu.memory_space<vmem>>, vector<1x16xi32>,
      %get3A_53 = arith.index_cast %scan3A_38 : i32 to index
      %get3A_54 = arith.constant 16 : index
      %get3A_55 = tpu.vector_load %arg5[%get3A_53, %get3A_54] {strides = array<i32>} : memref<80x128xi32, #tpu.memory_space<vmem>>, vector<1x16xi32>,
      %get3A_56 = vector.shape_cast %get3A_55 : vector<1x16xi32> to vector<16xi32>
      %sub3A_57 = vector.broadcast %mul3A_16 : i32 to vector<16xi32>
      %sub3A_58 = arith.subi %get3A_56, %sub3A_57 : vector<16xi32>
      %ge3A_59 = arith.constant 0 : i32
      %ge3A_60 = vector.broadcast %ge3A_59 : i32 to vector<16xi32>
      %ge3A_61 = arith.cmpi sge, %sub3A_58, %ge3A_60 : vector<16xi32>
      %lt3A_62 = arith.constant 5056 : i32
      %lt3A_63 = vector.broadcast %lt3A_62 : i32 to vector<16xi32>
      %lt3A_64 = arith.cmpi slt, %sub3A_58, %lt3A_63 : vector<16xi32>
      %and3A_65 = arith.andi %ge3A_61, %lt3A_64 : vector<16xi1>
      %jit3A_66 = arith.constant 5056 : i32
      %broadcast_in_dim3A_67 = vector.broadcast %jit3A_66 : i32 to vector<16xi32>
      %select_n3A_68 = arith.select %and3A_65, %sub3A_58, %broadcast_in_dim3A_67 : vector<16xi1>, vector<16xi32>
      %swap3A_69 = arith.index_cast %scan3A_38 : i32 to index
      %swap3A_70 = arith.constant 16 : index
      %swap3A_71 = tpu.vector_load %arg5[%swap3A_69, %swap3A_70] {strides = array<i32>} : memref<80x128xi32, #tpu.memory_space<vmem>>, vector<1x16xi32>,
      %swap3A_72 = vector.shape_cast %swap3A_71 : vector<1x16xi32> to vector<16xi32>
      %swap3A_73 = vector.shape_cast %select_n3A_68 : vector<16xi32> to vector<1x16xi32>
      tpu.vector_store %arg5[%swap3A_69, %swap3A_70], %swap3A_73 {strides = array<i32>} : memref<80x128xi32, #tpu.memory_space<vmem>>, vector<1x16xi32>,
      %get3A_74 = arith.index_cast %scan3A_38 : i32 to index
      %get3A_75 = arith.constant 32 : index
      %get3A_76 = tpu.vector_load %arg5[%get3A_74, %get3A_75] {strides = array<i32>} : memref<80x128xi32, #tpu.memory_space<vmem>>, vector<1x16xi32>,
      %get3A_77 = vector.shape_cast %get3A_76 : vector<1x16xi32> to vector<16xi32>
      %sub3A_78 = vector.broadcast %mul3A_16 : i32 to vector<16xi32>
      %sub3A_79 = arith.subi %get3A_77, %sub3A_78 : vector<16xi32>
      %ge3A_80 = arith.constant 0 : i32
      %ge3A_81 = vector.broadcast %ge3A_80 : i32 to vector<16xi32>
      %ge3A_82 = arith.cmpi sge, %sub3A_79, %ge3A_81 : vector<16xi32>
      %lt3A_83 = arith.constant 5056 : i32
      %lt3A_84 = vector.broadcast %lt3A_83 : i32 to vector<16xi32>
      %lt3A_85 = arith.cmpi slt, %sub3A_79, %lt3A_84 : vector<16xi32>
      %and3A_86 = arith.andi %ge3A_82, %lt3A_85 : vector<16xi1>
      %jit3A_87 = arith.constant 5056 : i32
      %broadcast_in_dim3A_88 = vector.broadcast %jit3A_87 : i32 to vector<16xi32>
      %select_n3A_89 = arith.select %and3A_86, %sub3A_79, %broadcast_in_dim3A_88 : vector<16xi1>, vector<16xi32>
      %swap3A_90 = arith.index_cast %scan3A_38 : i32 to index
      %swap3A_91 = arith.constant 32 : index
      %swap3A_92 = tpu.vector_load %arg5[%swap3A_90, %swap3A_91] {strides = array<i32>} : memref<80x128xi32, #tpu.memory_space<vmem>>, vector<1x16xi32>,
      %swap3A_93 = vector.shape_cast %swap3A_92 : vector<1x16xi32> to vector<16xi32>
      %swap3A_94 = vector.shape_cast %select_n3A_89 : vector<16xi32> to vector<1x16xi32>
      tpu.vector_store %arg5[%swap3A_90, %swap3A_91], %swap3A_94 {strides = array<i32>} : memref<80x128xi32, #tpu.memory_space<vmem>>, vector<1x16xi32>,
      %get3A_95 = arith.index_cast %scan3A_38 : i32 to index
      %get3A_96 = arith.constant 48 : index
      %get3A_97 = tpu.vector_load %arg5[%get3A_95, %get3A_96] {strides = array<i32>} : memref<80x128xi32, #tpu.memory_space<vmem>>, vector<1x16xi32>,
      %get3A_98 = vector.shape_cast %get3A_97 : vector<1x16xi32> to vector<16xi32>
      %sub3A_99 = vector.broadcast %mul3A_16 : i32 to vector<16xi32>
      %sub3A_100 = arith.subi %get3A_98, %sub3A_99 : vector<16xi32>
      %ge3A_101 = arith.constant 0 : i32
      %ge3A_102 = vector.broadcast %ge3A_101 : i32 to vector<16xi32>
      %ge3A_103 = arith.cmpi sge, %sub3A_100, %ge3A_102 : vector<16xi32>
      %lt3A_104 = arith.constant 5056 : i32
      %lt3A_105 = vector.broadcast %lt3A_104 : i32 to vector<16xi32>
      %lt3A_106 = arith.cmpi slt, %sub3A_100, %lt3A_105 : vector<16xi32>
      %and3A_107 = arith.andi %ge3A_103, %lt3A_106 : vector<16xi1>
      %jit3A_108 = arith.constant 5056 : i32
      %broadcast_in_dim3A_109 = vector.broadcast %jit3A_108 : i32 to vector<16xi32>
      %select_n3A_110 = arith.select %and3A_107, %sub3A_100, %broadcast_in_dim3A_109 : vector<16xi1>, vector<16xi32>
      %swap3A_111 = arith.index_cast %scan3A_38 : i32 to index
      %swap3A_112 = arith.constant 48 : index
      %swap3A_113 = tpu.vector_load %arg5[%swap3A_111, %swap3A_112] {strides = array<i32>} : memref<80x128xi32, #tpu.memory_space<vmem>>, vector<1x16xi32>,
      %swap3A_114 = vector.shape_cast %swap3A_113 : vector<1x16xi32> to vector<16xi32>
      %swap3A_115 = vector.shape_cast %select_n3A_110 : vector<16xi32> to vector<1x16xi32>
      tpu.vector_store %arg5[%swap3A_111, %swap3A_112], %swap3A_115 {strides = array<i32>} : memref<80x128xi32, #tpu.memory_space<vmem>>, vector<1x16xi32>,
      %get3A_116 = arith.index_cast %scan3A_38 : i32 to index
      %get3A_117 = arith.constant 64 : index
      %get3A_118 = tpu.vector_load %arg5[%get3A_116, %get3A_117] {strides = array<i32>} : memref<80x128xi32, #tpu.memory_space<vmem>>, vector<1x16xi32>,
      %get3A_119 = vector.shape_cast %get3A_118 : vector<1x16xi32> to vector<16xi32>
      %sub3A_120 = vector.broadcast %mul3A_16 : i32 to vector<16xi32>
      %sub3A_121 = arith.subi %get3A_119, %sub3A_120 : vector<16xi32>
      %ge3A_122 = arith.constant 0 : i32
      %ge3A_123 = vector.broadcast %ge3A_122 : i32 to vector<16xi32>
      %ge3A_124 = arith.cmpi sge, %sub3A_121, %ge3A_123 : vector<16xi32>
      %lt3A_125 = arith.constant 5056 : i32
      %lt3A_126 = vector.broadcast %lt3A_125 : i32 to vector<16xi32>
      %lt3A_127 = arith.cmpi slt, %sub3A_121, %lt3A_126 : vector<16xi32>
      %and3A_128 = arith.andi %ge3A_124, %lt3A_127 : vector<16xi1>
      %jit3A_129 = arith.constant 5056 : i32
      %broadcast_in_dim3A_130 = vector.broadcast %jit3A_129 : i32 to vector<16xi32>
      %select_n3A_131 = arith.select %and3A_128, %sub3A_121, %broadcast_in_dim3A_130 : vector<16xi1>, vector<16xi32>
      %swap3A_132 = arith.index_cast %scan3A_38 : i32 to index
      %swap3A_133 = arith.constant 64 : index
      %swap3A_134 = tpu.vector_load %arg5[%swap3A_132, %swap3A_133] {strides = array<i32>} : memref<80x128xi32, #tpu.memory_space<vmem>>, vector<1x16xi32>,
      %swap3A_135 = vector.shape_cast %swap3A_134 : vector<1x16xi32> to vector<16xi32>
      %swap3A_136 = vector.shape_cast %select_n3A_131 : vector<16xi32> to vector<1x16xi32>
      tpu.vector_store %arg5[%swap3A_132, %swap3A_133], %swap3A_136 {strides = array<i32>} : memref<80x128xi32, #tpu.memory_space<vmem>>, vector<1x16xi32>,
      %get3A_137 = arith.index_cast %scan3A_38 : i32 to index
      %get3A_138 = arith.constant 80 : index
      %get3A_139 = tpu.vector_load %arg5[%get3A_137, %get3A_138] {strides = array<i32>} : memref<80x128xi32, #tpu.memory_space<vmem>>, vector<1x16xi32>,
      %get3A_140 = vector.shape_cast %get3A_139 : vector<1x16xi32> to vector<16xi32>
      %sub3A_141 = vector.broadcast %mul3A_16 : i32 to vector<16xi32>
      %sub3A_142 = arith.subi %get3A_140, %sub3A_141 : vector<16xi32>
      %ge3A_143 = arith.constant 0 : i32
      %ge3A_144 = vector.broadcast %ge3A_143 : i32 to vector<16xi32>
      %ge3A_145 = arith.cmpi sge, %sub3A_142, %ge3A_144 : vector<16xi32>
      %lt3A_146 = arith.constant 5056 : i32
      %lt3A_147 = vector.broadcast %lt3A_146 : i32 to vector<16xi32>
      %lt3A_148 = arith.cmpi slt, %sub3A_142, %lt3A_147 : vector<16xi32>
      %and3A_149 = arith.andi %ge3A_145, %lt3A_148 : vector<16xi1>
      %jit3A_150 = arith.constant 5056 : i32
      %broadcast_in_dim3A_151 = vector.broadcast %jit3A_150 : i32 to vector<16xi32>
      %select_n3A_152 = arith.select %and3A_149, %sub3A_142, %broadcast_in_dim3A_151 : vector<16xi1>, vector<16xi32>
      %swap3A_153 = arith.index_cast %scan3A_38 : i32 to index
      %swap3A_154 = arith.constant 80 : index
      %swap3A_155 = tpu.vector_load %arg5[%swap3A_153, %swap3A_154] {strides = array<i32>} : memref<80x128xi32, #tpu.memory_space<vmem>>, vector<1x16xi32>,
      %swap3A_156 = vector.shape_cast %swap3A_155 : vector<1x16xi32> to vector<16xi32>
      %swap3A_157 = vector.shape_cast %select_n3A_152 : vector<16xi32> to vector<1x16xi32>
      tpu.vector_store %arg5[%swap3A_153, %swap3A_154], %swap3A_157 {strides = array<i32>} : memref<80x128xi32, #tpu.memory_space<vmem>>, vector<1x16xi32>,
      %get3A_158 = arith.index_cast %scan3A_38 : i32 to index
      %get3A_159 = arith.constant 96 : index
      %get3A_160 = tpu.vector_load %arg5[%get3A_158, %get3A_159] {strides = array<i32>} : memref<80x128xi32, #tpu.memory_space<vmem>>, vector<1x16xi32>,
      %get3A_161 = vector.shape_cast %get3A_160 : vector<1x16xi32> to vector<16xi32>
      %sub3A_162 = vector.broadcast %mul3A_16 : i32 to vector<16xi32>
      %sub3A_163 = arith.subi %get3A_161, %sub3A_162 : vector<16xi32>
      %ge3A_164 = arith.constant 0 : i32
      %ge3A_165 = vector.broadcast %ge3A_164 : i32 to vector<16xi32>
      %ge3A_166 = arith.cmpi sge, %sub3A_163, %ge3A_165 : vector<16xi32>
      %lt3A_167 = arith.constant 5056 : i32
      %lt3A_168 = vector.broadcast %lt3A_167 : i32 to vector<16xi32>
      %lt3A_169 = arith.cmpi slt, %sub3A_163, %lt3A_168 : vector<16xi32>
      %and3A_170 = arith.andi %ge3A_166, %lt3A_169 : vector<16xi1>
      %jit3A_171 = arith.constant 5056 : i32
      %broadcast_in_dim3A_172 = vector.broadcast %jit3A_171 : i32 to vector<16xi32>
      %select_n3A_173 = arith.select %and3A_170, %sub3A_163, %broadcast_in_dim3A_172 : vector<16xi1>, vector<16xi32>
      %swap3A_174 = arith.index_cast %scan3A_38 : i32 to index
      %swap3A_175 = arith.constant 96 : index
      %swap3A_176 = tpu.vector_load %arg5[%swap3A_174, %swap3A_175] {strides = array<i32>} : memref<80x128xi32, #tpu.memory_space<vmem>>, vector<1x16xi32>,
      %swap3A_177 = vector.shape_cast %swap3A_176 : vector<1x16xi32> to vector<16xi32>
      %swap3A_178 = vector.shape_cast %select_n3A_173 : vector<16xi32> to vector<1x16xi32>
      tpu.vector_store %arg5[%swap3A_174, %swap3A_175], %swap3A_178 {strides = array<i32>} : memref<80x128xi32, #tpu.memory_space<vmem>>, vector<1x16xi32>,
      %get3A_179 = arith.index_cast %scan3A_38 : i32 to index
      %get3A_180 = arith.constant 112 : index
      %get3A_181 = tpu.vector_load %arg5[%get3A_179, %get3A_180] {strides = array<i32>} : memref<80x128xi32, #tpu.memory_space<vmem>>, vector<1x16xi32>,
      %get3A_182 = vector.shape_cast %get3A_181 : vector<1x16xi32> to vector<16xi32>
      %sub3A_183 = vector.broadcast %mul3A_16 : i32 to vector<16xi32>
      %sub3A_184 = arith.subi %get3A_182, %sub3A_183 : vector<16xi32>
      %ge3A_185 = arith.constant 0 : i32
      %ge3A_186 = vector.broadcast %ge3A_185 : i32 to vector<16xi32>
      %ge3A_187 = arith.cmpi sge, %sub3A_184, %ge3A_186 : vector<16xi32>
      %lt3A_188 = arith.constant 5056 : i32
      %lt3A_189 = vector.broadcast %lt3A_188 : i32 to vector<16xi32>
      %lt3A_190 = arith.cmpi slt, %sub3A_184, %lt3A_189 : vector<16xi32>
      %and3A_191 = arith.andi %ge3A_187, %lt3A_190 : vector<16xi1>
      %jit3A_192 = arith.constant 5056 : i32
      %broadcast_in_dim3A_193 = vector.broadcast %jit3A_192 : i32 to vector<16xi32>
      %select_n3A_194 = arith.select %and3A_191, %sub3A_184, %broadcast_in_dim3A_193 : vector<16xi1>, vector<16xi32>
      %swap3A_195 = arith.index_cast %scan3A_38 : i32 to index
      %swap3A_196 = arith.constant 112 : index
      %swap3A_197 = tpu.vector_load %arg5[%swap3A_195, %swap3A_196] {strides = array<i32>} : memref<80x128xi32, #tpu.memory_space<vmem>>, vector<1x16xi32>,
      %swap3A_198 = vector.shape_cast %swap3A_197 : vector<1x16xi32> to vector<16xi32>
      %swap3A_199 = vector.shape_cast %select_n3A_194 : vector<16xi32> to vector<1x16xi32>
      tpu.vector_store %arg5[%swap3A_195, %swap3A_196], %swap3A_199 {strides = array<i32>} : memref<80x128xi32, #tpu.memory_space<vmem>>, vector<1x16xi32>,
      %scan3A_200 = arith.constant 0 : i32
      scf.yield %scan3A_200 : i32
    }
    %scan3A_23 = arith.constant 80 : i32
    %barrier3A = arith.constant 0 : index
    tpu.barrier barrier_id(%barrier3A)
    %mul3A_24 = arith.constant 10240 : i32
    %mul3A_25 = arith.muli %arg1, %mul3A_24 : i32
    %scan3A_26 = arith.constant 0 : i32
    %scan3A_27 = arith.constant 80 : i32
    %scan3A_28 = arith.addi %scan3A_26, %scan3A_27 : i32
    %scan3A_29 = arith.constant 1 : i32
    scf.for %scan3A_38 = %scan3A_26 to %scan3A_28 step %scan3A_29  : i32 {
      %mul3A_39 = arith.constant 1 : i32
      %mul3A_40 = arith.muli %scan3A_38, %mul3A_39 : i32
      %add3A_41 = arith.constant 0 : i32
      %add3A_42 = arith.addi %add3A_41, %mul3A_40 : i32
      %mul3A_43 = arith.constant 128 : i32
      %mul3A_44 = arith.muli %add3A_42, %mul3A_43 : i32
      %add3A_45 = arith.addi %mul3A_25, %mul3A_44 : i32
      "tpu.region"() ({
        %run_scoped3A = tpu.sem_alloc : memref<!tpu.dma_semaphore, #tpu.memory_space<semaphore_mem>>
        %dma_start3A = arith.constant 0 : i32
        %dma_start3A_46 = tpu.memref_slice %arg2[%add3A_45, %dma_start3A] : memref<163840x128xf32, #tpu.memory_space<hbm>> -> memref<128x128xf32, #tpu.memory_space<hbm>>
        %dma_start3A_47 = arith.constant 0 : i32
        %dma_start3A_48 = tpu.memref_slice %arg2[%add3A_45, %dma_start3A_47] : memref<163840x128xf32, #tpu.memory_space<hbm>> -> memref<128x128xf32, #tpu.memory_space<hbm>>
        tpu.enqueue_dma source(%dma_start3A_48 : memref<128x128xf32, #tpu.memory_space<hbm>>) target(%arg6 : memref<128x128xf32, #tpu.memory_space<vmem>>) target_semaphore(%run_scoped3A : memref<!tpu.dma_semaphore, #tpu.memory_space<semaphore_mem>>)
        %dma_wait3A = arith.constant 0 : i32
        %dma_wait3A_49 = tpu.memref_slice %arg2[%add3A_45, %dma_wait3A] : memref<163840x128xf32, #tpu.memory_space<hbm>> -> memref<128x128xf32, #tpu.memory_space<hbm>>
        %dma_wait3A_50 = arith.constant 0 : i32
        %dma_wait3A_51 = tpu.memref_slice %arg2[%add3A_45, %dma_wait3A_50] : memref<163840x128xf32, #tpu.memory_space<hbm>> -> memref<128x128xf32, #tpu.memory_space<hbm>>
        tpu.wait_dma2 semaphore(%run_scoped3A : memref<!tpu.dma_semaphore, #tpu.memory_space<semaphore_mem>>) src(%dma_wait3A_51 : memref<128x128xf32, #tpu.memory_space<hbm>>) dst(%arg6 : memref<128x128xf32, #tpu.memory_space<vmem>>)
        tpu.yield
      }) : () -> ()
      "tpu.region"() ({
        %run_scoped3A = tpu.sem_alloc : memref<!tpu.dma_semaphore, #tpu.memory_space<semaphore_mem>>
        %dma_start3A = arith.constant 0 : i32
        %dma_start3A_46 = tpu.memref_slice %arg5[%add3A_42, %dma_start3A] : memref<80x128xi32, #tpu.memory_space<vmem>> -> memref<1x128xi32, #tpu.memory_space<vmem>>
        %dma_start3A_47 = tpu.memref_squeeze %dma_start3A_46 : memref<1x128xi32, #tpu.memory_space<vmem>> -> memref<128xi32, #tpu.memory_space<vmem>>
        %dma_start3A_48 = arith.constant 0 : i32
        %dma_start3A_49 = arith.constant 0 : i32
        %dma_start3A_50 = tpu.memref_slice %arg8[%dma_start3A_48, %dma_start3A_49] : memref<5120x128xf32, #tpu.memory_space<vmem_shared>> -> memref<5120x128xf32, #tpu.memory_space<vmem_shared>>
        tpu.enqueue_indirect_dma source(%arg6 : memref<128x128xf32, #tpu.memory_space<vmem>>) target(%dma_start3A_50 : memref<5120x128xf32, #tpu.memory_space<vmem_shared>>) offsets(%dma_start3A_47 : memref<128xi32, #tpu.memory_space<vmem>>) semaphore(%run_scoped3A : memref<!tpu.dma_semaphore, #tpu.memory_space<semaphore_mem>>) {add = true}
        %dma_wait3A = arith.constant 0 : i32
        %dma_wait3A_51 = tpu.memref_slice %arg5[%add3A_42, %dma_wait3A] : memref<80x128xi32, #tpu.memory_space<vmem>> -> memref<1x128xi32, #tpu.memory_space<vmem>>
        %dma_wait3A_52 = tpu.memref_squeeze %dma_wait3A_51 : memref<1x128xi32, #tpu.memory_space<vmem>> -> memref<128xi32, #tpu.memory_space<vmem>>
        %dma_wait3A_53 = arith.constant 0 : i32
        %dma_wait3A_54 = arith.constant 0 : i32
        %dma_wait3A_55 = tpu.memref_slice %arg8[%dma_wait3A_53, %dma_wait3A_54] : memref<5120x128xf32, #tpu.memory_space<vmem_shared>> -> memref<5120x128xf32, #tpu.memory_space<vmem_shared>>
        tpu.wait_indirect_dma semaphore(%run_scoped3A : memref<!tpu.dma_semaphore, #tpu.memory_space<semaphore_mem>>) src(%arg6 : memref<128x128xf32, #tpu.memory_space<vmem>>) dst(%dma_wait3A_55 : memref<5120x128xf32, #tpu.memory_space<vmem_shared>>)
        tpu.yield
      }) : () -> ()
    }
    %scan3A_30 = arith.constant 80 : i32
    %barrier3A_31 = arith.constant 0 : index
    tpu.barrier barrier_id(%barrier3A_31)
    %add3A_32 = arith.constant 0 : i32
    %add3A_33 = arith.addi %mul3A_7, %add3A_32 : i32
    "tpu.region"() ({
      %run_scoped3A = tpu.sem_alloc : memref<!tpu.dma_semaphore, #tpu.memory_space<semaphore_mem>>
      %dma_start3A = arith.constant 0 : i32
      %dma_start3A_38 = tpu.memref_slice %arg8[%add3A_33, %dma_start3A] : memref<5120x128xf32, #tpu.memory_space<vmem_shared>> -> memref<128x128xf32, #tpu.memory_space<vmem_shared>>
      %dma_start3A_39 = arith.constant 0 : i32
      %dma_start3A_40 = tpu.memref_slice %arg8[%add3A_33, %dma_start3A_39] : memref<5120x128xf32, #tpu.memory_space<vmem_shared>> -> memref<128x128xf32, #tpu.memory_space<vmem_shared>>
      tpu.enqueue_dma source(%dma_start3A_40 : memref<128x128xf32, #tpu.memory_space<vmem_shared>>) target(%arg7 : memref<128x128xf32, #tpu.memory_space<vmem>>) target_semaphore(%run_scoped3A : memref<!tpu.dma_semaphore, #tpu.memory_space<semaphore_mem>>)
      %dma_wait3A = arith.constant 0 : i32
      %dma_wait3A_41 = tpu.memref_slice %arg8[%add3A_33, %dma_wait3A] : memref<5120x128xf32, #tpu.memory_space<vmem_shared>> -> memref<128x128xf32, #tpu.memory_space<vmem_shared>>
      %dma_wait3A_42 = arith.constant 0 : i32
      %dma_wait3A_43 = tpu.memref_slice %arg8[%add3A_33, %dma_wait3A_42] : memref<5120x128xf32, #tpu.memory_space<vmem_shared>> -> memref<128x128xf32, #tpu.memory_space<vmem_shared>>
      tpu.wait_dma2 semaphore(%run_scoped3A : memref<!tpu.dma_semaphore, #tpu.memory_space<semaphore_mem>>) src(%dma_wait3A_43 : memref<128x128xf32, #tpu.memory_space<vmem_shared>>) dst(%arg7 : memref<128x128xf32, #tpu.memory_space<vmem>>)
      tpu.yield
    }) : () -> ()
    "tpu.region"() ({
      %run_scoped3A = tpu.sem_alloc : memref<!tpu.dma_semaphore, #tpu.memory_space<semaphore_mem>>
      %dma_start3A = arith.constant 0 : i32
      %dma_start3A_38 = tpu.memref_slice %arg4[%arg0, %add3A_33, %dma_start3A] : memref<2x5120x128xf32, #tpu.memory_space<hbm>> -> memref<1x128x128xf32, #tpu.memory_space<hbm>>
      %dma_start3A_39 = tpu.memref_squeeze %dma_start3A_38 : memref<1x128x128xf32, #tpu.memory_space<hbm>> -> memref<128x128xf32, #tpu.memory_space<hbm>>
      %dma_start3A_40 = arith.constant 0 : i32
      %dma_start3A_41 = tpu.memref_slice %arg4[%arg0, %add3A_33, %dma_start3A_40] : memref<2x5120x128xf32, #tpu.memory_space<hbm>> -> memref<1x128x128xf32, #tpu.memory_space<hbm>>
      %dma_start3A_42 = tpu.memref_squeeze %dma_start3A_41 : memref<1x128x128xf32, #tpu.memory_space<hbm>> -> memref<128x128xf32, #tpu.memory_space<hbm>>
      tpu.enqueue_dma source(%arg7 : memref<128x128xf32, #tpu.memory_space<vmem>>) target(%dma_start3A_42 : memref<128x128xf32, #tpu.memory_space<hbm>>) target_semaphore(%run_scoped3A : memref<!tpu.dma_semaphore, #tpu.memory_space<semaphore_mem>>)
      %dma_wait3A = arith.constant 0 : i32
      %dma_wait3A_43 = tpu.memref_slice %arg4[%arg0, %add3A_33, %dma_wait3A] : memref<2x5120x128xf32, #tpu.memory_space<hbm>> -> memref<1x128x128xf32, #tpu.memory_space<hbm>>
      %dma_wait3A_44 = tpu.memref_squeeze %dma_wait3A_43 : memref<1x128x128xf32, #tpu.memory_space<hbm>> -> memref<128x128xf32, #tpu.memory_space<hbm>>
      %dma_wait3A_45 = arith.constant 0 : i32
      %dma_wait3A_46 = tpu.memref_slice %arg4[%arg0, %add3A_33, %dma_wait3A_45] : memref<2x5120x128xf32, #tpu.memory_space<hbm>> -> memref<1x128x128xf32, #tpu.memory_space<hbm>>
      %dma_wait3A_47 = tpu.memref_squeeze %dma_wait3A_46 : memref<1x128x128xf32, #tpu.memory_space<hbm>> -> memref<128x128xf32, #tpu.memory_space<hbm>>
      tpu.wait_dma2 semaphore(%run_scoped3A : memref<!tpu.dma_semaphore, #tpu.memory_space<semaphore_mem>>) src(%arg7 : memref<128x128xf32, #tpu.memory_space<vmem>>) dst(%dma_wait3A_47 : memref<128x128xf32, #tpu.memory_space<hbm>>)
      tpu.yield
    }) : () -> ()
    %add3A_34 = arith.constant 128 : i32
    %add3A_35 = arith.addi %mul3A_7, %add3A_34 : i32
    "tpu.region"() ({
      %run_scoped3A = tpu.sem_alloc : memref<!tpu.dma_semaphore, #tpu.memory_space<semaphore_mem>>
      %dma_start3A = arith.constant 0 : i32
      %dma_start3A_38 = tpu.memref_slice %arg8[%add3A_35, %dma_start3A] : memref<5120x128xf32, #tpu.memory_space<vmem_shared>> -> memref<128x128xf32, #tpu.memory_space<vmem_shared>>
      %dma_start3A_39 = arith.constant 0 : i32
      %dma_start3A_40 = tpu.memref_slice %arg8[%add3A_35, %dma_start3A_39] : memref<5120x128xf32, #tpu.memory_space<vmem_shared>> -> memref<128x128xf32, #tpu.memory_space<vmem_shared>>
      tpu.enqueue_dma source(%dma_start3A_40 : memref<128x128xf32, #tpu.memory_space<vmem_shared>>) target(%arg7 : memref<128x128xf32, #tpu.memory_space<vmem>>) target_semaphore(%run_scoped3A : memref<!tpu.dma_semaphore, #tpu.memory_space<semaphore_mem>>)
      %dma_wait3A = arith.constant 0 : i32
      %dma_wait3A_41 = tpu.memref_slice %arg8[%add3A_35, %dma_wait3A] : memref<5120x128xf32, #tpu.memory_space<vmem_shared>> -> memref<128x128xf32, #tpu.memory_space<vmem_shared>>
      %dma_wait3A_42 = arith.constant 0 : i32
      %dma_wait3A_43 = tpu.memref_slice %arg8[%add3A_35, %dma_wait3A_42] : memref<5120x128xf32, #tpu.memory_space<vmem_shared>> -> memref<128x128xf32, #tpu.memory_space<vmem_shared>>
      tpu.wait_dma2 semaphore(%run_scoped3A : memref<!tpu.dma_semaphore, #tpu.memory_space<semaphore_mem>>) src(%dma_wait3A_43 : memref<128x128xf32, #tpu.memory_space<vmem_shared>>) dst(%arg7 : memref<128x128xf32, #tpu.memory_space<vmem>>)
      tpu.yield
    }) : () -> ()
    "tpu.region"() ({
      %run_scoped3A = tpu.sem_alloc : memref<!tpu.dma_semaphore, #tpu.memory_space<semaphore_mem>>
      %dma_start3A = arith.constant 0 : i32
      %dma_start3A_38 = tpu.memref_slice %arg4[%arg0, %add3A_35, %dma_start3A] : memref<2x5120x128xf32, #tpu.memory_space<hbm>> -> memref<1x128x128xf32, #tpu.memory_space<hbm>>
      %dma_start3A_39 = tpu.memref_squeeze %dma_start3A_38 : memref<1x128x128xf32, #tpu.memory_space<hbm>> -> memref<128x128xf32, #tpu.memory_space<hbm>>
      %dma_start3A_40 = arith.constant 0 : i32
      %dma_start3A_41 = tpu.memref_slice %arg4[%arg0, %add3A_35, %dma_start3A_40] : memref<2x5120x128xf32, #tpu.memory_space<hbm>> -> memref<1x128x128xf32, #tpu.memory_space<hbm>>
      %dma_start3A_42 = tpu.memref_squeeze %dma_start3A_41 : memref<1x128x128xf32, #tpu.memory_space<hbm>> -> memref<128x128xf32, #tpu.memory_space<hbm>>
      tpu.enqueue_dma source(%arg7 : memref<128x128xf32, #tpu.memory_space<vmem>>) target(%dma_start3A_42 : memref<128x128xf32, #tpu.memory_space<hbm>>) target_semaphore(%run_scoped3A : memref<!tpu.dma_semaphore, #tpu.memory_space<semaphore_mem>>)
      %dma_wait3A = arith.constant 0 : i32
      %dma_wait3A_43 = tpu.memref_slice %arg4[%arg0, %add3A_35, %dma_wait3A] : memref<2x5120x128xf32, #tpu.memory_space<hbm>> -> memref<1x128x128xf32, #tpu.memory_space<hbm>>
      %dma_wait3A_44 = tpu.memref_squeeze %dma_wait3A_43 : memref<1x128x128xf32, #tpu.memory_space<hbm>> -> memref<128x128xf32, #tpu.memory_space<hbm>>
      %dma_wait3A_45 = arith.constant 0 : i32
      %dma_wait3A_46 = tpu.memref_slice %arg4[%arg0, %add3A_35, %dma_wait3A_45] : memref<2x5120x128xf32, #tpu.memory_space<hbm>> -> memref<1x128x128xf32, #tpu.memory_space<hbm>>
      %dma_wait3A_47 = tpu.memref_squeeze %dma_wait3A_46 : memref<1x128x128xf32, #tpu.memory_space<hbm>> -> memref<128x128xf32, #tpu.memory_space<hbm>>
      tpu.wait_dma2 semaphore(%run_scoped3A : memref<!tpu.dma_semaphore, #tpu.memory_space<semaphore_mem>>) src(%arg7 : memref<128x128xf32, #tpu.memory_space<vmem>>) dst(%dma_wait3A_47 : memref<128x128xf32, #tpu.memory_space<hbm>>)
      tpu.yield
    }) : () -> ()
    %add3A_36 = arith.constant 256 : i32
    %add3A_37 = arith.addi %mul3A_7, %add3A_36 : i32
    "tpu.region"() ({
      %run_scoped3A = tpu.sem_alloc : memref<!tpu.dma_semaphore, #tpu.memory_space<semaphore_mem>>
      %dma_start3A = arith.constant 0 : i32
      %dma_start3A_38 = arith.constant 0 : i32
      %dma_start3A_39 = tpu.memref_slice %arg7[%dma_start3A, %dma_start3A_38] : memref<128x128xf32, #tpu.memory_space<vmem>> -> memref<64x128xf32, #tpu.memory_space<vmem>>
      %dma_start3A_40 = arith.constant 0 : i32
      %dma_start3A_41 = tpu.memref_slice %arg8[%add3A_37, %dma_start3A_40] : memref<5120x128xf32, #tpu.memory_space<vmem_shared>> -> memref<64x128xf32, #tpu.memory_space<vmem_shared>>
      %dma_start3A_42 = arith.constant 0 : i32
      %dma_start3A_43 = arith.constant 0 : i32
      %dma_start3A_44 = tpu.memref_slice %arg7[%dma_start3A_42, %dma_start3A_43] : memref<128x128xf32, #tpu.memory_space<vmem>> -> memref<64x128xf32, #tpu.memory_space<vmem>>
      %dma_start3A_45 = arith.constant 0 : i32
      %dma_start3A_46 = tpu.memref_slice %arg8[%add3A_37, %dma_start3A_45] : memref<5120x128xf32, #tpu.memory_space<vmem_shared>> -> memref<64x128xf32, #tpu.memory_space<vmem_shared>>
      tpu.enqueue_dma source(%dma_start3A_46 : memref<64x128xf32, #tpu.memory_space<vmem_shared>>) target(%dma_start3A_44 : memref<64x128xf32, #tpu.memory_space<vmem>>) target_semaphore(%run_scoped3A : memref<!tpu.dma_semaphore, #tpu.memory_space<semaphore_mem>>)
      %dma_wait3A = arith.constant 0 : i32
      %dma_wait3A_47 = arith.constant 0 : i32
      %dma_wait3A_48 = tpu.memref_slice %arg7[%dma_wait3A, %dma_wait3A_47] : memref<128x128xf32, #tpu.memory_space<vmem>> -> memref<64x128xf32, #tpu.memory_space<vmem>>
      %dma_wait3A_49 = arith.constant 0 : i32
      %dma_wait3A_50 = tpu.memref_slice %arg8[%add3A_37, %dma_wait3A_49] : memref<5120x128xf32, #tpu.memory_space<vmem_shared>> -> memref<64x128xf32, #tpu.memory_space<vmem_shared>>
      %dma_wait3A_51 = arith.constant 0 : i32
      %dma_wait3A_52 = arith.constant 0 : i32
      %dma_wait3A_53 = tpu.memref_slice %arg7[%dma_wait3A_51, %dma_wait3A_52] : memref<128x128xf32, #tpu.memory_space<vmem>> -> memref<64x128xf32, #tpu.memory_space<vmem>>
      %dma_wait3A_54 = arith.constant 0 : i32
      %dma_wait3A_55 = tpu.memref_slice %arg8[%add3A_37, %dma_wait3A_54] : memref<5120x128xf32, #tpu.memory_space<vmem_shared>> -> memref<64x128xf32, #tpu.memory_space<vmem_shared>>
      tpu.wait_dma2 semaphore(%run_scoped3A : memref<!tpu.dma_semaphore, #tpu.memory_space<semaphore_mem>>) src(%dma_wait3A_55 : memref<64x128xf32, #tpu.memory_space<vmem_shared>>) dst(%dma_wait3A_53 : memref<64x128xf32, #tpu.memory_space<vmem>>)
      tpu.yield
    }) : () -> ()
    "tpu.region"() ({
      %run_scoped3A = tpu.sem_alloc : memref<!tpu.dma_semaphore, #tpu.memory_space<semaphore_mem>>
      %dma_start3A = arith.constant 0 : i32
      %dma_start3A_38 = arith.constant 0 : i32
      %dma_start3A_39 = tpu.memref_slice %arg7[%dma_start3A, %dma_start3A_38] : memref<128x128xf32, #tpu.memory_space<vmem>> -> memref<64x128xf32, #tpu.memory_space<vmem>>
      %dma_start3A_40 = arith.constant 0 : i32
      %dma_start3A_41 = tpu.memref_slice %arg4[%arg0, %add3A_37, %dma_start3A_40] : memref<2x5120x128xf32, #tpu.memory_space<hbm>> -> memref<1x64x128xf32, #tpu.memory_space<hbm>>
      %dma_start3A_42 = tpu.memref_squeeze %dma_start3A_41 : memref<1x64x128xf32, #tpu.memory_space<hbm>> -> memref<64x128xf32, #tpu.memory_space<hbm>>
      %dma_start3A_43 = arith.constant 0 : i32
      %dma_start3A_44 = tpu.memref_slice %arg4[%arg0, %add3A_37, %dma_start3A_43] : memref<2x5120x128xf32, #tpu.memory_space<hbm>> -> memref<1x64x128xf32, #tpu.memory_space<hbm>>
      %dma_start3A_45 = tpu.memref_squeeze %dma_start3A_44 : memref<1x64x128xf32, #tpu.memory_space<hbm>> -> memref<64x128xf32, #tpu.memory_space<hbm>>
      %dma_start3A_46 = arith.constant 0 : i32
      %dma_start3A_47 = arith.constant 0 : i32
      %dma_start3A_48 = tpu.memref_slice %arg7[%dma_start3A_46, %dma_start3A_47] : memref<128x128xf32, #tpu.memory_space<vmem>> -> memref<64x128xf32, #tpu.memory_space<vmem>>
      tpu.enqueue_dma source(%dma_start3A_48 : memref<64x128xf32, #tpu.memory_space<vmem>>) target(%dma_start3A_45 : memref<64x128xf32, #tpu.memory_space<hbm>>) target_semaphore(%run_scoped3A : memref<!tpu.dma_semaphore, #tpu.memory_space<semaphore_mem>>)
      %dma_wait3A = arith.constant 0 : i32
      %dma_wait3A_49 = arith.constant 0 : i32
      %dma_wait3A_50 = tpu.memref_slice %arg7[%dma_wait3A, %dma_wait3A_49] : memref<128x128xf32, #tpu.memory_space<vmem>> -> memref<64x128xf32, #tpu.memory_space<vmem>>
      %dma_wait3A_51 = arith.constant 0 : i32
      %dma_wait3A_52 = tpu.memref_slice %arg4[%arg0, %add3A_37, %dma_wait3A_51] : memref<2x5120x128xf32, #tpu.memory_space<hbm>> -> memref<1x64x128xf32, #tpu.memory_space<hbm>>
      %dma_wait3A_53 = tpu.memref_squeeze %dma_wait3A_52 : memref<1x64x128xf32, #tpu.memory_space<hbm>> -> memref<64x128xf32, #tpu.memory_space<hbm>>
      %dma_wait3A_54 = arith.constant 0 : i32
      %dma_wait3A_55 = tpu.memref_slice %arg4[%arg0, %add3A_37, %dma_wait3A_54] : memref<2x5120x128xf32, #tpu.memory_space<hbm>> -> memref<1x64x128xf32, #tpu.memory_space<hbm>>
      %dma_wait3A_56 = tpu.memref_squeeze %dma_wait3A_55 : memref<1x64x128xf32, #tpu.memory_space<hbm>> -> memref<64x128xf32, #tpu.memory_space<hbm>>
      %dma_wait3A_57 = arith.constant 0 : i32
      %dma_wait3A_58 = arith.constant 0 : i32
      %dma_wait3A_59 = tpu.memref_slice %arg7[%dma_wait3A_57, %dma_wait3A_58] : memref<128x128xf32, #tpu.memory_space<vmem>> -> memref<64x128xf32, #tpu.memory_space<vmem>>
      tpu.wait_dma2 semaphore(%run_scoped3A : memref<!tpu.dma_semaphore, #tpu.memory_space<semaphore_mem>>) src(%dma_wait3A_59 : memref<64x128xf32, #tpu.memory_space<vmem>>) dst(%dma_wait3A_56 : memref<64x128xf32, #tpu.memory_space<hbm>>)
      tpu.yield
    }) : () -> ()
    return
  }
}

#map = affine_map<(d0, d1) -> (0, 0)>
module attributes {stable_mosaic.version = 14 : i64} {
  func.func @k(%arg0: i32, %arg1: i32, %arg2: memref<163840x64xf32, #tpu.memory_space<hbm>>, %arg3: memref<10000x128xf32, #tpu.memory_space<hbm>>, %arg4: memref<1280x128xi32, #tpu.memory_space<hbm>>, %arg5: memref<163840x64xf32, #tpu.memory_space<hbm>>, %arg6: memref<40x128xi32, #tpu.memory_space<vmem>>, %arg7: memref<128x64xf32, #tpu.memory_space<vmem>>, %arg8: memref<128x128xf32, #tpu.memory_space<vmem>>, %arg9: memref<!tpu.dma_semaphore, #tpu.memory_space<semaphore_mem>>) attributes {dimension_semantics = [#tpu.dimension_semantics<core_parallel>, #tpu.dimension_semantics<subcore_parallel>], iteration_bounds = array<i64: 2, 16>, scalar_prefetch = 0 : i64, scratch_operands = 4 : i64, tpu.core_type = #tpu.core_type<sc_vector_subcore>, window_params = [{transform_indices = #map}, {transform_indices = #map}, {transform_indices = #map}, {transform_indices = #map}]} {
    %mul3A = arith.constant 16 : i32
    %mul3A_0 = arith.muli %arg0, %mul3A : i32
    %add3A = arith.addi %mul3A_0, %arg1 : i32
    %mul3A_1 = arith.constant 5120 : i32
    %mul3A_2 = arith.muli %add3A, %mul3A_1 : i32
    %mul3A_3 = arith.constant 40 : i32
    %mul3A_4 = arith.muli %add3A, %mul3A_3 : i32
    "tpu.region"() ({
      %run_scoped3A = tpu.sem_alloc : memref<!tpu.dma_semaphore, #tpu.memory_space<semaphore_mem>>
      %dma_start3A = arith.constant 0 : i32
      %dma_start3A_9 = tpu.memref_slice %arg4[%mul3A_4, %dma_start3A] : memref<1280x128xi32, #tpu.memory_space<hbm>> -> memref<40x128xi32, #tpu.memory_space<hbm>>
      %dma_start3A_10 = arith.constant 0 : i32
      %dma_start3A_11 = tpu.memref_slice %arg4[%mul3A_4, %dma_start3A_10] : memref<1280x128xi32, #tpu.memory_space<hbm>> -> memref<40x128xi32, #tpu.memory_space<hbm>>
      tpu.enqueue_dma source(%dma_start3A_11 : memref<40x128xi32, #tpu.memory_space<hbm>>) target(%arg6 : memref<40x128xi32, #tpu.memory_space<vmem>>) target_semaphore(%run_scoped3A : memref<!tpu.dma_semaphore, #tpu.memory_space<semaphore_mem>>)
      %dma_wait3A = arith.constant 0 : i32
      %dma_wait3A_12 = tpu.memref_slice %arg4[%mul3A_4, %dma_wait3A] : memref<1280x128xi32, #tpu.memory_space<hbm>> -> memref<40x128xi32, #tpu.memory_space<hbm>>
      %dma_wait3A_13 = arith.constant 0 : i32
      %dma_wait3A_14 = tpu.memref_slice %arg4[%mul3A_4, %dma_wait3A_13] : memref<1280x128xi32, #tpu.memory_space<hbm>> -> memref<40x128xi32, #tpu.memory_space<hbm>>
      tpu.wait_dma2 semaphore(%run_scoped3A : memref<!tpu.dma_semaphore, #tpu.memory_space<semaphore_mem>>) src(%dma_wait3A_14 : memref<40x128xi32, #tpu.memory_space<hbm>>) dst(%arg6 : memref<40x128xi32, #tpu.memory_space<vmem>>)
      tpu.yield
    }) : () -> ()
    %scan3A = arith.constant 0 : i32
    %scan3A_5 = arith.constant 40 : i32
    %scan3A_6 = arith.addi %scan3A, %scan3A_5 : i32
    %scan3A_7 = arith.constant 1 : i32
    scf.for %scan3A_9 = %scan3A to %scan3A_6 step %scan3A_7  : i32 {
      %mul3A_10 = arith.constant 1 : i32
      %mul3A_11 = arith.muli %scan3A_9, %mul3A_10 : i32
      %add3A_12 = arith.constant 0 : i32
      %add3A_13 = arith.addi %add3A_12, %mul3A_11 : i32
      %mul3A_14 = arith.constant 128 : i32
      %mul3A_15 = arith.muli %add3A_13, %mul3A_14 : i32
      %add3A_16 = arith.addi %mul3A_2, %mul3A_15 : i32
      "tpu.region"() ({
        %run_scoped3A = tpu.sem_alloc : memref<!tpu.dma_semaphore, #tpu.memory_space<semaphore_mem>>
        %dma_start3A_34 = arith.constant 0 : i32
        %dma_start3A_35 = tpu.memref_slice %arg2[%add3A_16, %dma_start3A_34] : memref<163840x64xf32, #tpu.memory_space<hbm>> -> memref<128x64xf32, #tpu.memory_space<hbm>>
        %dma_start3A_36 = arith.constant 0 : i32
        %dma_start3A_37 = tpu.memref_slice %arg2[%add3A_16, %dma_start3A_36] : memref<163840x64xf32, #tpu.memory_space<hbm>> -> memref<128x64xf32, #tpu.memory_space<hbm>>
        tpu.enqueue_dma source(%dma_start3A_37 : memref<128x64xf32, #tpu.memory_space<hbm>>) target(%arg7 : memref<128x64xf32, #tpu.memory_space<vmem>>) target_semaphore(%run_scoped3A : memref<!tpu.dma_semaphore, #tpu.memory_space<semaphore_mem>>)
        %dma_wait3A_38 = arith.constant 0 : i32
        %dma_wait3A_39 = tpu.memref_slice %arg2[%add3A_16, %dma_wait3A_38] : memref<163840x64xf32, #tpu.memory_space<hbm>> -> memref<128x64xf32, #tpu.memory_space<hbm>>
        %dma_wait3A_40 = arith.constant 0 : i32
        %dma_wait3A_41 = tpu.memref_slice %arg2[%add3A_16, %dma_wait3A_40] : memref<163840x64xf32, #tpu.memory_space<hbm>> -> memref<128x64xf32, #tpu.memory_space<hbm>>
        tpu.wait_dma2 semaphore(%run_scoped3A : memref<!tpu.dma_semaphore, #tpu.memory_space<semaphore_mem>>) src(%dma_wait3A_41 : memref<128x64xf32, #tpu.memory_space<hbm>>) dst(%arg7 : memref<128x64xf32, #tpu.memory_space<vmem>>)
        tpu.yield
      }) : () -> ()
      %dma_start3A = arith.constant 0 : i32
      %dma_start3A_17 = tpu.memref_slice %arg6[%add3A_13, %dma_start3A] : memref<40x128xi32, #tpu.memory_space<vmem>> -> memref<1x128xi32, #tpu.memory_space<vmem>>
      %dma_start3A_18 = tpu.memref_squeeze %dma_start3A_17 : memref<1x128xi32, #tpu.memory_space<vmem>> -> memref<128xi32, #tpu.memory_space<vmem>>
      %dma_start3A_19 = arith.constant 0 : i32
      %dma_start3A_20 = arith.constant 0 : i32
      %dma_start3A_21 = tpu.memref_slice %arg3[%dma_start3A_19, %dma_start3A_20] : memref<10000x128xf32, #tpu.memory_space<hbm>> -> memref<10000x128xf32, #tpu.memory_space<hbm>>
      tpu.enqueue_indirect_dma source(%dma_start3A_21 : memref<10000x128xf32, #tpu.memory_space<hbm>>) target(%arg8 : memref<128x128xf32, #tpu.memory_space<vmem>>) offsets(%dma_start3A_18 : memref<128xi32, #tpu.memory_space<vmem>>) semaphore(%arg9 : memref<!tpu.dma_semaphore, #tpu.memory_space<semaphore_mem>>)
      %dma_wait3A = arith.constant 0 : i32
      %dma_wait3A_22 = tpu.memref_slice %arg6[%add3A_13, %dma_wait3A] : memref<40x128xi32, #tpu.memory_space<vmem>> -> memref<1x128xi32, #tpu.memory_space<vmem>>
      %dma_wait3A_23 = tpu.memref_squeeze %dma_wait3A_22 : memref<1x128xi32, #tpu.memory_space<vmem>> -> memref<128xi32, #tpu.memory_space<vmem>>
      %dma_wait3A_24 = arith.constant 0 : i32
      %dma_wait3A_25 = arith.constant 0 : i32
      %dma_wait3A_26 = tpu.memref_slice %arg3[%dma_wait3A_24, %dma_wait3A_25] : memref<10000x128xf32, #tpu.memory_space<hbm>> -> memref<10000x128xf32, #tpu.memory_space<hbm>>
      tpu.wait_indirect_dma semaphore(%arg9 : memref<!tpu.dma_semaphore, #tpu.memory_space<semaphore_mem>>) src(%dma_wait3A_26 : memref<10000x128xf32, #tpu.memory_space<hbm>>) dst(%arg8 : memref<128x128xf32, #tpu.memory_space<vmem>>)
      %scan3A_27 = arith.constant 0 : i32
      %scan3A_28 = arith.constant 0 : i32
      %scan3A_29 = arith.constant 128 : i32
      %scan3A_30 = arith.addi %scan3A_28, %scan3A_29 : i32
      %scan3A_31 = arith.constant 1 : i32
      %scan3A_32 = scf.for %scan3A_34 = %scan3A_28 to %scan3A_30 step %scan3A_31 iter_args(%scan3A_35 = %scan3A_27) -> (i32)  : i32 {
        %get3A = arith.index_cast %scan3A_34 : i32 to index
        %get3A_36 = arith.constant 0 : index
        %get3A_37 = tpu.vector_load %arg7[%get3A, %get3A_36] {strides = array<i32>} : memref<128x64xf32, #tpu.memory_space<vmem>>, vector<1x16xf32>,
        %get3A_38 = vector.shape_cast %get3A_37 : vector<1x16xf32> to vector<16xf32>
        %get3A_39 = arith.index_cast %scan3A_34 : i32 to index
        %get3A_40 = arith.constant 0 : index
        %get3A_41 = tpu.vector_load %arg8[%get3A_39, %get3A_40] {strides = array<i32>} : memref<128x128xf32, #tpu.memory_space<vmem>>, vector<1x16xf32>,
        %get3A_42 = vector.shape_cast %get3A_41 : vector<1x16xf32> to vector<16xf32>
        %add3A_43 = arith.addf %get3A_38, %get3A_42 : vector<16xf32>
        %swap3A = arith.index_cast %scan3A_34 : i32 to index
        %swap3A_44 = arith.constant 0 : index
        %swap3A_45 = tpu.vector_load %arg7[%swap3A, %swap3A_44] {strides = array<i32>} : memref<128x64xf32, #tpu.memory_space<vmem>>, vector<1x16xf32>,
        %swap3A_46 = vector.shape_cast %swap3A_45 : vector<1x16xf32> to vector<16xf32>
        %swap3A_47 = vector.shape_cast %add3A_43 : vector<16xf32> to vector<1x16xf32>
        tpu.vector_store %arg7[%swap3A, %swap3A_44], %swap3A_47 {strides = array<i32>} : memref<128x64xf32, #tpu.memory_space<vmem>>, vector<1x16xf32>,
        %get3A_48 = arith.index_cast %scan3A_34 : i32 to index
        %get3A_49 = arith.constant 16 : index
        %get3A_50 = tpu.vector_load %arg7[%get3A_48, %get3A_49] {strides = array<i32>} : memref<128x64xf32, #tpu.memory_space<vmem>>, vector<1x16xf32>,
        %get3A_51 = vector.shape_cast %get3A_50 : vector<1x16xf32> to vector<16xf32>
        %get3A_52 = arith.index_cast %scan3A_34 : i32 to index
        %get3A_53 = arith.constant 16 : index
        %get3A_54 = tpu.vector_load %arg8[%get3A_52, %get3A_53] {strides = array<i32>} : memref<128x128xf32, #tpu.memory_space<vmem>>, vector<1x16xf32>,
        %get3A_55 = vector.shape_cast %get3A_54 : vector<1x16xf32> to vector<16xf32>
        %add3A_56 = arith.addf %get3A_51, %get3A_55 : vector<16xf32>
        %swap3A_57 = arith.index_cast %scan3A_34 : i32 to index
        %swap3A_58 = arith.constant 16 : index
        %swap3A_59 = tpu.vector_load %arg7[%swap3A_57, %swap3A_58] {strides = array<i32>} : memref<128x64xf32, #tpu.memory_space<vmem>>, vector<1x16xf32>,
        %swap3A_60 = vector.shape_cast %swap3A_59 : vector<1x16xf32> to vector<16xf32>
        %swap3A_61 = vector.shape_cast %add3A_56 : vector<16xf32> to vector<1x16xf32>
        tpu.vector_store %arg7[%swap3A_57, %swap3A_58], %swap3A_61 {strides = array<i32>} : memref<128x64xf32, #tpu.memory_space<vmem>>, vector<1x16xf32>,
        %get3A_62 = arith.index_cast %scan3A_34 : i32 to index
        %get3A_63 = arith.constant 32 : index
        %get3A_64 = tpu.vector_load %arg7[%get3A_62, %get3A_63] {strides = array<i32>} : memref<128x64xf32, #tpu.memory_space<vmem>>, vector<1x16xf32>,
        %get3A_65 = vector.shape_cast %get3A_64 : vector<1x16xf32> to vector<16xf32>
        %get3A_66 = arith.index_cast %scan3A_34 : i32 to index
        %get3A_67 = arith.constant 32 : index
        %get3A_68 = tpu.vector_load %arg8[%get3A_66, %get3A_67] {strides = array<i32>} : memref<128x128xf32, #tpu.memory_space<vmem>>, vector<1x16xf32>,
        %get3A_69 = vector.shape_cast %get3A_68 : vector<1x16xf32> to vector<16xf32>
        %add3A_70 = arith.addf %get3A_65, %get3A_69 : vector<16xf32>
        %swap3A_71 = arith.index_cast %scan3A_34 : i32 to index
        %swap3A_72 = arith.constant 32 : index
        %swap3A_73 = tpu.vector_load %arg7[%swap3A_71, %swap3A_72] {strides = array<i32>} : memref<128x64xf32, #tpu.memory_space<vmem>>, vector<1x16xf32>,
        %swap3A_74 = vector.shape_cast %swap3A_73 : vector<1x16xf32> to vector<16xf32>
        %swap3A_75 = vector.shape_cast %add3A_70 : vector<16xf32> to vector<1x16xf32>
        tpu.vector_store %arg7[%swap3A_71, %swap3A_72], %swap3A_75 {strides = array<i32>} : memref<128x64xf32, #tpu.memory_space<vmem>>, vector<1x16xf32>,
        %get3A_76 = arith.index_cast %scan3A_34 : i32 to index
        %get3A_77 = arith.constant 48 : index
        %get3A_78 = tpu.vector_load %arg7[%get3A_76, %get3A_77] {strides = array<i32>} : memref<128x64xf32, #tpu.memory_space<vmem>>, vector<1x16xf32>,
        %get3A_79 = vector.shape_cast %get3A_78 : vector<1x16xf32> to vector<16xf32>
        %get3A_80 = arith.index_cast %scan3A_34 : i32 to index
        %get3A_81 = arith.constant 48 : index
        %get3A_82 = tpu.vector_load %arg8[%get3A_80, %get3A_81] {strides = array<i32>} : memref<128x128xf32, #tpu.memory_space<vmem>>, vector<1x16xf32>,
        %get3A_83 = vector.shape_cast %get3A_82 : vector<1x16xf32> to vector<16xf32>
        %add3A_84 = arith.addf %get3A_79, %get3A_83 : vector<16xf32>
        %swap3A_85 = arith.index_cast %scan3A_34 : i32 to index
        %swap3A_86 = arith.constant 48 : index
        %swap3A_87 = tpu.vector_load %arg7[%swap3A_85, %swap3A_86] {strides = array<i32>} : memref<128x64xf32, #tpu.memory_space<vmem>>, vector<1x16xf32>,
        %swap3A_88 = vector.shape_cast %swap3A_87 : vector<1x16xf32> to vector<16xf32>
        %swap3A_89 = vector.shape_cast %add3A_84 : vector<16xf32> to vector<1x16xf32>
        tpu.vector_store %arg7[%swap3A_85, %swap3A_86], %swap3A_89 {strides = array<i32>} : memref<128x64xf32, #tpu.memory_space<vmem>>, vector<1x16xf32>,
        %scan3A_90 = arith.constant 0 : i32
        scf.yield %scan3A_90 : i32
      }
      %scan3A_33 = arith.constant 128 : i32
      "tpu.region"() ({
        %run_scoped3A = tpu.sem_alloc : memref<!tpu.dma_semaphore, #tpu.memory_space<semaphore_mem>>
        %dma_start3A_34 = arith.constant 0 : i32
        %dma_start3A_35 = tpu.memref_slice %arg5[%add3A_16, %dma_start3A_34] : memref<163840x64xf32, #tpu.memory_space<hbm>> -> memref<128x64xf32, #tpu.memory_space<hbm>>
        %dma_start3A_36 = arith.constant 0 : i32
        %dma_start3A_37 = tpu.memref_slice %arg5[%add3A_16, %dma_start3A_36] : memref<163840x64xf32, #tpu.memory_space<hbm>> -> memref<128x64xf32, #tpu.memory_space<hbm>>
        tpu.enqueue_dma source(%arg7 : memref<128x64xf32, #tpu.memory_space<vmem>>) target(%dma_start3A_37 : memref<128x64xf32, #tpu.memory_space<hbm>>) target_semaphore(%run_scoped3A : memref<!tpu.dma_semaphore, #tpu.memory_space<semaphore_mem>>)
        %dma_wait3A_38 = arith.constant 0 : i32
        %dma_wait3A_39 = tpu.memref_slice %arg5[%add3A_16, %dma_wait3A_38] : memref<163840x64xf32, #tpu.memory_space<hbm>> -> memref<128x64xf32, #tpu.memory_space<hbm>>
        %dma_wait3A_40 = arith.constant 0 : i32
        %dma_wait3A_41 = tpu.memref_slice %arg5[%add3A_16, %dma_wait3A_40] : memref<163840x64xf32, #tpu.memory_space<hbm>> -> memref<128x64xf32, #tpu.memory_space<hbm>>
        tpu.wait_dma2 semaphore(%run_scoped3A : memref<!tpu.dma_semaphore, #tpu.memory_space<semaphore_mem>>) src(%arg7 : memref<128x64xf32, #tpu.memory_space<vmem>>) dst(%dma_wait3A_41 : memref<128x64xf32, #tpu.memory_space<hbm>>)
        tpu.yield
      }) : () -> ()
    }
    %scan3A_8 = arith.constant 40 : i32
    return
  }
}

module attributes {stable_mosaic.version = 14 : i64} {
  func.func @stats_body(%arg0: i32, %arg1: memref<1280x4xf32, #tpu.memory_space<vmem>>, %arg2: memref<4x128xf32, #tpu.memory_space<vmem>>, %arg3: memref<1x128xf32, #tpu.memory_space<vmem>>, %arg4: memref<2x128xf32, #tpu.memory_space<vmem>>) attributes {dimension_semantics = [#tpu.dimension_semantics<arbitrary>], iteration_bounds = array<i64: 125>, scalar_prefetch = 0 : i64, scratch_operands = 0 : i64, tpu.core_type = #tpu.core_type<tc>, window_params = [{transform_indices = @transform_0, window_bounds = array<i64: 1280, 4>}, {pipeline_mode = #tpu.pipeline_mode<synchronous>, transform_indices = @transform_1, window_bounds = array<i64: 4, 128>}, {pipeline_mode = #tpu.pipeline_mode<synchronous>, transform_indices = @transform_2, window_bounds = array<i64: 1, 128>}, {pipeline_mode = #tpu.pipeline_mode<synchronous>, transform_indices = @transform_3, window_bounds = array<i64: 2, 128>}]} {
    %get3A = arith.constant 0 : index
    %get3A_0 = arith.constant 0 : index
    %get3A_1 = vector.load %arg1[%get3A, %get3A_0] : memref<1280x4xf32, #tpu.memory_space<vmem>>, vector<1280x4xf32>
    %get3A_2 = arith.constant 0 : index
    %get3A_3 = arith.constant 0 : index
    %get3A_4 = vector.load %arg2[%get3A_2, %get3A_3] : memref<4x128xf32, #tpu.memory_space<vmem>>, vector<4x128xf32>
    %dot_general3A = arith.constant dense<0.000000e+00> : vector<1280x128xf32>
    %dot_general3A_5 = tpu.matmul %get3A_1, %get3A_4, %dot_general3A {dimension_numbers = #tpu.dot_dimension_numbers<[1], [0], [0], [1], [0, 0, 1, 1], [], []>, transpose_lhs_hint = false} : vector<1280x4xf32>, vector<4x128xf32>, vector<1280x128xf32> -> vector<1280x128xf32>
    %get3A_6 = arith.constant 0 : index
    %get3A_7 = arith.constant 0 : index
    %get3A_8 = vector.load %arg3[%get3A_6, %get3A_7] : memref<1x128xf32, #tpu.memory_space<vmem>>, vector<1x128xf32>
    %add3A = vector.broadcast %get3A_8 : vector<1x128xf32> to vector<1280x128xf32>
    %add3A_9 = arith.addf %dot_general3A_5, %add3A : vector<1280x128xf32>
    %eq3A = arith.constant 0 : i32
    %eq3A_10 = arith.cmpi eq, %arg0, %eq3A : i32
    %convert_element_type3A = arith.extui %eq3A_10 : i1 to i32
    %cond3A = arith.constant 0 : i32
    %cond3A_11 = arith.cmpi ne, %convert_element_type3A, %cond3A : i32
    scf.if %cond3A_11 {
      %broadcast_in_dim3A_29 = arith.constant 0.000000e+00 : f32
      %broadcast_in_dim3A_30 = vector.broadcast %broadcast_in_dim3A_29 : f32 to vector<2x128xf32>
      %swap3A_31 = arith.constant 0 : index
      %swap3A_32 = arith.constant 0 : index
      %swap3A_33 = vector.load %arg4[%swap3A_31, %swap3A_32] : memref<2x128xf32, #tpu.memory_space<vmem>>, vector<2x128xf32>
      tpu.vector_store %arg4[%swap3A_31, %swap3A_32], %broadcast_in_dim3A_30 {strides = array<i32>} : memref<2x128xf32, #tpu.memory_space<vmem>>, vector<2x128xf32>,
    } else {
    }
    %get3A_12 = arith.constant 0 : index
    %get3A_13 = arith.constant 0 : index
    %get3A_14 = vector.load %arg4[%get3A_12, %get3A_13] : memref<2x128xf32, #tpu.memory_space<vmem>>, vector<1x128xf32>
    %reduce_sum3A = arith.constant dense<0.000000e+00> : vector<128xf32>
    %reduce_sum3A_15 = vector.multi_reduction <add>, %add3A_9, %reduce_sum3A [0] : vector<1280x128xf32> to vector<128xf32>
    %broadcast_in_dim3A = vector.shape_cast %reduce_sum3A_15 : vector<128xf32> to vector<1x128xf32>
    %add3A_16 = arith.addf %get3A_14, %broadcast_in_dim3A : vector<1x128xf32>
    %swap3A = arith.constant 0 : index
    %swap3A_17 = arith.constant 0 : index
    %swap3A_18 = vector.load %arg4[%swap3A, %swap3A_17] : memref<2x128xf32, #tpu.memory_space<vmem>>, vector<1x128xf32>
    tpu.vector_store %arg4[%swap3A, %swap3A_17], %add3A_16 {strides = array<i32>} : memref<2x128xf32, #tpu.memory_space<vmem>>, vector<1x128xf32>,
    %get3A_19 = arith.constant 1 : index
    %get3A_20 = arith.constant 0 : index
    %get3A_21 = vector.load %arg4[%get3A_19, %get3A_20] : memref<2x128xf32, #tpu.memory_space<vmem>>, vector<1x128xf32>
    %mul3A = arith.mulf %add3A_9, %add3A_9 : vector<1280x128xf32>
    %reduce_sum3A_22 = arith.constant dense<0.000000e+00> : vector<128xf32>
    %reduce_sum3A_23 = vector.multi_reduction <add>, %mul3A, %reduce_sum3A_22 [0] : vector<1280x128xf32> to vector<128xf32>
    %broadcast_in_dim3A_24 = vector.shape_cast %reduce_sum3A_23 : vector<128xf32> to vector<1x128xf32>
    %add3A_25 = arith.addf %get3A_21, %broadcast_in_dim3A_24 : vector<1x128xf32>
    %swap3A_26 = arith.constant 1 : index
    %swap3A_27 = arith.constant 0 : index
    %swap3A_28 = vector.load %arg4[%swap3A_26, %swap3A_27] : memref<2x128xf32, #tpu.memory_space<vmem>>, vector<1x128xf32>
    tpu.vector_store %arg4[%swap3A_26, %swap3A_27], %add3A_25 {strides = array<i32>} : memref<2x128xf32, #tpu.memory_space<vmem>>, vector<1x128xf32>,
    return
  }
  func.func @transform_0(%arg0: i32) -> (i32, i32) {
    %c0_i32 = arith.constant 0 : i32
    %c0_i32_0 = arith.constant 0 : i32
    return %arg0, %c0_i32 : i32, i32
  }
  func.func @transform_1(%arg0: i32) -> (i32, i32) {
    %c0_i32 = arith.constant 0 : i32
    %c0_i32_0 = arith.constant 0 : i32
    %c0_i32_1 = arith.constant 0 : i32
    return %c0_i32, %c0_i32_0 : i32, i32
  }
  func.func @transform_2(%arg0: i32) -> (i32, i32) {
    %c0_i32 = arith.constant 0 : i32
    %c0_i32_0 = arith.constant 0 : i32
    %c0_i32_1 = arith.constant 0 : i32
    return %c0_i32, %c0_i32_0 : i32, i32
  }
  func.func @transform_3(%arg0: i32) -> (i32, i32) {
    %c0_i32 = arith.constant 0 : i32
    %c0_i32_0 = arith.constant 0 : i32
    %c0_i32_1 = arith.constant 0 : i32
    return %c0_i32, %c0_i32_0 : i32, i32
  }
}

module attributes {stable_mosaic.version = 14 : i64} {
  func.func @apply_body(%arg0: i32, %arg1: memref<1280x4xf32, #tpu.memory_space<vmem>>, %arg2: memref<2x128xf32, #tpu.memory_space<vmem>>, %arg3: memref<4x128xf32, #tpu.memory_space<vmem>>, %arg4: memref<1x128xf32, #tpu.memory_space<vmem>>, %arg5: memref<1x128xf32, #tpu.memory_space<vmem>>, %arg6: memref<1x128xf32, #tpu.memory_space<vmem>>, %arg7: memref<128x64xf32, #tpu.memory_space<vmem>>, %arg8: memref<1x64xf32, #tpu.memory_space<vmem>>, %arg9: memref<1280x64xf32, #tpu.memory_space<vmem>>) attributes {dimension_semantics = [#tpu.dimension_semantics<arbitrary>], iteration_bounds = array<i64: 128>, scalar_prefetch = 0 : i64, scratch_operands = 0 : i64, tpu.core_type = #tpu.core_type<tc>, window_params = [{transform_indices = @transform_0, window_bounds = array<i64: 1280, 4>}, {pipeline_mode = #tpu.pipeline_mode<synchronous>, transform_indices = @transform_1, window_bounds = array<i64: 2, 128>}, {pipeline_mode = #tpu.pipeline_mode<synchronous>, transform_indices = @transform_2, window_bounds = array<i64: 4, 128>}, {pipeline_mode = #tpu.pipeline_mode<synchronous>, transform_indices = @transform_3, window_bounds = array<i64: 1, 128>}, {pipeline_mode = #tpu.pipeline_mode<synchronous>, transform_indices = @transform_4, window_bounds = array<i64: 1, 128>}, {pipeline_mode = #tpu.pipeline_mode<synchronous>, transform_indices = @transform_5, window_bounds = array<i64: 1, 128>}, {pipeline_mode = #tpu.pipeline_mode<synchronous>, transform_indices = @transform_6, window_bounds = array<i64: 128, 64>}, {pipeline_mode = #tpu.pipeline_mode<synchronous>, transform_indices = @transform_7, window_bounds = array<i64: 1, 64>}, {transform_indices = @transform_8, window_bounds = array<i64: 1280, 64>}]} {
    %get3A = arith.constant 0 : index
    %get3A_0 = arith.constant 0 : index
    %get3A_1 = vector.load %arg1[%get3A, %get3A_0] : memref<1280x4xf32, #tpu.memory_space<vmem>>, vector<1280x4xf32>
    %get3A_2 = arith.constant 0 : index
    %get3A_3 = arith.constant 0 : index
    %get3A_4 = vector.load %arg3[%get3A_2, %get3A_3] : memref<4x128xf32, #tpu.memory_space<vmem>>, vector<4x128xf32>
    %dot_general3A = arith.constant dense<0.000000e+00> : vector<1280x128xf32>
    %dot_general3A_5 = tpu.matmul %get3A_1, %get3A_4, %dot_general3A {dimension_numbers = #tpu.dot_dimension_numbers<[1], [0], [0], [1], [0, 0, 1, 1], [], []>, transpose_lhs_hint = false} : vector<1280x4xf32>, vector<4x128xf32>, vector<1280x128xf32> -> vector<1280x128xf32>
    %get3A_6 = arith.constant 0 : index
    %get3A_7 = arith.constant 0 : index
    %get3A_8 = vector.load %arg4[%get3A_6, %get3A_7] : memref<1x128xf32, #tpu.memory_space<vmem>>, vector<1x128xf32>
    %add3A = vector.broadcast %get3A_8 : vector<1x128xf32> to vector<1280x128xf32>
    %add3A_9 = arith.addf %dot_general3A_5, %add3A : vector<1280x128xf32>
    %get3A_10 = arith.constant 0 : index
    %get3A_11 = arith.constant 0 : index
    %get3A_12 = vector.load %arg2[%get3A_10, %get3A_11] : memref<2x128xf32, #tpu.memory_space<vmem>>, vector<1x128xf32>
    %mul3A = arith.constant 6.250000e-06 : f32
    %mul3A_13 = vector.broadcast %mul3A : f32 to vector<1x128xf32>
    %mul3A_14 = arith.mulf %get3A_12, %mul3A_13 : vector<1x128xf32>
    %get3A_15 = arith.constant 1 : index
    %get3A_16 = arith.constant 0 : index
    %get3A_17 = vector.load %arg2[%get3A_15, %get3A_16] : memref<2x128xf32, #tpu.memory_space<vmem>>, vector<1x128xf32>
    %mul3A_18 = arith.constant 6.250000e-06 : f32
    %mul3A_19 = vector.broadcast %mul3A_18 : f32 to vector<1x128xf32>
    %mul3A_20 = arith.mulf %get3A_17, %mul3A_19 : vector<1x128xf32>
    %mul3A_21 = arith.mulf %mul3A_14, %mul3A_14 : vector<1x128xf32>
    %sub3A = arith.subf %mul3A_20, %mul3A_21 : vector<1x128xf32>
    %sub3A_22 = vector.broadcast %mul3A_14 : vector<1x128xf32> to vector<1280x128xf32>
    %sub3A_23 = arith.subf %add3A_9, %sub3A_22 : vector<1280x128xf32>
    %add3A_24 = arith.constant 9.99999974E-6 : f32
    %add3A_25 = vector.broadcast %add3A_24 : f32 to vector<1x128xf32>
    %add3A_26 = arith.addf %sub3A, %add3A_25 : vector<1x128xf32>
    %rsqrt3A = math.rsqrt %add3A_26 : vector<1x128xf32>
    %mul3A_27 = vector.broadcast %rsqrt3A : vector<1x128xf32> to vector<1280x128xf32>
    %mul3A_28 = arith.mulf %sub3A_23, %mul3A_27 : vector<1280x128xf32>
    %get3A_29 = arith.constant 0 : index
    %get3A_30 = arith.constant 0 : index
    %get3A_31 = vector.load %arg5[%get3A_29, %get3A_30] : memref<1x128xf32, #tpu.memory_space<vmem>>, vector<1x128xf32>
    %mul3A_32 = vector.broadcast %get3A_31 : vector<1x128xf32> to vector<1280x128xf32>
    %mul3A_33 = arith.mulf %mul3A_28, %mul3A_32 : vector<1280x128xf32>
    %get3A_34 = arith.constant 0 : index
    %get3A_35 = arith.constant 0 : index
    %get3A_36 = vector.load %arg6[%get3A_34, %get3A_35] : memref<1x128xf32, #tpu.memory_space<vmem>>, vector<1x128xf32>
    %add3A_37 = vector.broadcast %get3A_36 : vector<1x128xf32> to vector<1280x128xf32>
    %add3A_38 = arith.addf %mul3A_33, %add3A_37 : vector<1280x128xf32>
    %max3A = arith.constant 0.000000e+00 : f32
    %max3A_39 = vector.broadcast %max3A : f32 to vector<1280x128xf32>
    %max3A_40 = arith.maximumf %add3A_38, %max3A_39 : vector<1280x128xf32>
    %get3A_41 = arith.constant 0 : index
    %get3A_42 = arith.constant 0 : index
    %get3A_43 = vector.load %arg7[%get3A_41, %get3A_42] : memref<128x64xf32, #tpu.memory_space<vmem>>, vector<128x64xf32>
    %dot_general3A_44 = arith.constant dense<0.000000e+00> : vector<1280x64xf32>
    %dot_general3A_45 = tpu.matmul %max3A_40, %get3A_43, %dot_general3A_44 {dimension_numbers = #tpu.dot_dimension_numbers<[1], [0], [0], [1], [0, 0, 1, 1], [], []>, transpose_lhs_hint = false} : vector<1280x128xf32>, vector<128x64xf32>, vector<1280x64xf32> -> vector<1280x64xf32>
    %get3A_46 = arith.constant 0 : index
    %get3A_47 = arith.constant 0 : index
    %get3A_48 = vector.load %arg8[%get3A_46, %get3A_47] : memref<1x64xf32, #tpu.memory_space<vmem>>, vector<1x64xf32>
    %add3A_49 = vector.broadcast %get3A_48 : vector<1x64xf32> to vector<1280x64xf32>
    %add3A_50 = arith.addf %dot_general3A_45, %add3A_49 : vector<1280x64xf32>
    %swap3A = arith.constant 0 : index
    %swap3A_51 = arith.constant 0 : index
    %swap3A_52 = vector.load %arg9[%swap3A, %swap3A_51] : memref<1280x64xf32, #tpu.memory_space<vmem>>, vector<1280x64xf32>
    tpu.vector_store %arg9[%swap3A, %swap3A_51], %add3A_50 {strides = array<i32>} : memref<1280x64xf32, #tpu.memory_space<vmem>>, vector<1280x64xf32>,
    return
  }
  func.func @transform_0(%arg0: i32) -> (i32, i32) {
    %c0_i32 = arith.constant 0 : i32
    %c0_i32_0 = arith.constant 0 : i32
    return %arg0, %c0_i32 : i32, i32
  }
  func.func @transform_1(%arg0: i32) -> (i32, i32) {
    %c0_i32 = arith.constant 0 : i32
    %c0_i32_0 = arith.constant 0 : i32
    %c0_i32_1 = arith.constant 0 : i32
    return %c0_i32, %c0_i32_0 : i32, i32
  }
  func.func @transform_2(%arg0: i32) -> (i32, i32) {
    %c0_i32 = arith.constant 0 : i32
    %c0_i32_0 = arith.constant 0 : i32
    %c0_i32_1 = arith.constant 0 : i32
    return %c0_i32, %c0_i32_0 : i32, i32
  }
  func.func @transform_3(%arg0: i32) -> (i32, i32) {
    %c0_i32 = arith.constant 0 : i32
    %c0_i32_0 = arith.constant 0 : i32
    %c0_i32_1 = arith.constant 0 : i32
    return %c0_i32, %c0_i32_0 : i32, i32
  }
  func.func @transform_4(%arg0: i32) -> (i32, i32) {
    %c0_i32 = arith.constant 0 : i32
    %c0_i32_0 = arith.constant 0 : i32
    %c0_i32_1 = arith.constant 0 : i32
    return %c0_i32, %c0_i32_0 : i32, i32
  }
  func.func @transform_5(%arg0: i32) -> (i32, i32) {
    %c0_i32 = arith.constant 0 : i32
    %c0_i32_0 = arith.constant 0 : i32
    %c0_i32_1 = arith.constant 0 : i32
    return %c0_i32, %c0_i32_0 : i32, i32
  }
  func.func @transform_6(%arg0: i32) -> (i32, i32) {
    %c0_i32 = arith.constant 0 : i32
    %c0_i32_0 = arith.constant 0 : i32
    %c0_i32_1 = arith.constant 0 : i32
    return %c0_i32, %c0_i32_0 : i32, i32
  }
  func.func @transform_7(%arg0: i32) -> (i32, i32) {
    %c0_i32 = arith.constant 0 : i32
    %c0_i32_0 = arith.constant 0 : i32
    %c0_i32_1 = arith.constant 0 : i32
    return %c0_i32, %c0_i32_0 : i32, i32
  }
  func.func @transform_8(%arg0: i32) -> (i32, i32) {
    %c0_i32 = arith.constant 0 : i32
    %c0_i32_0 = arith.constant 0 : i32
    return %arg0, %c0_i32 : i32, i32
  }
}

module attributes {stable_mosaic.version = 14 : i64} {
  func.func @body(%arg0: memref<10000x128xf32, #tpu.memory_space<vmem>>, %arg1: memref<128x128xf32, #tpu.memory_space<vmem>>, %arg2: memref<1x128xf32, #tpu.memory_space<vmem>>, %arg3: memref<1x128xf32, #tpu.memory_space<vmem>>, %arg4: memref<1x128xf32, #tpu.memory_space<vmem>>, %arg5: memref<128x128xf32, #tpu.memory_space<vmem>>, %arg6: memref<1x128xf32, #tpu.memory_space<vmem>>, %arg7: memref<10000x128xf32, #tpu.memory_space<vmem>>) attributes {dimension_semantics = [], scalar_prefetch = 0 : i64, scratch_operands = 0 : i64, tpu.core_type = #tpu.core_type<tc>} {
    %get3A = arith.constant 0 : index
    %get3A_0 = arith.constant 0 : index
    %get3A_1 = vector.load %arg0[%get3A, %get3A_0] : memref<10000x128xf32, #tpu.memory_space<vmem>>, vector<10000x128xf32>
    %get3A_2 = arith.constant 0 : index
    %get3A_3 = arith.constant 0 : index
    %get3A_4 = vector.load %arg1[%get3A_2, %get3A_3] : memref<128x128xf32, #tpu.memory_space<vmem>>, vector<128x128xf32>
    %dot_general3A = arith.constant dense<0.000000e+00> : vector<10000x128xf32>
    %dot_general3A_5 = tpu.matmul %get3A_1, %get3A_4, %dot_general3A {dimension_numbers = #tpu.dot_dimension_numbers<[1], [0], [0], [1], [0, 0, 1, 1], [], []>, transpose_lhs_hint = false} : vector<10000x128xf32>, vector<128x128xf32>, vector<10000x128xf32> -> vector<10000x128xf32>
    %get3A_6 = arith.constant 0 : index
    %get3A_7 = arith.constant 0 : index
    %get3A_8 = vector.load %arg2[%get3A_6, %get3A_7] : memref<1x128xf32, #tpu.memory_space<vmem>>, vector<1x128xf32>
    %add3A = vector.broadcast %get3A_8 : vector<1x128xf32> to vector<10000x128xf32>
    %add3A_9 = arith.addf %dot_general3A_5, %add3A : vector<10000x128xf32>
    %reduce_sum3A = arith.constant dense<0.000000e+00> : vector<128xf32>
    %reduce_sum3A_10 = vector.multi_reduction <add>, %add3A_9, %reduce_sum3A [0] : vector<10000x128xf32> to vector<128xf32>
    %broadcast_in_dim3A = vector.shape_cast %reduce_sum3A_10 : vector<128xf32> to vector<1x128xf32>
    %div3A = arith.constant 1.000000e+04 : f32
    %div3A_11 = vector.broadcast %div3A : f32 to vector<1x128xf32>
    %div3A_12 = arith.divf %broadcast_in_dim3A, %div3A_11 : vector<1x128xf32>
    %sub3A = vector.broadcast %div3A_12 : vector<1x128xf32> to vector<10000x128xf32>
    %sub3A_13 = arith.subf %add3A_9, %sub3A : vector<10000x128xf32>
    %mul3A = arith.mulf %sub3A_13, %sub3A_13 : vector<10000x128xf32>
    %reduce_sum3A_14 = arith.constant dense<0.000000e+00> : vector<128xf32>
    %reduce_sum3A_15 = vector.multi_reduction <add>, %mul3A, %reduce_sum3A_14 [0] : vector<10000x128xf32> to vector<128xf32>
    %broadcast_in_dim3A_16 = vector.shape_cast %reduce_sum3A_15 : vector<128xf32> to vector<1x128xf32>
    %div3A_17 = arith.constant 1.000000e+04 : f32
    %div3A_18 = vector.broadcast %div3A_17 : f32 to vector<1x128xf32>
    %div3A_19 = arith.divf %broadcast_in_dim3A_16, %div3A_18 : vector<1x128xf32>
    %add3A_20 = arith.constant 9.99999974E-6 : f32
    %add3A_21 = vector.broadcast %add3A_20 : f32 to vector<1x128xf32>
    %add3A_22 = arith.addf %div3A_19, %add3A_21 : vector<1x128xf32>
    %rsqrt3A = math.rsqrt %add3A_22 : vector<1x128xf32>
    %mul3A_23 = vector.broadcast %rsqrt3A : vector<1x128xf32> to vector<10000x128xf32>
    %mul3A_24 = arith.mulf %sub3A_13, %mul3A_23 : vector<10000x128xf32>
    %get3A_25 = arith.constant 0 : index
    %get3A_26 = arith.constant 0 : index
    %get3A_27 = vector.load %arg3[%get3A_25, %get3A_26] : memref<1x128xf32, #tpu.memory_space<vmem>>, vector<1x128xf32>
    %mul3A_28 = vector.broadcast %get3A_27 : vector<1x128xf32> to vector<10000x128xf32>
    %mul3A_29 = arith.mulf %mul3A_24, %mul3A_28 : vector<10000x128xf32>
    %get3A_30 = arith.constant 0 : index
    %get3A_31 = arith.constant 0 : index
    %get3A_32 = vector.load %arg4[%get3A_30, %get3A_31] : memref<1x128xf32, #tpu.memory_space<vmem>>, vector<1x128xf32>
    %add3A_33 = vector.broadcast %get3A_32 : vector<1x128xf32> to vector<10000x128xf32>
    %add3A_34 = arith.addf %mul3A_29, %add3A_33 : vector<10000x128xf32>
    %max3A = arith.constant 0.000000e+00 : f32
    %max3A_35 = vector.broadcast %max3A : f32 to vector<10000x128xf32>
    %max3A_36 = arith.maximumf %add3A_34, %max3A_35 : vector<10000x128xf32>
    %get3A_37 = arith.constant 0 : index
    %get3A_38 = arith.constant 0 : index
    %get3A_39 = vector.load %arg5[%get3A_37, %get3A_38] : memref<128x128xf32, #tpu.memory_space<vmem>>, vector<128x128xf32>
    %dot_general3A_40 = arith.constant dense<0.000000e+00> : vector<10000x128xf32>
    %dot_general3A_41 = tpu.matmul %max3A_36, %get3A_39, %dot_general3A_40 {dimension_numbers = #tpu.dot_dimension_numbers<[1], [0], [0], [1], [0, 0, 1, 1], [], []>, transpose_lhs_hint = false} : vector<10000x128xf32>, vector<128x128xf32>, vector<10000x128xf32> -> vector<10000x128xf32>
    %get3A_42 = arith.constant 0 : index
    %get3A_43 = arith.constant 0 : index
    %get3A_44 = vector.load %arg6[%get3A_42, %get3A_43] : memref<1x128xf32, #tpu.memory_space<vmem>>, vector<1x128xf32>
    %add3A_45 = vector.broadcast %get3A_44 : vector<1x128xf32> to vector<10000x128xf32>
    %add3A_46 = arith.addf %dot_general3A_41, %add3A_45 : vector<10000x128xf32>
    %swap3A = arith.constant 0 : index
    %swap3A_47 = arith.constant 0 : index
    %swap3A_48 = vector.load %arg7[%swap3A, %swap3A_47] : memref<10000x128xf32, #tpu.memory_space<vmem>>, vector<10000x128xf32>
    tpu.vector_store %arg7[%swap3A, %swap3A_47], %add3A_46 {strides = array<i32>} : memref<10000x128xf32, #tpu.memory_space<vmem>>, vector<10000x128xf32>,
    return
  }
}

module attributes {stable_mosaic.version = 14 : i64} {
  func.func @body(%arg0: memref<10000x128xf32, #tpu.memory_space<vmem>>, %arg1: memref<2x5120x128xf32, #tpu.memory_space<vmem>>, %arg2: memref<64x64xf32, #tpu.memory_space<vmem>>, %arg3: memref<1x64xf32, #tpu.memory_space<vmem>>, %arg4: memref<64x64xf32, #tpu.memory_space<vmem>>, %arg5: memref<1x64xf32, #tpu.memory_space<vmem>>, %arg6: memref<64x64xf32, #tpu.memory_space<vmem>>, %arg7: memref<1x64xf32, #tpu.memory_space<vmem>>, %arg8: memref<64x64xf32, #tpu.memory_space<vmem>>, %arg9: memref<1x64xf32, #tpu.memory_space<vmem>>, %arg10: memref<10000x64xf32, #tpu.memory_space<vmem>>, %arg11: memref<10000x128xf32, #tpu.memory_space<vmem>>) attributes {dimension_semantics = [], scalar_prefetch = 0 : i64, scratch_operands = 0 : i64, tpu.core_type = #tpu.core_type<tc>} {
    %get3A = arith.constant 0 : index
    %get3A_0 = arith.constant 0 : index
    %get3A_1 = vector.load %arg0[%get3A, %get3A_0] : memref<10000x128xf32, #tpu.memory_space<vmem>>, vector<10000x128xf32>
    %slice3A = vector.extract_strided_slice %get3A_1 {offsets = [0, 0], sizes = [10000, 64], strides = [1, 1]} : vector<10000x128xf32> to vector<10000x64xf32>
    %get3A_2 = arith.constant 0 : index
    %get3A_3 = arith.constant 0 : index
    %get3A_4 = arith.constant 0 : index
    %get3A_5 = vector.load %arg1[%get3A_2, %get3A_3, %get3A_4] : memref<2x5120x128xf32, #tpu.memory_space<vmem>>, vector<1x5056x64xf32>
    %get3A_6 = vector.shape_cast %get3A_5 : vector<1x5056x64xf32> to vector<5056x64xf32>
    %get3A_7 = arith.constant 1 : index
    %get3A_8 = arith.constant 0 : index
    %get3A_9 = arith.constant 0 : index
    %get3A_10 = vector.load %arg1[%get3A_7, %get3A_8, %get3A_9] : memref<2x5120x128xf32, #tpu.memory_space<vmem>>, vector<1x4944x64xf32>
    %get3A_11 = vector.shape_cast %get3A_10 : vector<1x4944x64xf32> to vector<4944x64xf32>
    %concatenate3A = tpu.concatenate %get3A_6, %get3A_11 in 0 : vector<5056x64xf32>, vector<4944x64xf32> -> vector<10000x64xf32>
    %get3A_12 = arith.constant 0 : index
    %get3A_13 = arith.constant 0 : index
    %get3A_14 = vector.load %arg2[%get3A_12, %get3A_13] : memref<64x64xf32, #tpu.memory_space<vmem>>, vector<64x64xf32>
    %dot_general3A = arith.constant dense<0.000000e+00> : vector<10000x64xf32>
    %dot_general3A_15 = tpu.matmul %concatenate3A, %get3A_14, %dot_general3A {dimension_numbers = #tpu.dot_dimension_numbers<[1], [0], [0], [1], [0, 0, 1, 1], [], []>, transpose_lhs_hint = false} : vector<10000x64xf32>, vector<64x64xf32>, vector<10000x64xf32> -> vector<10000x64xf32>
    %get3A_16 = arith.constant 0 : index
    %get3A_17 = arith.constant 0 : index
    %get3A_18 = vector.load %arg3[%get3A_16, %get3A_17] : memref<1x64xf32, #tpu.memory_space<vmem>>, vector<1x64xf32>
    %add3A = vector.broadcast %get3A_18 : vector<1x64xf32> to vector<10000x64xf32>
    %add3A_19 = arith.addf %dot_general3A_15, %add3A : vector<10000x64xf32>
    %max3A = arith.constant 0.000000e+00 : f32
    %max3A_20 = vector.broadcast %max3A : f32 to vector<10000x64xf32>
    %max3A_21 = arith.maximumf %add3A_19, %max3A_20 : vector<10000x64xf32>
    %get3A_22 = arith.constant 0 : index
    %get3A_23 = arith.constant 0 : index
    %get3A_24 = vector.load %arg4[%get3A_22, %get3A_23] : memref<64x64xf32, #tpu.memory_space<vmem>>, vector<64x64xf32>
    %dot_general3A_25 = arith.constant dense<0.000000e+00> : vector<10000x64xf32>
    %dot_general3A_26 = tpu.matmul %max3A_21, %get3A_24, %dot_general3A_25 {dimension_numbers = #tpu.dot_dimension_numbers<[1], [0], [0], [1], [0, 0, 1, 1], [], []>, transpose_lhs_hint = false} : vector<10000x64xf32>, vector<64x64xf32>, vector<10000x64xf32> -> vector<10000x64xf32>
    %add3A_27 = arith.addf %slice3A, %dot_general3A_26 : vector<10000x64xf32>
    %get3A_28 = arith.constant 0 : index
    %get3A_29 = arith.constant 0 : index
    %get3A_30 = vector.load %arg5[%get3A_28, %get3A_29] : memref<1x64xf32, #tpu.memory_space<vmem>>, vector<1x64xf32>
    %add3A_31 = vector.broadcast %get3A_30 : vector<1x64xf32> to vector<10000x64xf32>
    %add3A_32 = arith.addf %add3A_27, %add3A_31 : vector<10000x64xf32>
    %get3A_33 = arith.constant 0 : index
    %get3A_34 = arith.constant 0 : index
    %get3A_35 = arith.constant 64 : index
    %get3A_36 = vector.load %arg1[%get3A_33, %get3A_34, %get3A_35] : memref<2x5120x128xf32, #tpu.memory_space<vmem>>, vector<1x5056x64xf32>
    %get3A_37 = vector.shape_cast %get3A_36 : vector<1x5056x64xf32> to vector<5056x64xf32>
    %get3A_38 = arith.constant 1 : index
    %get3A_39 = arith.constant 0 : index
    %get3A_40 = arith.constant 64 : index
    %get3A_41 = vector.load %arg1[%get3A_38, %get3A_39, %get3A_40] : memref<2x5120x128xf32, #tpu.memory_space<vmem>>, vector<1x4944x64xf32>
    %get3A_42 = vector.shape_cast %get3A_41 : vector<1x4944x64xf32> to vector<4944x64xf32>
    %concatenate3A_43 = tpu.concatenate %get3A_37, %get3A_42 in 0 : vector<5056x64xf32>, vector<4944x64xf32> -> vector<10000x64xf32>
    %get3A_44 = arith.constant 0 : index
    %get3A_45 = arith.constant 0 : index
    %get3A_46 = vector.load %arg6[%get3A_44, %get3A_45] : memref<64x64xf32, #tpu.memory_space<vmem>>, vector<64x64xf32>
    %dot_general3A_47 = arith.constant dense<0.000000e+00> : vector<10000x64xf32>
    %dot_general3A_48 = tpu.matmul %concatenate3A_43, %get3A_46, %dot_general3A_47 {dimension_numbers = #tpu.dot_dimension_numbers<[1], [0], [0], [1], [0, 0, 1, 1], [], []>, transpose_lhs_hint = false} : vector<10000x64xf32>, vector<64x64xf32>, vector<10000x64xf32> -> vector<10000x64xf32>
    %get3A_49 = arith.constant 0 : index
    %get3A_50 = arith.constant 0 : index
    %get3A_51 = vector.load %arg7[%get3A_49, %get3A_50] : memref<1x64xf32, #tpu.memory_space<vmem>>, vector<1x64xf32>
    %add3A_52 = vector.broadcast %get3A_51 : vector<1x64xf32> to vector<10000x64xf32>
    %add3A_53 = arith.addf %dot_general3A_48, %add3A_52 : vector<10000x64xf32>
    %max3A_54 = arith.constant 0.000000e+00 : f32
    %max3A_55 = vector.broadcast %max3A_54 : f32 to vector<10000x64xf32>
    %max3A_56 = arith.maximumf %add3A_53, %max3A_55 : vector<10000x64xf32>
    %get3A_57 = arith.constant 0 : index
    %get3A_58 = arith.constant 0 : index
    %get3A_59 = vector.load %arg8[%get3A_57, %get3A_58] : memref<64x64xf32, #tpu.memory_space<vmem>>, vector<64x64xf32>
    %dot_general3A_60 = arith.constant dense<0.000000e+00> : vector<10000x64xf32>
    %dot_general3A_61 = tpu.matmul %max3A_56, %get3A_59, %dot_general3A_60 {dimension_numbers = #tpu.dot_dimension_numbers<[1], [0], [0], [1], [0, 0, 1, 1], [], []>, transpose_lhs_hint = false} : vector<10000x64xf32>, vector<64x64xf32>, vector<10000x64xf32> -> vector<10000x64xf32>
    %get3A_62 = arith.constant 0 : index
    %get3A_63 = arith.constant 0 : index
    %get3A_64 = vector.load %arg9[%get3A_62, %get3A_63] : memref<1x64xf32, #tpu.memory_space<vmem>>, vector<1x64xf32>
    %add3A_65 = vector.broadcast %get3A_64 : vector<1x64xf32> to vector<10000x64xf32>
    %add3A_66 = arith.addf %dot_general3A_61, %add3A_65 : vector<10000x64xf32>
    %concatenate3A_67 = tpu.concatenate %add3A_32, %add3A_66 in 1 : vector<10000x64xf32>, vector<10000x64xf32> -> vector<10000x128xf32>
    %swap3A = arith.constant 0 : index
    %swap3A_68 = arith.constant 0 : index
    %swap3A_69 = vector.load %arg11[%swap3A, %swap3A_68] : memref<10000x128xf32, #tpu.memory_space<vmem>>, vector<10000x128xf32>
    tpu.vector_store %arg11[%swap3A, %swap3A_68], %concatenate3A_67 {strides = array<i32>} : memref<10000x128xf32, #tpu.memory_space<vmem>>, vector<10000x128xf32>,
    return
  }
}

module attributes {stable_mosaic.version = 14 : i64} {
  func.func @body(%arg0: memref<10000x128xf32, #tpu.memory_space<vmem>>, %arg1: memref<2x5120x128xf32, #tpu.memory_space<vmem>>, %arg2: memref<64x64xf32, #tpu.memory_space<vmem>>, %arg3: memref<1x64xf32, #tpu.memory_space<vmem>>, %arg4: memref<64x64xf32, #tpu.memory_space<vmem>>, %arg5: memref<1x64xf32, #tpu.memory_space<vmem>>, %arg6: memref<64x64xf32, #tpu.memory_space<vmem>>, %arg7: memref<1x64xf32, #tpu.memory_space<vmem>>, %arg8: memref<64x64xf32, #tpu.memory_space<vmem>>, %arg9: memref<1x64xf32, #tpu.memory_space<vmem>>, %arg10: memref<10000x64xf32, #tpu.memory_space<vmem>>, %arg11: memref<10000x64xf32, #tpu.memory_space<vmem>>, %arg12: memref<10000x128xf32, #tpu.memory_space<vmem>>) attributes {dimension_semantics = [], scalar_prefetch = 0 : i64, scratch_operands = 0 : i64, tpu.core_type = #tpu.core_type<tc>} {
    %get3A = arith.constant 0 : index
    %get3A_0 = arith.constant 0 : index
    %get3A_1 = vector.load %arg0[%get3A, %get3A_0] : memref<10000x128xf32, #tpu.memory_space<vmem>>, vector<10000x128xf32>
    %slice3A = vector.extract_strided_slice %get3A_1 {offsets = [0, 0], sizes = [10000, 64], strides = [1, 1]} : vector<10000x128xf32> to vector<10000x64xf32>
    %get3A_2 = arith.constant 0 : index
    %get3A_3 = arith.constant 0 : index
    %get3A_4 = arith.constant 0 : index
    %get3A_5 = vector.load %arg1[%get3A_2, %get3A_3, %get3A_4] : memref<2x5120x128xf32, #tpu.memory_space<vmem>>, vector<1x5056x64xf32>
    %get3A_6 = vector.shape_cast %get3A_5 : vector<1x5056x64xf32> to vector<5056x64xf32>
    %get3A_7 = arith.constant 1 : index
    %get3A_8 = arith.constant 0 : index
    %get3A_9 = arith.constant 0 : index
    %get3A_10 = vector.load %arg1[%get3A_7, %get3A_8, %get3A_9] : memref<2x5120x128xf32, #tpu.memory_space<vmem>>, vector<1x4944x64xf32>
    %get3A_11 = vector.shape_cast %get3A_10 : vector<1x4944x64xf32> to vector<4944x64xf32>
    %concatenate3A = tpu.concatenate %get3A_6, %get3A_11 in 0 : vector<5056x64xf32>, vector<4944x64xf32> -> vector<10000x64xf32>
    %get3A_12 = arith.constant 0 : index
    %get3A_13 = arith.constant 0 : index
    %get3A_14 = vector.load %arg2[%get3A_12, %get3A_13] : memref<64x64xf32, #tpu.memory_space<vmem>>, vector<64x64xf32>
    %dot_general3A = arith.constant dense<0.000000e+00> : vector<10000x64xf32>
    %dot_general3A_15 = tpu.matmul %concatenate3A, %get3A_14, %dot_general3A {dimension_numbers = #tpu.dot_dimension_numbers<[1], [0], [0], [1], [0, 0, 1, 1], [], []>, transpose_lhs_hint = false} : vector<10000x64xf32>, vector<64x64xf32>, vector<10000x64xf32> -> vector<10000x64xf32>
    %get3A_16 = arith.constant 0 : index
    %get3A_17 = arith.constant 0 : index
    %get3A_18 = vector.load %arg3[%get3A_16, %get3A_17] : memref<1x64xf32, #tpu.memory_space<vmem>>, vector<1x64xf32>
    %add3A = vector.broadcast %get3A_18 : vector<1x64xf32> to vector<10000x64xf32>
    %add3A_19 = arith.addf %dot_general3A_15, %add3A : vector<10000x64xf32>
    %max3A = arith.constant 0.000000e+00 : f32
    %max3A_20 = vector.broadcast %max3A : f32 to vector<10000x64xf32>
    %max3A_21 = arith.maximumf %add3A_19, %max3A_20 : vector<10000x64xf32>
    %get3A_22 = arith.constant 0 : index
    %get3A_23 = arith.constant 0 : index
    %get3A_24 = vector.load %arg4[%get3A_22, %get3A_23] : memref<64x64xf32, #tpu.memory_space<vmem>>, vector<64x64xf32>
    %dot_general3A_25 = arith.constant dense<0.000000e+00> : vector<10000x64xf32>
    %dot_general3A_26 = tpu.matmul %max3A_21, %get3A_24, %dot_general3A_25 {dimension_numbers = #tpu.dot_dimension_numbers<[1], [0], [0], [1], [0, 0, 1, 1], [], []>, transpose_lhs_hint = false} : vector<10000x64xf32>, vector<64x64xf32>, vector<10000x64xf32> -> vector<10000x64xf32>
    %add3A_27 = arith.addf %slice3A, %dot_general3A_26 : vector<10000x64xf32>
    %get3A_28 = arith.constant 0 : index
    %get3A_29 = arith.constant 0 : index
    %get3A_30 = vector.load %arg5[%get3A_28, %get3A_29] : memref<1x64xf32, #tpu.memory_space<vmem>>, vector<1x64xf32>
    %add3A_31 = vector.broadcast %get3A_30 : vector<1x64xf32> to vector<10000x64xf32>
    %add3A_32 = arith.addf %add3A_27, %add3A_31 : vector<10000x64xf32>
    %get3A_33 = arith.constant 0 : index
    %get3A_34 = arith.constant 0 : index
    %get3A_35 = arith.constant 64 : index
    %get3A_36 = vector.load %arg1[%get3A_33, %get3A_34, %get3A_35] : memref<2x5120x128xf32, #tpu.memory_space<vmem>>, vector<1x5056x64xf32>
    %get3A_37 = vector.shape_cast %get3A_36 : vector<1x5056x64xf32> to vector<5056x64xf32>
    %get3A_38 = arith.constant 1 : index
    %get3A_39 = arith.constant 0 : index
    %get3A_40 = arith.constant 64 : index
    %get3A_41 = vector.load %arg1[%get3A_38, %get3A_39, %get3A_40] : memref<2x5120x128xf32, #tpu.memory_space<vmem>>, vector<1x4944x64xf32>
    %get3A_42 = vector.shape_cast %get3A_41 : vector<1x4944x64xf32> to vector<4944x64xf32>
    %concatenate3A_43 = tpu.concatenate %get3A_37, %get3A_42 in 0 : vector<5056x64xf32>, vector<4944x64xf32> -> vector<10000x64xf32>
    %get3A_44 = arith.constant 0 : index
    %get3A_45 = arith.constant 0 : index
    %get3A_46 = vector.load %arg6[%get3A_44, %get3A_45] : memref<64x64xf32, #tpu.memory_space<vmem>>, vector<64x64xf32>
    %dot_general3A_47 = arith.constant dense<0.000000e+00> : vector<10000x64xf32>
    %dot_general3A_48 = tpu.matmul %concatenate3A_43, %get3A_46, %dot_general3A_47 {dimension_numbers = #tpu.dot_dimension_numbers<[1], [0], [0], [1], [0, 0, 1, 1], [], []>, transpose_lhs_hint = false} : vector<10000x64xf32>, vector<64x64xf32>, vector<10000x64xf32> -> vector<10000x64xf32>
    %get3A_49 = arith.constant 0 : index
    %get3A_50 = arith.constant 0 : index
    %get3A_51 = vector.load %arg7[%get3A_49, %get3A_50] : memref<1x64xf32, #tpu.memory_space<vmem>>, vector<1x64xf32>
    %add3A_52 = vector.broadcast %get3A_51 : vector<1x64xf32> to vector<10000x64xf32>
    %add3A_53 = arith.addf %dot_general3A_48, %add3A_52 : vector<10000x64xf32>
    %max3A_54 = arith.constant 0.000000e+00 : f32
    %max3A_55 = vector.broadcast %max3A_54 : f32 to vector<10000x64xf32>
    %max3A_56 = arith.maximumf %add3A_53, %max3A_55 : vector<10000x64xf32>
    %get3A_57 = arith.constant 0 : index
    %get3A_58 = arith.constant 0 : index
    %get3A_59 = vector.load %arg8[%get3A_57, %get3A_58] : memref<64x64xf32, #tpu.memory_space<vmem>>, vector<64x64xf32>
    %dot_general3A_60 = arith.constant dense<0.000000e+00> : vector<10000x64xf32>
    %dot_general3A_61 = tpu.matmul %max3A_56, %get3A_59, %dot_general3A_60 {dimension_numbers = #tpu.dot_dimension_numbers<[1], [0], [0], [1], [0, 0, 1, 1], [], []>, transpose_lhs_hint = false} : vector<10000x64xf32>, vector<64x64xf32>, vector<10000x64xf32> -> vector<10000x64xf32>
    %get3A_62 = arith.constant 0 : index
    %get3A_63 = arith.constant 0 : index
    %get3A_64 = vector.load %arg9[%get3A_62, %get3A_63] : memref<1x64xf32, #tpu.memory_space<vmem>>, vector<1x64xf32>
    %add3A_65 = vector.broadcast %get3A_64 : vector<1x64xf32> to vector<10000x64xf32>
    %add3A_66 = arith.addf %dot_general3A_61, %add3A_65 : vector<10000x64xf32>
    %swap3A = arith.constant 0 : index
    %swap3A_67 = arith.constant 0 : index
    %swap3A_68 = vector.load %arg11[%swap3A, %swap3A_67] : memref<10000x64xf32, #tpu.memory_space<vmem>>, vector<10000x64xf32>
    tpu.vector_store %arg11[%swap3A, %swap3A_67], %add3A_32 {strides = array<i32>} : memref<10000x64xf32, #tpu.memory_space<vmem>>, vector<10000x64xf32>,
    %get3A_69 = arith.constant 0 : index
    %get3A_70 = arith.constant 0 : index
    %get3A_71 = vector.load %arg10[%get3A_69, %get3A_70] : memref<10000x64xf32, #tpu.memory_space<vmem>>, vector<10000x64xf32>
    %add3A_72 = arith.addf %get3A_71, %add3A_66 : vector<10000x64xf32>
    %broadcast_in_dim3A = arith.constant 0.000000e+00 : f32
    %broadcast_in_dim3A_73 = vector.broadcast %broadcast_in_dim3A : f32 to vector<10000x64xf32>
    %concatenate3A_74 = tpu.concatenate %add3A_72, %broadcast_in_dim3A_73 in 1 : vector<10000x64xf32>, vector<10000x64xf32> -> vector<10000x128xf32>
    %swap3A_75 = arith.constant 0 : index
    %swap3A_76 = arith.constant 0 : index
    %swap3A_77 = vector.load %arg12[%swap3A_75, %swap3A_76] : memref<10000x128xf32, #tpu.memory_space<vmem>>, vector<10000x128xf32>
    tpu.vector_store %arg12[%swap3A_75, %swap3A_76], %concatenate3A_74 {strides = array<i32>} : memref<10000x128xf32, #tpu.memory_space<vmem>>, vector<10000x128xf32>,
    return
  }
}

module attributes {stable_mosaic.version = 14 : i64} {
  func.func @body(%arg0: memref<10000x64xf32, #tpu.memory_space<vmem>>, %arg1: memref<64x128xf32, #tpu.memory_space<vmem>>, %arg2: memref<1x128xf32, #tpu.memory_space<vmem>>, %arg3: memref<1x128xf32, #tpu.memory_space<vmem>>, %arg4: memref<1x128xf32, #tpu.memory_space<vmem>>, %arg5: memref<128x2xf32, #tpu.memory_space<vmem>>, %arg6: memref<1x2xf32, #tpu.memory_space<vmem>>, %arg7: memref<10000x2xf32, #tpu.memory_space<vmem>>) attributes {dimension_semantics = [], scalar_prefetch = 0 : i64, scratch_operands = 0 : i64, tpu.core_type = #tpu.core_type<tc>} {
    %get3A = arith.constant 0 : index
    %get3A_0 = arith.constant 0 : index
    %get3A_1 = vector.load %arg0[%get3A, %get3A_0] : memref<10000x64xf32, #tpu.memory_space<vmem>>, vector<10000x64xf32>
    %get3A_2 = arith.constant 0 : index
    %get3A_3 = arith.constant 0 : index
    %get3A_4 = vector.load %arg1[%get3A_2, %get3A_3] : memref<64x128xf32, #tpu.memory_space<vmem>>, vector<64x128xf32>
    %dot_general3A = arith.constant dense<0.000000e+00> : vector<10000x128xf32>
    %dot_general3A_5 = tpu.matmul %get3A_1, %get3A_4, %dot_general3A {dimension_numbers = #tpu.dot_dimension_numbers<[1], [0], [0], [1], [0, 0, 1, 1], [], []>, transpose_lhs_hint = false} : vector<10000x64xf32>, vector<64x128xf32>, vector<10000x128xf32> -> vector<10000x128xf32>
    %get3A_6 = arith.constant 0 : index
    %get3A_7 = arith.constant 0 : index
    %get3A_8 = vector.load %arg2[%get3A_6, %get3A_7] : memref<1x128xf32, #tpu.memory_space<vmem>>, vector<1x128xf32>
    %add3A = vector.broadcast %get3A_8 : vector<1x128xf32> to vector<10000x128xf32>
    %add3A_9 = arith.addf %dot_general3A_5, %add3A : vector<10000x128xf32>
    %reduce_sum3A = arith.constant dense<0.000000e+00> : vector<128xf32>
    %reduce_sum3A_10 = vector.multi_reduction <add>, %add3A_9, %reduce_sum3A [0] : vector<10000x128xf32> to vector<128xf32>
    %broadcast_in_dim3A = vector.shape_cast %reduce_sum3A_10 : vector<128xf32> to vector<1x128xf32>
    %div3A = arith.constant 1.000000e+04 : f32
    %div3A_11 = vector.broadcast %div3A : f32 to vector<1x128xf32>
    %div3A_12 = arith.divf %broadcast_in_dim3A, %div3A_11 : vector<1x128xf32>
    %sub3A = vector.broadcast %div3A_12 : vector<1x128xf32> to vector<10000x128xf32>
    %sub3A_13 = arith.subf %add3A_9, %sub3A : vector<10000x128xf32>
    %mul3A = arith.mulf %sub3A_13, %sub3A_13 : vector<10000x128xf32>
    %reduce_sum3A_14 = arith.constant dense<0.000000e+00> : vector<128xf32>
    %reduce_sum3A_15 = vector.multi_reduction <add>, %mul3A, %reduce_sum3A_14 [0] : vector<10000x128xf32> to vector<128xf32>
    %broadcast_in_dim3A_16 = vector.shape_cast %reduce_sum3A_15 : vector<128xf32> to vector<1x128xf32>
    %div3A_17 = arith.constant 1.000000e+04 : f32
    %div3A_18 = vector.broadcast %div3A_17 : f32 to vector<1x128xf32>
    %div3A_19 = arith.divf %broadcast_in_dim3A_16, %div3A_18 : vector<1x128xf32>
    %add3A_20 = arith.constant 9.99999974E-6 : f32
    %add3A_21 = vector.broadcast %add3A_20 : f32 to vector<1x128xf32>
    %add3A_22 = arith.addf %div3A_19, %add3A_21 : vector<1x128xf32>
    %rsqrt3A = math.rsqrt %add3A_22 : vector<1x128xf32>
    %mul3A_23 = vector.broadcast %rsqrt3A : vector<1x128xf32> to vector<10000x128xf32>
    %mul3A_24 = arith.mulf %sub3A_13, %mul3A_23 : vector<10000x128xf32>
    %get3A_25 = arith.constant 0 : index
    %get3A_26 = arith.constant 0 : index
    %get3A_27 = vector.load %arg3[%get3A_25, %get3A_26] : memref<1x128xf32, #tpu.memory_space<vmem>>, vector<1x128xf32>
    %mul3A_28 = vector.broadcast %get3A_27 : vector<1x128xf32> to vector<10000x128xf32>
    %mul3A_29 = arith.mulf %mul3A_24, %mul3A_28 : vector<10000x128xf32>
    %get3A_30 = arith.constant 0 : index
    %get3A_31 = arith.constant 0 : index
    %get3A_32 = vector.load %arg4[%get3A_30, %get3A_31] : memref<1x128xf32, #tpu.memory_space<vmem>>, vector<1x128xf32>
    %add3A_33 = vector.broadcast %get3A_32 : vector<1x128xf32> to vector<10000x128xf32>
    %add3A_34 = arith.addf %mul3A_29, %add3A_33 : vector<10000x128xf32>
    %max3A = arith.constant 0.000000e+00 : f32
    %max3A_35 = vector.broadcast %max3A : f32 to vector<10000x128xf32>
    %max3A_36 = arith.maximumf %add3A_34, %max3A_35 : vector<10000x128xf32>
    %get3A_37 = arith.constant 0 : index
    %get3A_38 = arith.constant 0 : index
    %get3A_39 = vector.load %arg5[%get3A_37, %get3A_38] : memref<128x2xf32, #tpu.memory_space<vmem>>, vector<128x2xf32>
    %dot_general3A_40 = arith.constant dense<0.000000e+00> : vector<10000x2xf32>
    %dot_general3A_41 = tpu.matmul %max3A_36, %get3A_39, %dot_general3A_40 {dimension_numbers = #tpu.dot_dimension_numbers<[1], [0], [0], [1], [0, 0, 1, 1], [], []>, transpose_lhs_hint = false} : vector<10000x128xf32>, vector<128x2xf32>, vector<10000x2xf32> -> vector<10000x2xf32>
    %get3A_42 = arith.constant 0 : index
    %get3A_43 = arith.constant 0 : index
    %get3A_44 = vector.load %arg6[%get3A_42, %get3A_43] : memref<1x2xf32, #tpu.memory_space<vmem>>, vector<1x2xf32>
    %add3A_45 = vector.broadcast %get3A_44 : vector<1x2xf32> to vector<10000x2xf32>
    %add3A_46 = arith.addf %dot_general3A_41, %add3A_45 : vector<10000x2xf32>
    %swap3A = arith.constant 0 : index
    %swap3A_47 = arith.constant 0 : index
    %swap3A_48 = vector.load %arg7[%swap3A, %swap3A_47] : memref<10000x2xf32, #tpu.memory_space<vmem>>, vector<10000x2xf32>
    tpu.vector_store %arg7[%swap3A, %swap3A_47], %add3A_46 {strides = array<i32>} : memref<10000x2xf32, #tpu.memory_space<vmem>>, vector<10000x2xf32>,
    return
  }
}

module attributes {stable_mosaic.version = 14 : i64} {
  func.func @stats_body(%arg0: i32, %arg1: memref<1280x64xf32, #tpu.memory_space<vmem>>, %arg2: memref<64x128xf32, #tpu.memory_space<vmem>>, %arg3: memref<1x128xf32, #tpu.memory_space<vmem>>, %arg4: memref<2x128xf32, #tpu.memory_space<vmem>>) attributes {dimension_semantics = [#tpu.dimension_semantics<arbitrary>], iteration_bounds = array<i64: 125>, scalar_prefetch = 0 : i64, scratch_operands = 0 : i64, tpu.core_type = #tpu.core_type<tc>, window_params = [{transform_indices = @transform_0, window_bounds = array<i64: 1280, 64>}, {pipeline_mode = #tpu.pipeline_mode<synchronous>, transform_indices = @transform_1, window_bounds = array<i64: 64, 128>}, {pipeline_mode = #tpu.pipeline_mode<synchronous>, transform_indices = @transform_2, window_bounds = array<i64: 1, 128>}, {pipeline_mode = #tpu.pipeline_mode<synchronous>, transform_indices = @transform_3, window_bounds = array<i64: 2, 128>}]} {
    %get3A = arith.constant 0 : index
    %get3A_0 = arith.constant 0 : index
    %get3A_1 = vector.load %arg1[%get3A, %get3A_0] : memref<1280x64xf32, #tpu.memory_space<vmem>>, vector<1280x64xf32>
    %get3A_2 = arith.constant 0 : index
    %get3A_3 = arith.constant 0 : index
    %get3A_4 = vector.load %arg2[%get3A_2, %get3A_3] : memref<64x128xf32, #tpu.memory_space<vmem>>, vector<64x128xf32>
    %dot_general3A = arith.constant dense<0.000000e+00> : vector<1280x128xf32>
    %dot_general3A_5 = tpu.matmul %get3A_1, %get3A_4, %dot_general3A {dimension_numbers = #tpu.dot_dimension_numbers<[1], [0], [0], [1], [0, 0, 1, 1], [], []>, transpose_lhs_hint = false} : vector<1280x64xf32>, vector<64x128xf32>, vector<1280x128xf32> -> vector<1280x128xf32>
    %get3A_6 = arith.constant 0 : index
    %get3A_7 = arith.constant 0 : index
    %get3A_8 = vector.load %arg3[%get3A_6, %get3A_7] : memref<1x128xf32, #tpu.memory_space<vmem>>, vector<1x128xf32>
    %add3A = vector.broadcast %get3A_8 : vector<1x128xf32> to vector<1280x128xf32>
    %add3A_9 = arith.addf %dot_general3A_5, %add3A : vector<1280x128xf32>
    %eq3A = arith.constant 0 : i32
    %eq3A_10 = arith.cmpi eq, %arg0, %eq3A : i32
    %convert_element_type3A = arith.extui %eq3A_10 : i1 to i32
    %cond3A = arith.constant 0 : i32
    %cond3A_11 = arith.cmpi ne, %convert_element_type3A, %cond3A : i32
    scf.if %cond3A_11 {
      %broadcast_in_dim3A_29 = arith.constant 0.000000e+00 : f32
      %broadcast_in_dim3A_30 = vector.broadcast %broadcast_in_dim3A_29 : f32 to vector<2x128xf32>
      %swap3A_31 = arith.constant 0 : index
      %swap3A_32 = arith.constant 0 : index
      %swap3A_33 = vector.load %arg4[%swap3A_31, %swap3A_32] : memref<2x128xf32, #tpu.memory_space<vmem>>, vector<2x128xf32>
      tpu.vector_store %arg4[%swap3A_31, %swap3A_32], %broadcast_in_dim3A_30 {strides = array<i32>} : memref<2x128xf32, #tpu.memory_space<vmem>>, vector<2x128xf32>,
    } else {
    }
    %get3A_12 = arith.constant 0 : index
    %get3A_13 = arith.constant 0 : index
    %get3A_14 = vector.load %arg4[%get3A_12, %get3A_13] : memref<2x128xf32, #tpu.memory_space<vmem>>, vector<1x128xf32>
    %reduce_sum3A = arith.constant dense<0.000000e+00> : vector<128xf32>
    %reduce_sum3A_15 = vector.multi_reduction <add>, %add3A_9, %reduce_sum3A [0] : vector<1280x128xf32> to vector<128xf32>
    %broadcast_in_dim3A = vector.shape_cast %reduce_sum3A_15 : vector<128xf32> to vector<1x128xf32>
    %add3A_16 = arith.addf %get3A_14, %broadcast_in_dim3A : vector<1x128xf32>
    %swap3A = arith.constant 0 : index
    %swap3A_17 = arith.constant 0 : index
    %swap3A_18 = vector.load %arg4[%swap3A, %swap3A_17] : memref<2x128xf32, #tpu.memory_space<vmem>>, vector<1x128xf32>
    tpu.vector_store %arg4[%swap3A, %swap3A_17], %add3A_16 {strides = array<i32>} : memref<2x128xf32, #tpu.memory_space<vmem>>, vector<1x128xf32>,
    %get3A_19 = arith.constant 1 : index
    %get3A_20 = arith.constant 0 : index
    %get3A_21 = vector.load %arg4[%get3A_19, %get3A_20] : memref<2x128xf32, #tpu.memory_space<vmem>>, vector<1x128xf32>
    %mul3A = arith.mulf %add3A_9, %add3A_9 : vector<1280x128xf32>
    %reduce_sum3A_22 = arith.constant dense<0.000000e+00> : vector<128xf32>
    %reduce_sum3A_23 = vector.multi_reduction <add>, %mul3A, %reduce_sum3A_22 [0] : vector<1280x128xf32> to vector<128xf32>
    %broadcast_in_dim3A_24 = vector.shape_cast %reduce_sum3A_23 : vector<128xf32> to vector<1x128xf32>
    %add3A_25 = arith.addf %get3A_21, %broadcast_in_dim3A_24 : vector<1x128xf32>
    %swap3A_26 = arith.constant 1 : index
    %swap3A_27 = arith.constant 0 : index
    %swap3A_28 = vector.load %arg4[%swap3A_26, %swap3A_27] : memref<2x128xf32, #tpu.memory_space<vmem>>, vector<1x128xf32>
    tpu.vector_store %arg4[%swap3A_26, %swap3A_27], %add3A_25 {strides = array<i32>} : memref<2x128xf32, #tpu.memory_space<vmem>>, vector<1x128xf32>,
    return
  }
  func.func @transform_0(%arg0: i32) -> (i32, i32) {
    %c0_i32 = arith.constant 0 : i32
    %c0_i32_0 = arith.constant 0 : i32
    return %arg0, %c0_i32 : i32, i32
  }
  func.func @transform_1(%arg0: i32) -> (i32, i32) {
    %c0_i32 = arith.constant 0 : i32
    %c0_i32_0 = arith.constant 0 : i32
    %c0_i32_1 = arith.constant 0 : i32
    return %c0_i32, %c0_i32_0 : i32, i32
  }
  func.func @transform_2(%arg0: i32) -> (i32, i32) {
    %c0_i32 = arith.constant 0 : i32
    %c0_i32_0 = arith.constant 0 : i32
    %c0_i32_1 = arith.constant 0 : i32
    return %c0_i32, %c0_i32_0 : i32, i32
  }
  func.func @transform_3(%arg0: i32) -> (i32, i32) {
    %c0_i32 = arith.constant 0 : i32
    %c0_i32_0 = arith.constant 0 : i32
    %c0_i32_1 = arith.constant 0 : i32
    return %c0_i32, %c0_i32_0 : i32, i32
  }
}

module attributes {stable_mosaic.version = 14 : i64} {
  func.func @apply_body(%arg0: i32, %arg1: memref<1280x64xf32, #tpu.memory_space<vmem>>, %arg2: memref<2x128xf32, #tpu.memory_space<vmem>>, %arg3: memref<64x128xf32, #tpu.memory_space<vmem>>, %arg4: memref<1x128xf32, #tpu.memory_space<vmem>>, %arg5: memref<1x128xf32, #tpu.memory_space<vmem>>, %arg6: memref<1x128xf32, #tpu.memory_space<vmem>>, %arg7: memref<128x2xf32, #tpu.memory_space<vmem>>, %arg8: memref<1x2xf32, #tpu.memory_space<vmem>>, %arg9: memref<1280x2xf32, #tpu.memory_space<vmem>>) attributes {dimension_semantics = [#tpu.dimension_semantics<arbitrary>], iteration_bounds = array<i64: 125>, scalar_prefetch = 0 : i64, scratch_operands = 0 : i64, tpu.core_type = #tpu.core_type<tc>, window_params = [{transform_indices = @transform_0, window_bounds = array<i64: 1280, 64>}, {pipeline_mode = #tpu.pipeline_mode<synchronous>, transform_indices = @transform_1, window_bounds = array<i64: 2, 128>}, {pipeline_mode = #tpu.pipeline_mode<synchronous>, transform_indices = @transform_2, window_bounds = array<i64: 64, 128>}, {pipeline_mode = #tpu.pipeline_mode<synchronous>, transform_indices = @transform_3, window_bounds = array<i64: 1, 128>}, {pipeline_mode = #tpu.pipeline_mode<synchronous>, transform_indices = @transform_4, window_bounds = array<i64: 1, 128>}, {pipeline_mode = #tpu.pipeline_mode<synchronous>, transform_indices = @transform_5, window_bounds = array<i64: 1, 128>}, {pipeline_mode = #tpu.pipeline_mode<synchronous>, transform_indices = @transform_6, window_bounds = array<i64: 128, 2>}, {pipeline_mode = #tpu.pipeline_mode<synchronous>, transform_indices = @transform_7, window_bounds = array<i64: 1, 2>}, {transform_indices = @transform_8, window_bounds = array<i64: 1280, 2>}]} {
    %get3A = arith.constant 0 : index
    %get3A_0 = arith.constant 0 : index
    %get3A_1 = vector.load %arg1[%get3A, %get3A_0] : memref<1280x64xf32, #tpu.memory_space<vmem>>, vector<1280x64xf32>
    %get3A_2 = arith.constant 0 : index
    %get3A_3 = arith.constant 0 : index
    %get3A_4 = vector.load %arg3[%get3A_2, %get3A_3] : memref<64x128xf32, #tpu.memory_space<vmem>>, vector<64x128xf32>
    %dot_general3A = arith.constant dense<0.000000e+00> : vector<1280x128xf32>
    %dot_general3A_5 = tpu.matmul %get3A_1, %get3A_4, %dot_general3A {dimension_numbers = #tpu.dot_dimension_numbers<[1], [0], [0], [1], [0, 0, 1, 1], [], []>, transpose_lhs_hint = false} : vector<1280x64xf32>, vector<64x128xf32>, vector<1280x128xf32> -> vector<1280x128xf32>
    %get3A_6 = arith.constant 0 : index
    %get3A_7 = arith.constant 0 : index
    %get3A_8 = vector.load %arg4[%get3A_6, %get3A_7] : memref<1x128xf32, #tpu.memory_space<vmem>>, vector<1x128xf32>
    %add3A = vector.broadcast %get3A_8 : vector<1x128xf32> to vector<1280x128xf32>
    %add3A_9 = arith.addf %dot_general3A_5, %add3A : vector<1280x128xf32>
    %get3A_10 = arith.constant 0 : index
    %get3A_11 = arith.constant 0 : index
    %get3A_12 = vector.load %arg2[%get3A_10, %get3A_11] : memref<2x128xf32, #tpu.memory_space<vmem>>, vector<1x128xf32>
    %mul3A = arith.constant 6.250000e-06 : f32
    %mul3A_13 = vector.broadcast %mul3A : f32 to vector<1x128xf32>
    %mul3A_14 = arith.mulf %get3A_12, %mul3A_13 : vector<1x128xf32>
    %get3A_15 = arith.constant 1 : index
    %get3A_16 = arith.constant 0 : index
    %get3A_17 = vector.load %arg2[%get3A_15, %get3A_16] : memref<2x128xf32, #tpu.memory_space<vmem>>, vector<1x128xf32>
    %mul3A_18 = arith.constant 6.250000e-06 : f32
    %mul3A_19 = vector.broadcast %mul3A_18 : f32 to vector<1x128xf32>
    %mul3A_20 = arith.mulf %get3A_17, %mul3A_19 : vector<1x128xf32>
    %mul3A_21 = arith.mulf %mul3A_14, %mul3A_14 : vector<1x128xf32>
    %sub3A = arith.subf %mul3A_20, %mul3A_21 : vector<1x128xf32>
    %sub3A_22 = vector.broadcast %mul3A_14 : vector<1x128xf32> to vector<1280x128xf32>
    %sub3A_23 = arith.subf %add3A_9, %sub3A_22 : vector<1280x128xf32>
    %add3A_24 = arith.constant 9.99999974E-6 : f32
    %add3A_25 = vector.broadcast %add3A_24 : f32 to vector<1x128xf32>
    %add3A_26 = arith.addf %sub3A, %add3A_25 : vector<1x128xf32>
    %rsqrt3A = math.rsqrt %add3A_26 : vector<1x128xf32>
    %mul3A_27 = vector.broadcast %rsqrt3A : vector<1x128xf32> to vector<1280x128xf32>
    %mul3A_28 = arith.mulf %sub3A_23, %mul3A_27 : vector<1280x128xf32>
    %get3A_29 = arith.constant 0 : index
    %get3A_30 = arith.constant 0 : index
    %get3A_31 = vector.load %arg5[%get3A_29, %get3A_30] : memref<1x128xf32, #tpu.memory_space<vmem>>, vector<1x128xf32>
    %mul3A_32 = vector.broadcast %get3A_31 : vector<1x128xf32> to vector<1280x128xf32>
    %mul3A_33 = arith.mulf %mul3A_28, %mul3A_32 : vector<1280x128xf32>
    %get3A_34 = arith.constant 0 : index
    %get3A_35 = arith.constant 0 : index
    %get3A_36 = vector.load %arg6[%get3A_34, %get3A_35] : memref<1x128xf32, #tpu.memory_space<vmem>>, vector<1x128xf32>
    %add3A_37 = vector.broadcast %get3A_36 : vector<1x128xf32> to vector<1280x128xf32>
    %add3A_38 = arith.addf %mul3A_33, %add3A_37 : vector<1280x128xf32>
    %max3A = arith.constant 0.000000e+00 : f32
    %max3A_39 = vector.broadcast %max3A : f32 to vector<1280x128xf32>
    %max3A_40 = arith.maximumf %add3A_38, %max3A_39 : vector<1280x128xf32>
    %get3A_41 = arith.constant 0 : index
    %get3A_42 = arith.constant 0 : index
    %get3A_43 = vector.load %arg7[%get3A_41, %get3A_42] : memref<128x2xf32, #tpu.memory_space<vmem>>, vector<128x2xf32>
    %dot_general3A_44 = arith.constant dense<0.000000e+00> : vector<1280x2xf32>
    %dot_general3A_45 = tpu.matmul %max3A_40, %get3A_43, %dot_general3A_44 {dimension_numbers = #tpu.dot_dimension_numbers<[1], [0], [0], [1], [0, 0, 1, 1], [], []>, transpose_lhs_hint = false} : vector<1280x128xf32>, vector<128x2xf32>, vector<1280x2xf32> -> vector<1280x2xf32>
    %get3A_46 = arith.constant 0 : index
    %get3A_47 = arith.constant 0 : index
    %get3A_48 = vector.load %arg8[%get3A_46, %get3A_47] : memref<1x2xf32, #tpu.memory_space<vmem>>, vector<1x2xf32>
    %add3A_49 = vector.broadcast %get3A_48 : vector<1x2xf32> to vector<1280x2xf32>
    %add3A_50 = arith.addf %dot_general3A_45, %add3A_49 : vector<1280x2xf32>
    %swap3A = arith.constant 0 : index
    %swap3A_51 = arith.constant 0 : index
    %swap3A_52 = vector.load %arg9[%swap3A, %swap3A_51] : memref<1280x2xf32, #tpu.memory_space<vmem>>, vector<1280x2xf32>
    tpu.vector_store %arg9[%swap3A, %swap3A_51], %add3A_50 {strides = array<i32>} : memref<1280x2xf32, #tpu.memory_space<vmem>>, vector<1280x2xf32>,
    return
  }
  func.func @transform_0(%arg0: i32) -> (i32, i32) {
    %c0_i32 = arith.constant 0 : i32
    %c0_i32_0 = arith.constant 0 : i32
    return %arg0, %c0_i32 : i32, i32
  }
  func.func @transform_1(%arg0: i32) -> (i32, i32) {
    %c0_i32 = arith.constant 0 : i32
    %c0_i32_0 = arith.constant 0 : i32
    %c0_i32_1 = arith.constant 0 : i32
    return %c0_i32, %c0_i32_0 : i32, i32
  }
  func.func @transform_2(%arg0: i32) -> (i32, i32) {
    %c0_i32 = arith.constant 0 : i32
    %c0_i32_0 = arith.constant 0 : i32
    %c0_i32_1 = arith.constant 0 : i32
    return %c0_i32, %c0_i32_0 : i32, i32
  }
  func.func @transform_3(%arg0: i32) -> (i32, i32) {
    %c0_i32 = arith.constant 0 : i32
    %c0_i32_0 = arith.constant 0 : i32
    %c0_i32_1 = arith.constant 0 : i32
    return %c0_i32, %c0_i32_0 : i32, i32
  }
  func.func @transform_4(%arg0: i32) -> (i32, i32) {
    %c0_i32 = arith.constant 0 : i32
    %c0_i32_0 = arith.constant 0 : i32
    %c0_i32_1 = arith.constant 0 : i32
    return %c0_i32, %c0_i32_0 : i32, i32
  }
  func.func @transform_5(%arg0: i32) -> (i32, i32) {
    %c0_i32 = arith.constant 0 : i32
    %c0_i32_0 = arith.constant 0 : i32
    %c0_i32_1 = arith.constant 0 : i32
    return %c0_i32, %c0_i32_0 : i32, i32
  }
  func.func @transform_6(%arg0: i32) -> (i32, i32) {
    %c0_i32 = arith.constant 0 : i32
    %c0_i32_0 = arith.constant 0 : i32
    %c0_i32_1 = arith.constant 0 : i32
    return %c0_i32, %c0_i32_0 : i32, i32
  }
  func.func @transform_7(%arg0: i32) -> (i32, i32) {
    %c0_i32 = arith.constant 0 : i32
    %c0_i32_0 = arith.constant 0 : i32
    %c0_i32_1 = arith.constant 0 : i32
    return %c0_i32, %c0_i32_0 : i32, i32
  }
  func.func @transform_8(%arg0: i32) -> (i32, i32) {
    %c0_i32 = arith.constant 0 : i32
    %c0_i32_0 = arith.constant 0 : i32
    return %arg0, %c0_i32 : i32, i32
  }
}

</mosaic_0001>

<sc_bundles>
// kernel: kernel.15.cloned.1.call-start
scs
__scs_entry_jumppad:
0x0: {  	(pc) =	sbr.rel $0x88, $3  }
0x1: {  	(tag) =	ssettag $0x0;
	lr =	simm.s32 $0x1  }
0x2: {  	[smem:$0x3F76] =	sst lr;
	_ =	strace $0xD0000000  }
0x3: {  	_ = 	snop  }
0x4: {  	_ = 	snop  }
0x5: {  	_ = 	snop  }
0x6: {  	_ = 	snop  }
0x7: {  	_ = 	snop  }
__scs_overlays_trampoline_lowered:
0x8: {  	[smem:$0x3F85] =	sst s0  }
0x9: {  	[smem:$0x3F86] =	sst s1  }
0xa: {  	[smem:$0x3F87] =	sst s2  }
0xb: {  	[smem:$0x3F88] =	sst s3  }
0xc: {  	[smem:$0x3F89] =	sst s4  }
0xd: {  	[smem:$0x3F8A] =	sst s5  }
0xe: {  	[smem:$0x3F8B] =	sst s6  }
0xf: {  	[smem:$0x3F8C] =	sst s7  }
0x10: {  	[smem:$0x3F8D] =	sst s8  }
0x11: {  	[smem:$0x3F8E] =	sst s9;
	s0 =	simm.s32 @!p0 $0x0  }
0x12: {  	s1 =	sld [smem:$0x3F74];
	s0 =	simm.s32 @p0 $0x1  }
0x13: {  	[smem:$0x3F8F] =	sst s0;
	s0 =	simm.s32 @!p1 $0x0  }
0x14: {  	s2 =	sld [smem:$0x3F73];
	s0 =	simm.s32 @p1 $0x1  }
0x15: {  	[smem:$0x3F90] =	sst s0;
	s0 =	simm.s32 @!p2 $0x0  }
0x16: {  	s3 =	sld [smem:$0x3FDB];
	s0 =	simm.s32 @p2 $0x1  }
0x17: {  	s4 =	simm.s32 $0x1BF5;
	[smem:$0x3F92] =	sst s0  }
0x18: {  	s0 =	sld [smem:$0x3F75];
	_ =	swait.ge [sflag:s4], $0x0  }
0x19: {  	s7 =	sld [smem:$0x3F76]  }
0x1a: {  	s8 =	sadd.s32 $0xFFFFE003, lr  }
0x1b: {  	s9 =	sadd.s32 $0xFFFFFEF7, lr;
	s5 =	simm.s32 $0xFFFFFFFF;
	p2 =	slt.u32 s8, $0xFFFFF086  }
0x1c: {  	p1 =	slt.u32 s9, $0xF7A;
	s5 =	simm.s32 @!p2 $0x0  }
0x1d: {  	s5 =	simm.s32 @p1 $0x1;
	p0 =	seq.s32 s7, s2  }
0x1e: {  	s7 =	smul.u32 @!p0 $0xF7A, s2;
	p2 =	seq.s32 @!p0 s5, $0x0  }
0x1f: {  	s9 =	smul.u32 $0xF7A, s1;
	s8 =	simm.s32 @!p0 $0x1BF5;
	p2 =	por !p2, p0  }
0x20: {  	[sflag:s8] =	ssyncset.s32 @!p0 $0xFFFFF086;
	s6 =	sadd.s32 @!p0 s3, s7;
	s7 =	simm.s32 @!p0 $0x108  }
0x21: {  	s3 =	sadd.s32 s3, s9;
	s6 =	sadd.s32 @!p0 $0x88, s6;
	s7 =	simm.s32 @p2 $0x1082  }
0x22: {  	[simem:s7], [sflag:s8] =	dma.local @!p0 [hbm:s6], $0xF7A  }
0x23: {  	s9 =	sor.u32 $0xD0000000, s2;
	s6 =	simm.s32 $0x108;
	_ =	swait.ge @!p0 [sflag:s8], $0x0  }
0x24: {  	s3 =	sadd.s32 $0x88, s3;
	s6 =	simm.s32 @!p1 $0x1082;
	[sflag:s4] =	ssyncset.s32 $0xFFFFF086  }
0x25: {  	[simem:s6], [sflag:s4] =	dma.local [hbm:s3], $0xF7A  }
0x26: {  	[smem:$0x3F76] =	sst s1;
	(tag) =	ssettag s2;
	_ =	strace s9  }
0x27: {  	s1 =	sld [smem:$0x3F86]  }
0x28: {  	s2 =	sld [smem:$0x3F87]  }
0x29: {  	s4 =	sld [smem:$0x3F89]  }
0x2a: {  	p0 =	seq.s32 s5, $0x0;
	s5 =	sld [smem:$0x3F8A]  }
0x2b: {  	s6 =	sld [smem:$0x3F8B]  }
0x2c: {  	s7 =	sld [smem:$0x3F8C]  }
0x2d: {  	s3 =	simm.s32 $0x108;
	s8 =	sld [smem:$0x3F8D]  }
0x2e: {  	s3 =	simm.s32 @!p0 $0x1082;
	s9 =	sld [smem:$0x3F8E]  }
0x2f: {  	lr =	sadd.s32 s0, s3;
	s0 =	sld [smem:$0x3F85]  }
0x30: {  	s3 =	sld [smem:$0x3F88]  }
0x31: {  	[smem:$0x3F91] =	sst s10  }
0x32: {  	s10 =	sld [smem:$0x3F8F];
	_ =	sdelay $0x3  }
0x33: {  	p0 =	seq.s32 s10, $0x1;
	s10 =	sld [smem:$0x3F91];
	_ =	sdelay $0x3  }
0x34: {  	[smem:$0x3F91] =	sst s10  }
0x35: {  	s10 =	sld [smem:$0x3F90];
	_ =	sdelay $0x3  }
0x36: {  	p1 =	seq.s32 s10, $0x1;
	s10 =	sld [smem:$0x3F91];
	_ =	sdelay $0x3  }
0x37: {  	[smem:$0x3F91] =	sst s10  }
0x38: {  	s10 =	sld [smem:$0x3F92]  }
0x39: {  	_ = 	snop;
	(pc) =	sbr.ind lr, $3  }
0x3a: {  	_ = 	snop  }
0x3b: {  	_ = 	snop  }
0x3c: {  	p2 =	seq.s32 s10, $0x1;
	s10 =	sld [smem:$0x3F91]  }
0x3d: {  	_ =	shalt  }
0x3e: {  	_ =	shalt  }
0x3f: {  	_ =	shalt  }
0x40: {  	_ =	shalt  }
0x41: {  	_ =	shalt  }
0x42: {  	_ =	shalt  }
0x43: {  	_ =	shalt  }
0x44: {  	_ =	shalt  }
0x45: {  	_ =	shalt  }
0x46: {  	_ =	shalt  }
0x47: {  	_ =	shalt  }
0x48: {  	_ =	shalt  }
0x49: {  	_ =	shalt  }
0x4a: {  	_ =	shalt  }
0x4b: {  	_ =	shalt  }
0x4c: {  	_ =	shalt  }
0x4d: {  	_ =	shalt  }
0x4e: {  	_ =	shalt  }
0x4f: {  	_ =	shalt  }
0x50: {  	_ =	shalt  }
0x51: {  	_ =	shalt  }
0x52: {  	_ =	shalt  }
0x53: {  	_ =	shalt  }
0x54: {  	_ =	shalt  }
0x55: {  	_ =	shalt  }
0x56: {  	_ =	shalt  }
0x57: {  	_ =	shalt  }
0x58: {  	_ =	shalt  }
0x59: {  	_ =	shalt  }
0x5a: {  	_ =	shalt  }
0x5b: {  	_ =	shalt  }
0x5c: {  	_ =	shalt  }
0x5d: {  	_ =	shalt  }
0x5e: {  	_ =	shalt  }
0x5f: {  	_ =	shalt  }
0x60: {  	_ =	shalt  }
0x61: {  	_ =	shalt  }
0x62: {  	_ =	shalt  }
0x63: {  	_ =	shalt  }
0x64: {  	_ =	shalt  }
0x65: {  	_ =	shalt  }
0x66: {  	_ =	shalt  }
0x67: {  	_ =	shalt  }
0x68: {  	_ =	shalt  }
0x69: {  	_ =	shalt  }
0x6a: {  	_ =	shalt  }
0x6b: {  	_ =	shalt  }
0x6c: {  	_ =	shalt  }
0x6d: {  	_ =	shalt  }
0x6e: {  	_ =	shalt  }
0x6f: {  	_ =	shalt  }
0x70: {  	_ =	shalt  }
0x71: {  	_ =	shalt  }
0x72: {  	_ =	shalt  }
0x73: {  	_ =	shalt  }
0x74: {  	_ =	shalt  }
0x75: {  	_ =	shalt  }
0x76: {  	_ =	shalt  }
0x77: {  	_ =	shalt  }
0x78: {  	_ =	shalt  }
0x79: {  	_ =	shalt  }
0x7a: {  	_ =	shalt  }
0x7b: {  	_ =	shalt  }
0x7c: {  	_ =	shalt  }
0x7d: {  	_ =	shalt  }
0x7e: {  	_ =	shalt  }
0x7f: {  	_ =	shalt  }
0x80: {  	_ =	shalt  }
0x81: {  	_ =	shalt  }
0x82: {  	_ =	shalt  }
0x83: {  	_ =	shalt  }
0x84: {  	_ =	shalt  }
0x85: {  	_ =	shalt  }
0x86: {  	_ =	shalt  }
0x87: {  	_ =	shalt  }
.Lfunc_end0:
.L_simem_size_0:
called_computation_lowered:
.L_overlay_start_0:
0x88: {  	s2 =	sld [smem:$0x3FD9]  }
0x89: {  	s3 =	sld [smem:$0x3FFE];
	_ =	sdelay $0x1  }
0x8a: {  	s1 =	srdreg.scid  }
0x8b: {  	s0 =	sand.u32 $0x1, s1  }
0x8c: {  	s16 =	sshll.u32 s0, $0xA;
	s2 =	sadd.s32 s3, s2  }
0x8d: {  	s2 =	sadd.s32 s2, s16  }
0x8e: {  	[smem:$0x3F9D] =	sst s2  }
0x8f: {  	_ = 	snop  }
0x90: {  	(tm) =	ssettm $0x1  }
0x91: {  	s17 =	sld [smem:$0x3FFB];
	_ =	sdelay $0x3  }
0x92: {  	_ =	strace s17  }
0x93: {  	s2 =	sld [smem:$0x3FFC];
	_ =	sdelay $0x3  }
0x94: {  	_ =	strace s2  }
0x95: {  	s2 =	sld [smem:$0x3FFD];
	_ =	sdelay $0x3  }
0x96: {  	_ =	strace s2  }
0x97: {  	_ =	strace $0x8FFFFFFF  }
0x98: {  	s18 =	sld [smem:$0x3FDB];
	_ =	sdelay $0x1  }
0x99: {  	s19 =	simm.s32 $_scs_section_size  }
0x9a: {  	s4 =	simm.s32 $_size__tile_overlayer_lowered;
	s5 =	simm.s32 $_tile_overlayer_lowered  }
0x9b: {  	s22 =	simm.s32 $0x1BFF;
	s21 =	sshll.u32 s5, $0x1;
	s2 =	sadd.s32 s19, s18  }
0x9c: {  	s6 =	simm.s32 $0x0;
	s20 =	sshll.u32 s4, $0x1;
	s4 =	sadd.s32 s21, s2  }
0x9d: {  	[timem:s6], [sflag:s22] =	dma.local [hbm:s4], s20  }
0x9e: {  	_ =	swait.ge [sflag:s22], s20  }
0x9f: {  	s3 =	ssub.s32 $0x0, s20;
	[sflag:s22] =	ssyncset.done $0x0  }
0xa0: {  	[sflag:s22] =	ssyncadd.s32 s3;
	_ =	sdelay $0x1  }
0xa1: {  	s23 =	simm.s32 $0x1B8B  }
0xa2: {  	_ =	swait.ge [sflag:s23], $0x1  }
0xa3: {  	[sflag:s23] =	ssyncset.done $0x0  }
0xa4: {  	s25 =	simm.s32 $0x1B8E;
	s24 =	sld [smem:$0x3FFE];
	[sflag:s23] =	ssyncadd.s32 $0xFFFFFFFF  }
0xa5: {  	s26 =	simm.s32 $execute0_lowered;
	[smem:$0x3FD2] =	sst s25  }
0xa6: {  	s4 =	sshll.u32 s26, $0x1;
	_ =	strace $0x80000046;
	[dreg:$0x1] =	wrdreg $0xFFFFFFFF  }
0xa7: {  	s28 =	simm.s32 $_size_execute0_lowered;
	s2 =	sadd.s32 s2, s4;
	[dreg:$0x0] =	wrdreg $0x0  }
0xa8: {  	s4 =	sshll.u32 s28, $0x1;
	[dreg:$0x2] =	wrdreg s2  }
0xa9: {  	[dreg:$0x3] =	wrdreg s4  }
0xaa: {  	[dreg:$0x4] =	wrdreg $0xC0  }
0xab: {  	_ =	task [dreg:s6], $0x5FFFF  }
0xac: {  	[dreg:$0x1] =	wrdreg $0xFFFFFFFF  }
0xad: {  	[dreg:$0x0] =	wrdreg $0x60  }
0xae: {  	[dreg:$0x2] =	wrdreg s24  }
0xaf: {  	[dreg:$0x3] =	wrdreg $0x9  }
0xb0: {  	_ =	task.clear_ibuf [dreg:s6], $0x4FFFF;
	_ =	strace $0x90000046  }
0xb1: {  	s29 =	simm.s32 $0x9;
	_ =	strace $0x80000048  }
0xb2: {  	_ =	swait.ge [sflag:s29], $0x1  }
0xb3: {  	[sflag:s29] =	ssyncadd.s32 $0xFFFFFFFF  }
0xb4: {  	_ =	strace $0x90000048  }
0xb5: {  	_ =	sfence  }
0xb6: {  	s30 =	sld [smem:$0x0];
	_ =	sdelay $0x2  }
0xb7: {  	s31 =	sshll.u32 s1, $0xD;
	s1 =	sshrl.u32 s1, $0x2  }
0xb8: {  	s3 =	sand.u32 $0x4000, s31;
	s1 =	sadd.s32 s1, s30  }
0xb9: {  	s0 =	sor.u32 s3, s0;
	s1 =	sshll.u32 s1, $0x11  }
0xba: {  	s0 =	sor.u32 s1, s0  }
0xbb: {  	s0 =	sadd.s32 $0x8F2B, s0  }
0xbc: {  	[sflag:s0] =	ssyncadd.remote.s32 $0x1  }
0xbd: {  	_ =	sfence.sel $0xFFFF  }
0xbe: {  	[dreg:$0x0] =	wrdreg $0xFFFFFFFF;
	(pc) =	sbr.abs _section_cstart, $3  }
0xbf: {  	[dreg:$0x1] =	wrdreg $0xFFFFFFFF  }
0xc0: {  	_ =	task.clear_ibuf [dreg:s6], $0x2FFFF;
	_ =	strace $0x9FFFFFFF  }
0xc1: {  	(tm) =	ssettm $0x7FFFFFFF  }
tec
execute0_lowered:
.L_overlay_start_1:
0x0: {  	(tag) =	ssettag $0x1  }
0x1: {  	s5 =	rddreg [dreg:$0x0]  }
0x2: {  	s1 =	srdreg.scid;
	s0 =	rddreg [dreg:$0x1]  }
0x3: {  	s2 =	simm.s32 $0x0;
	s10 =	simm.s32 $0x1400;
	s11 =	simm.s32 $0x80  }
0x4: {  	s12 =	simm.s32 $0x5400;
	s13 =	simm.s32 $0x1;
	s3 =	sand.u32 $0x1, s1  }
0x5: {  	s14 =	simm.s32 $0x0;
	s1 =	stileid.u32;
	s4 =	sshll.u32 s3, $0x4  }
0x6: {  	[smem:$0x7FF] =	sst s2;
	s8 =	ssub.s32 $0x2, s3;
	s6 =	sor.u32 s1, s4  }
0x7: {  	_ =	strace $0x80000047;
	s9 =	sshrl.u32 s8, $0x1;
	s7 =	smul.u32 $0x280, s6  }
0x8: {  	s3 =	sadd.s32 $0xD000, s5;
	s4 =	sadd.s32 $0x4F9000, s5;
	s8 =	ssub.s32 s8, s9  }
0x9: {  	s6 =	smul.u32 $0x1400, s6;
	s9 =	simm.s32 $0x2;
	s7 =	sadd.s32 s7, s5  }
0xa: {  	s8 =	smax.u32 s8, $0x1;
	s5 =	sadd.s32 $0x34200, s5;
	s7 =	sadd.s32 $0x8000, s7  }
.LBB2_1:
0xb: {  	[tilespmem:s2], [sflag:$0x2] =	stream.linear.gather [hbm4b:s7+s2], $0x1400, $0x38;
	[tilespmem:$0x9400] =	vst v63  }
0xc: {  	_ =	swait.ge [sflag:s9], $0x1400  }
0xd: {  	[sflag:s9] =	ssyncset.done $0x0  }
0xe: {  	s15 =	simm.s32 $0x0;
	[sflag:s9] =	ssyncadd.s32 $0xFFFFEC00  }
.LBB2_2:
0xf: {  	s17 =	sshll.u32 s15, $0x7  }
0x10: {  	s16 =	sadd.s32 s6, s17  }
0x11: {  	s16 =	sshll.u32 s16, $0x4  }
0x12: {  	s19 =	simm.s32 $0x0;
	s18 =	sadd.s32 s4, s16  }
0x13: {  	[tilespmem:s10], [sflag:$0x2] =	stream.linear.gather [hbm4b:s18+s19], $0x4000, $0x38;
	[tilespmem:$0x9400] =	vst v63  }
0x14: {  	_ =	swait.ge [sflag:s9], $0x4000  }
0x15: {  	[sflag:s9] =	ssyncset.done $0x0  }
0x16: {  	[sflag:s9] =	ssyncadd.s32 $0xFFFFC000  }
0x17: {  	[tilespmem:s12], [sflag:$0x1] =	stream.indirect.gather [hbm4b:s3+s11], $0x80, s17, s11, $0xb8;
	[tilespmem:$0x9400] =	vst v63  }
0x18: {  	_ =	swait.ge [sflag:s13], $0x4000  }
0x19: {  	[sflag:s13] =	ssyncset.done $0x0  }
0x1a: {  	s17 =	simm.s32 $0x0;
	[sflag:s13] =	ssyncadd.s32 $0xFFFFC000  }
0x1b: {  	v3 =	vld [tilespmem:s17+$0x1400]  }
0x1c: {  	v2 =	vld [tilespmem:s17+$0x1410]  }
0x1d: {  	v1 =	vld [tilespmem:s17+$0x1420]  }
0x1e: {  	v0 =	vld [tilespmem:s17+$0x1430]  }
0x1f: {  	v6 =	vld [tilespmem:s17+$0x5400]  }
0x20: {  	v5 =	vld [tilespmem:s17+$0x5410];
	v4 =	vmax.f32 v3, $0.0e+00  }
0x21: {  	s18 =	simm.s32 $0x200;
	v8 =	vmax.f32 v2, $0.0e+00;
	v7 =	vadd.f32 $1.000000010e-07, v4;
	v4 =	vld [tilespmem:s17+$0x5420]  }
.LBB2_3:
0x22: {  	p0 =	sne.s32 s18, $0xFE00;
	v8 =	vadd.f32 $1.000000010e-07, v8;
	v9 =	vmax.f32 v1, $0.0e+00;
	v10 =	vld [tilespmem:s17+$0x5430]  }
0x23: {  	[tilespmem:s17+$0x5440] =	vst v7;
	v7 =	vadd.f32 $1.000000010e-07, v9;
	v9 =	vmax.f32 v0, $0.0e+00  }
0x24: {  	v6 =	vadd.f32 v6, v3;
	[tilespmem:s17+$0x5450] =	vst v8;
	v8 =	vadd.f32 $1.000000010e-07, v9  }
0x25: {  	s19 =	sshra.s32 s18, $0x2;
	v5 =	vadd.f32 v5, v2;
	[tilespmem:s17+$0x5460] =	vst v7  }
0x26: {  	v3 =	vld [tilespmem:s19+$0x1400];
	v6 =	vmax.f32 v6, $0.0e+00;
	v4 =	vadd.f32 v4, v1;
	[tilespmem:s17+$0x5470] =	vst v8  }
0x27: {  	v2 =	vld [tilespmem:s19+$0x1410];
	v6 =	vadd.f32 $1.000000010e-07, v6;
	v5 =	vmax.f32 v5, $0.0e+00;
	v7 =	vadd.f32 v10, v0  }
.Ltmp0:
0x28: {  	v1 =	vld [tilespmem:s19+$0x1420];
	v5 =	vadd.f32 $1.000000010e-07, v5;
	v4 =	vmax.f32 v4, $0.0e+00;
	(pc) =	sbr.rel @p0 .LBB2_3-.Ltmp0, $4  }
0x29: {  	v0 =	vld [tilespmem:s19+$0x1430];
	[tilespmem:s17+$0x5400] =	vst v6;
	v4 =	vadd.f32 $1.000000010e-07, v4;
	v7 =	vmax.f32 v7, $0.0e+00  }
0x2a: {  	v6 =	vld [tilespmem:s19+$0x5400];
	[tilespmem:s17+$0x5410] =	vst v5;
	v9 =	vadd.f32 $1.000000010e-07, v7  }
0x2b: {  	v7 =	vmax.f32 v3, $0.0e+00;
	v5 =	vld [tilespmem:s19+$0x5410];
	[tilespmem:s17+$0x5420] =	vst v4  }
0x2c: {  	s18 =	sadd.s32 $0x200, s18;
	v7 =	vadd.f32 $1.000000010e-07, v7;
	v8 =	vmax.f32 v2, $0.0e+00;
	v4 =	vld [tilespmem:s19+$0x5420];
	[tilespmem:s17+$0x5430] =	vst v9;
	s17 =	smov.u32 s19  }
0x2d: {  	v9 =	vld [tilespmem:s17+$0x5430];
	_ =	sdelay $0x1  }
0x2e: {  	v8 =	vadd.f32 $1.000000010e-07, v8;
	v10 =	vmax.f32 v1, $0.0e+00;
	v3 =	vadd.f32 v6, v3  }
0x2f: {  	[tilespmem:s17+$0x5440] =	vst v7;
	v59 =	vadd.f32 $1.000000010e-07, v10;
	v60 =	vmax.f32 v0, $0.0e+00;
	v2 =	vadd.f32 v5, v2  }
0x30: {  	[tilespmem:s17+$0x5450] =	vst v8;
	v61 =	vadd.f32 $1.000000010e-07, v60;
	v3 =	vmax.f32 v3, $0.0e+00;
	v62 =	vadd.f32 v4, v1  }
0x31: {  	[tilespmem:s17+$0x5460] =	vst v59;
	v3 =	vadd.f32 $1.000000010e-07, v3;
	v2 =	vmax.f32 v2, $0.0e+00;
	v63 =	vadd.f32 v9, v0  }
0x32: {  	[tilespmem:s17+$0x5470] =	vst v61;
	v2 =	vadd.f32 $1.000000010e-07, v2;
	v1 =	vmax.f32 v62, $0.0e+00  }
0x33: {  	[tilespmem:s17+$0x5400] =	vst v3;
	v1 =	vadd.f32 $1.000000010e-07, v1;
	v0 =	vmax.f32 v63, $0.0e+00  }
0x34: {  	s15 =	sadd.s32 $0x1, s15;
	[tilespmem:s17+$0x5410] =	vst v2;
	v0 =	vadd.f32 $1.000000010e-07, v0  }
0x35: {  	p0 =	sne.s32 s15, $0x28;
	[tilespmem:s17+$0x5420] =	vst v1  }
.Ltmp1:
0x36: {  	s16 =	sadd.s32 s5, s16;
	[tilespmem:s17+$0x5430] =	vst v0;
	(pc) =	sbr.rel @p0 .LBB2_2-.Ltmp1, $4  }
0x37: {  	[hbm4b:s16+s2] =	stream.linear.scatter [tilespmem:s12], [sflag:$0x2], $0x4000, $0x38;
	[tilespmem:$0x9400] =	vst v63  }
0x38: {  	_ =	swait.ge [sflag:s9], $0x4000  }
0x39: {  	[sflag:s9] =	ssyncset.done $0x0  }
0x3a: {  	[sflag:s9] =	ssyncadd.s32 $0xFFFFC000  }
0x3b: {  	s14 =	sadd.s32 $0x1, s14  }
0x3c: {  	p0 =	sne.s32 s14, s8  }
.Ltmp2:
0x3d: {  	_ = 	snop;
	(pc) =	sbr.rel @p0 .LBB2_1-.Ltmp2, $1  }
0x3e: {  	_ =	sdelay $0x3  }
0x3f: {  	_ =	sfence.sel $0x180000  }
0x40: {  	[bflag:$0x0] =	sbarrier.arrive $0xFFFF  }
0x41: {  	p0 =	sne.s32 s1, $0x0;
	_ =	strace $0x90000047  }
0x42: {  	s0 =	sadd.s32 @!p0 $0x100000, s0;
	[bflag:$0x2] =	sbarrier.arrive $0xFFFF  }
0x43: {  	[sflag:s0] =	ssyncadd.tile.s32 @!p0 $0x1;
	_ =	shalt  }
.Lfunc_end2:
_tile_overlayer_lowered:
.L_overlay_start_2:
0x44: {  	(tag) =	ssettag $0x2  }
0x45: {  	s0 =	rddreg [dreg:$0x0];
	s2 =	stileid.u32  }
0x46: {  	s1 =	rddreg [dreg:$0x1];
	p0 =	sne.s32 s2, $0x0  }
0x47: {  	s3 =	rddreg [dreg:$0x2];
	[bflag:$0x3] =	sbarrier.arrive $0xFFFF;
	s2 =	simm.s32 @!p0 $0x1C02  }
0x48: {  	[timem:s3], [sflag:s2] =	dma.local @!p0 [hbm:s0], s1  }
0x49: {  	s0 =	simm.s32 @!p0 $0x2  }
0x4a: {  	_ =	swait.ge @!p0 [sflag:s0], s1  }
0x4b: {  	s1 =	ssub.s32 @!p0 $0x0, s1;
	[sflag:s0] =	ssyncset.done @!p0 $0x0  }
0x4c: {  	[sflag:s0] =	ssyncadd.s32 @!p0 s1  }
0x4d: {  	[bflag:$0x3] =	sbarrier.arrive $0xFFFF  }
0x4e: {  	_ =	shalt  }

// kernel: kernel.18.cloned.1.call-start
scs
__scs_entry_jumppad:
0x0: {  	(pc) =	sbr.rel $0x88, $3  }
0x1: {  	(tag) =	ssettag $0x0;
	lr =	simm.s32 $0x1  }
0x2: {  	[smem:$0x3F76] =	sst lr;
	_ =	strace $0xD0000000  }
0x3: {  	_ = 	snop  }
0x4: {  	_ = 	snop  }
0x5: {  	_ = 	snop  }
0x6: {  	_ = 	snop  }
0x7: {  	_ = 	snop  }
__scs_overlays_trampoline_lowered:
0x8: {  	[smem:$0x3F85] =	sst s0  }
0x9: {  	[smem:$0x3F86] =	sst s1  }
0xa: {  	[smem:$0x3F87] =	sst s2  }
0xb: {  	[smem:$0x3F88] =	sst s3  }
0xc: {  	[smem:$0x3F89] =	sst s4  }
0xd: {  	[smem:$0x3F8A] =	sst s5  }
0xe: {  	[smem:$0x3F8B] =	sst s6  }
0xf: {  	[smem:$0x3F8C] =	sst s7  }
0x10: {  	[smem:$0x3F8D] =	sst s8  }
0x11: {  	[smem:$0x3F8E] =	sst s9;
	s0 =	simm.s32 @!p0 $0x0  }
0x12: {  	s1 =	sld [smem:$0x3F74];
	s0 =	simm.s32 @p0 $0x1  }
0x13: {  	[smem:$0x3F8F] =	sst s0;
	s0 =	simm.s32 @!p1 $0x0  }
0x14: {  	s2 =	sld [smem:$0x3F73];
	s0 =	simm.s32 @p1 $0x1  }
0x15: {  	[smem:$0x3F90] =	sst s0;
	s0 =	simm.s32 @!p2 $0x0  }
0x16: {  	s3 =	sld [smem:$0x3FDB];
	s0 =	simm.s32 @p2 $0x1  }
0x17: {  	s4 =	simm.s32 $0x1BF5;
	[smem:$0x3F92] =	sst s0  }
0x18: {  	s0 =	sld [smem:$0x3F75];
	_ =	swait.ge [sflag:s4], $0x0  }
0x19: {  	s7 =	sld [smem:$0x3F76]  }
0x1a: {  	s8 =	sadd.s32 $0xFFFFE003, lr  }
0x1b: {  	s9 =	sadd.s32 $0xFFFFFEF7, lr;
	s5 =	simm.s32 $0xFFFFFFFF;
	p2 =	slt.u32 s8, $0xFFFFF086  }
0x1c: {  	p1 =	slt.u32 s9, $0xF7A;
	s5 =	simm.s32 @!p2 $0x0  }
0x1d: {  	s5 =	simm.s32 @p1 $0x1;
	p0 =	seq.s32 s7, s2  }
0x1e: {  	s7 =	smul.u32 @!p0 $0xF7A, s2;
	p2 =	seq.s32 @!p0 s5, $0x0  }
0x1f: {  	s9 =	smul.u32 $0xF7A, s1;
	s8 =	simm.s32 @!p0 $0x1BF5;
	p2 =	por !p2, p0  }
0x20: {  	[sflag:s8] =	ssyncset.s32 @!p0 $0xFFFFF086;
	s6 =	sadd.s32 @!p0 s3, s7;
	s7 =	simm.s32 @!p0 $0x108  }
0x21: {  	s3 =	sadd.s32 s3, s9;
	s6 =	sadd.s32 @!p0 $0x88, s6;
	s7 =	simm.s32 @p2 $0x1082  }
0x22: {  	[simem:s7], [sflag:s8] =	dma.local @!p0 [hbm:s6], $0xF7A  }
0x23: {  	s9 =	sor.u32 $0xD0000000, s2;
	s6 =	simm.s32 $0x108;
	_ =	swait.ge @!p0 [sflag:s8], $0x0  }
0x24: {  	s3 =	sadd.s32 $0x88, s3;
	s6 =	simm.s32 @!p1 $0x1082;
	[sflag:s4] =	ssyncset.s32 $0xFFFFF086  }
0x25: {  	[simem:s6], [sflag:s4] =	dma.local [hbm:s3], $0xF7A  }
0x26: {  	[smem:$0x3F76] =	sst s1;
	(tag) =	ssettag s2;
	_ =	strace s9  }
0x27: {  	s1 =	sld [smem:$0x3F86]  }
0x28: {  	s2 =	sld [smem:$0x3F87]  }
0x29: {  	s4 =	sld [smem:$0x3F89]  }
0x2a: {  	p0 =	seq.s32 s5, $0x0;
	s5 =	sld [smem:$0x3F8A]  }
0x2b: {  	s6 =	sld [smem:$0x3F8B]  }
0x2c: {  	s7 =	sld [smem:$0x3F8C]  }
0x2d: {  	s3 =	simm.s32 $0x108;
	s8 =	sld [smem:$0x3F8D]  }
0x2e: {  	s3 =	simm.s32 @!p0 $0x1082;
	s9 =	sld [smem:$0x3F8E]  }
0x2f: {  	lr =	sadd.s32 s0, s3;
	s0 =	sld [smem:$0x3F85]  }
0x30: {  	s3 =	sld [smem:$0x3F88]  }
0x31: {  	[smem:$0x3F91] =	sst s10  }
0x32: {  	s10 =	sld [smem:$0x3F8F];
	_ =	sdelay $0x3  }
0x33: {  	p0 =	seq.s32 s10, $0x1;
	s10 =	sld [smem:$0x3F91];
	_ =	sdelay $0x3  }
0x34: {  	[smem:$0x3F91] =	sst s10  }
0x35: {  	s10 =	sld [smem:$0x3F90];
	_ =	sdelay $0x3  }
0x36: {  	p1 =	seq.s32 s10, $0x1;
	s10 =	sld [smem:$0x3F91];
	_ =	sdelay $0x3  }
0x37: {  	[smem:$0x3F91] =	sst s10  }
0x38: {  	s10 =	sld [smem:$0x3F92]  }
0x39: {  	_ = 	snop;
	(pc) =	sbr.ind lr, $3  }
0x3a: {  	_ = 	snop  }
0x3b: {  	_ = 	snop  }
0x3c: {  	p2 =	seq.s32 s10, $0x1;
	s10 =	sld [smem:$0x3F91]  }
0x3d: {  	_ =	shalt  }
0x3e: {  	_ =	shalt  }
0x3f: {  	_ =	shalt  }
0x40: {  	_ =	shalt  }
0x41: {  	_ =	shalt  }
0x42: {  	_ =	shalt  }
0x43: {  	_ =	shalt  }
0x44: {  	_ =	shalt  }
0x45: {  	_ =	shalt  }
0x46: {  	_ =	shalt  }
0x47: {  	_ =	shalt  }
0x48: {  	_ =	shalt  }
0x49: {  	_ =	shalt  }
0x4a: {  	_ =	shalt  }
0x4b: {  	_ =	shalt  }
0x4c: {  	_ =	shalt  }
0x4d: {  	_ =	shalt  }
0x4e: {  	_ =	shalt  }
0x4f: {  	_ =	shalt  }
0x50: {  	_ =	shalt  }
0x51: {  	_ =	shalt  }
0x52: {  	_ =	shalt  }
0x53: {  	_ =	shalt  }
0x54: {  	_ =	shalt  }
0x55: {  	_ =	shalt  }
0x56: {  	_ =	shalt  }
0x57: {  	_ =	shalt  }
0x58: {  	_ =	shalt  }
0x59: {  	_ =	shalt  }
0x5a: {  	_ =	shalt  }
0x5b: {  	_ =	shalt  }
0x5c: {  	_ =	shalt  }
0x5d: {  	_ =	shalt  }
0x5e: {  	_ =	shalt  }
0x5f: {  	_ =	shalt  }
0x60: {  	_ =	shalt  }
0x61: {  	_ =	shalt  }
0x62: {  	_ =	shalt  }
0x63: {  	_ =	shalt  }
0x64: {  	_ =	shalt  }
0x65: {  	_ =	shalt  }
0x66: {  	_ =	shalt  }
0x67: {  	_ =	shalt  }
0x68: {  	_ =	shalt  }
0x69: {  	_ =	shalt  }
0x6a: {  	_ =	shalt  }
0x6b: {  	_ =	shalt  }
0x6c: {  	_ =	shalt  }
0x6d: {  	_ =	shalt  }
0x6e: {  	_ =	shalt  }
0x6f: {  	_ =	shalt  }
0x70: {  	_ =	shalt  }
0x71: {  	_ =	shalt  }
0x72: {  	_ =	shalt  }
0x73: {  	_ =	shalt  }
0x74: {  	_ =	shalt  }
0x75: {  	_ =	shalt  }
0x76: {  	_ =	shalt  }
0x77: {  	_ =	shalt  }
0x78: {  	_ =	shalt  }
0x79: {  	_ =	shalt  }
0x7a: {  	_ =	shalt  }
0x7b: {  	_ =	shalt  }
0x7c: {  	_ =	shalt  }
0x7d: {  	_ =	shalt  }
0x7e: {  	_ =	shalt  }
0x7f: {  	_ =	shalt  }
0x80: {  	_ =	shalt  }
0x81: {  	_ =	shalt  }
0x82: {  	_ =	shalt  }
0x83: {  	_ =	shalt  }
0x84: {  	_ =	shalt  }
0x85: {  	_ =	shalt  }
0x86: {  	_ =	shalt  }
0x87: {  	_ =	shalt  }
.Lfunc_end0:
.L_simem_size_0:
called_computation.1_lowered:
.L_overlay_start_0:
0x88: {  	s2 =	sld [smem:$0x3FD9]  }
0x89: {  	s3 =	sld [smem:$0x3FFE];
	_ =	sdelay $0x1  }
0x8a: {  	s1 =	srdreg.scid  }
0x8b: {  	s0 =	sand.u32 $0x1, s1  }
0x8c: {  	s14 =	sshll.u32 s0, $0xA;
	s2 =	sadd.s32 s3, s2  }
0x8d: {  	s2 =	sadd.s32 s2, s14  }
0x8e: {  	[smem:$0x3F9D] =	sst s2  }
0x8f: {  	_ = 	snop  }
0x90: {  	s2 =	sld [smem:$0x3FD0];
	_ =	sdelay $0x2  }
0x91: {  	s15 =	simm.s32 $0xA;
	s4 =	simm.s32 $0x10  }
0x92: {  	[smem:s4], [sflag:s15] =	dma.local [hbm:s2], $0x1  }
0x93: {  	_ =	swait.eq [sflag:s15], $0x1  }
0x94: {  	[sflag:s15] =	ssyncset.done $0x0  }
0x95: {  	[sflag:s15] =	ssyncadd.s32 $0xFFFFFFFF  }
0x96: {  	s16 =	sld [smem:$0x11];
	(tm) =	ssettm $0x1  }
0x97: {  	s17 =	sld [smem:$0x3FFB];
	_ =	sdelay $0x3  }
0x98: {  	_ =	strace s17  }
0x99: {  	s3 =	sld [smem:$0x3FFC];
	_ =	sdelay $0x3  }
0x9a: {  	_ =	strace s3  }
0x9b: {  	s3 =	sld [smem:$0x3FFD];
	_ =	sdelay $0x3  }
0x9c: {  	_ =	strace s3  }
0x9d: {  	_ =	strace $0x8FFFFFFF  }
0x9e: {  	s18 =	sld [smem:$0x3FDB];
	_ =	sdelay $0x1  }
0x9f: {  	s19 =	simm.s32 $_scs_section_size  }
0xa0: {  	s5 =	simm.s32 $_size__tile_overlayer_lowered;
	s6 =	simm.s32 $_tile_overlayer_lowered  }
0xa1: {  	s22 =	simm.s32 $0x1BFF;
	s21 =	sshll.u32 s6, $0x1;
	s3 =	sadd.s32 s19, s18  }
0xa2: {  	s7 =	simm.s32 $0x0;
	s20 =	sshll.u32 s5, $0x1;
	s5 =	sadd.s32 s21, s3  }
0xa3: {  	[timem:s7], [sflag:s22] =	dma.local [hbm:s5], s20  }
0xa4: {  	_ =	swait.ge [sflag:s22], s20  }
0xa5: {  	s4 =	ssub.s32 $0x0, s20;
	[sflag:s22] =	ssyncset.done $0x0  }
0xa6: {  	[sflag:s22] =	ssyncadd.s32 s4;
	_ =	sdelay $0x1  }
0xa7: {  	s23 =	simm.s32 $0x1B8B  }
0xa8: {  	_ =	swait.ge [sflag:s23], $0x1  }
0xa9: {  	[sflag:s23] =	ssyncset.done $0x0  }
0xaa: {  	s25 =	simm.s32 $0x1B8E;
	s24 =	sld [smem:$0x3FFE];
	[sflag:s23] =	ssyncadd.s32 $0xFFFFFFFF  }
0xab: {  	s26 =	simm.s32 $execute0_lowered;
	[smem:$0x3FD2] =	sst s25  }
0xac: {  	s5 =	sshll.u32 s26, $0x1;
	_ =	strace $0x80000049;
	[dreg:$0x1] =	wrdreg $0xFFFFFFFF  }
0xad: {  	s28 =	simm.s32 $_size_execute0_lowered;
	s3 =	sadd.s32 s3, s5;
	[dreg:$0x0] =	wrdreg $0x0  }
0xae: {  	s5 =	sshll.u32 s28, $0x1;
	[dreg:$0x2] =	wrdreg s3  }
0xaf: {  	[dreg:$0x3] =	wrdreg s5  }
0xb0: {  	[dreg:$0x4] =	wrdreg $0xC0  }
0xb1: {  	_ =	task [dreg:s7], $0x5FFFF  }
0xb2: {  	[dreg:$0x1] =	wrdreg $0xFFFFFFFF  }
0xb3: {  	[dreg:$0x0] =	wrdreg $0x60  }
0xb4: {  	[dreg:$0x2] =	wrdreg s24  }
0xb5: {  	[dreg:$0x3] =	wrdreg s16  }
0xb6: {  	[dreg:$0x4] =	wrdreg $0xA8000  }
0xb7: {  	[dreg:$0x5] =	wrdreg $0x9  }
0xb8: {  	_ =	task.clear_ibuf [dreg:s7], $0x6FFFF;
	_ =	strace $0x90000049  }
0xb9: {  	s29 =	simm.s32 $0x9;
	_ =	strace $0x8000004B  }
0xba: {  	_ =	swait.ge [sflag:s29], $0x1  }
0xbb: {  	[sflag:s29] =	ssyncadd.s32 $0xFFFFFFFF  }
0xbc: {  	_ =	strace $0x9000004B  }
0xbd: {  	_ =	sfence  }
0xbe: {  	s30 =	sld [smem:$0x0];
	_ =	sdelay $0x2  }
0xbf: {  	s31 =	sshll.u32 s1, $0xD;
	s1 =	sshrl.u32 s1, $0x2  }
0xc0: {  	s3 =	sand.u32 $0x4000, s31;
	s1 =	sadd.s32 s1, s30  }
0xc1: {  	s0 =	sor.u32 s3, s0;
	s1 =	sshll.u32 s1, $0x11  }
0xc2: {  	s0 =	sor.u32 s1, s0  }
0xc3: {  	s0 =	sadd.s32 $0x8F2B, s0  }
0xc4: {  	[sflag:s0] =	ssyncadd.remote.s32 $0x1  }
0xc5: {  	_ =	sfence.sel $0xFFFF  }
0xc6: {  	[dreg:$0x0] =	wrdreg $0xFFFFFFFF;
	(pc) =	sbr.abs _section_cstart, $3  }
0xc7: {  	[dreg:$0x1] =	wrdreg $0xFFFFFFFF  }
0xc8: {  	_ =	task.clear_ibuf [dreg:s7], $0x2FFFF;
	_ =	strace $0x9FFFFFFF  }
0xc9: {  	(tm) =	ssettm $0x7FFFFFFF  }
tec
execute0_lowered:
.L_overlay_start_1:
0x0: {  	(tag) =	ssettag $0x1  }
0x1: {  	s4 =	rddreg [dreg:$0x0]  }
0x2: {  	s7 =	rddreg [dreg:$0x1]  }
0x3: {  	s2 =	rddreg [dreg:$0x2]  }
0x4: {  	s0 =	rddreg [dreg:$0x3];
	s1 =	stileid.u32  }
0x5: {  	s3 =	simm.s32 $0x0;
	s6 =	srdreg.scid;
	s5 =	smul.u32 $0x28000, s1  }
0x6: {  	[smem:$0x7FF] =	sst s3;
	s9 =	smul.u32 $0xA000, s1  }
0x7: {  	s8 =	sand.u32 $0x1, s6;
	s10 =	sadd.s32 $0x2B4200, s4;
	s13 =	smul.u32 $0x500, s1  }
0x8: {  	_ =	strace $0x8000004A;
	s6 =	ssub.s32 $0x2, s8;
	s16 =	smul.u32 $0xA0000, s8  }
0x9: {  	s17 =	smul.u32 $0x13C0, s8;
	s12 =	sadd.s32 s5, s4;
	s26 =	sshrl.u32 s6, $0x1  }
0xa: {  	s28 =	sshrl.u32 s5, $0x2;
	s14 =	sadd.s32 $0x4000, s9;
	s15 =	sadd.s32 $0x8000, s9  }
0xb: {  	s7 =	sadd.s32 s7, s13;
	s11 =	ssub.s32 s6, s26;
	s4 =	sadd.s32 s28, s2  }
0xc: {  	s5 =	sadd.s32 s14, s2;
	s6 =	sadd.s32 s15, s2;
	s29 =	sadd.s32 s9, s16  }
0xd: {  	s30 =	sadd.s32 s16, s14;
	s31 =	sadd.s32 s16, s15;
	s12 =	sadd.s32 $0x34200, s12  }
0xe: {  	s14 =	simm.s32 $0x1;
	s15 =	simm.s32 $0x2800;
	s16 =	simm.s32 $0x80  }
0xf: {  	v0 =	vmov s17;
	s17 =	simm.s32 $0x0;
	s8 =	sshrl.u32 s29, $0x3;
	s9 =	sshrl.u32 s30, $0x3  }
0x10: {  	s13 =	sshrl.u32 s31, $0x3;
	s11 =	smax.u32 s11, $0x1;
	s8 =	sadd.s32 s10, s8  }
0x11: {  	v1 =	vimm.f32 $0.0e+00;
	s9 =	sadd.s32 s10, s9;
	s10 =	sadd.s32 s10, s13;
	s13 =	simm.s32 $0x6800  }
.LBB2_1:
0x12: {  	s18 =	simm.s32 $0x0;
	s19 =	simm.s32 $0x200  }
.LBB2_2:
0x13: {  	p0 =	sne.s32 s19, $0xFE00;
	[tilespmem:s18+$0x6870] =	vst v1  }
0x14: {  	[tilespmem:s18+$0x6800] =	vst v1  }
0x15: {  	[tilespmem:s18+$0x6810] =	vst v1  }
.Ltmp0:
0x16: {  	[tilespmem:s18+$0x6820] =	vst v1;
	(pc) =	sbr.rel @p0 .LBB2_2-.Ltmp0, $4  }
0x17: {  	[tilespmem:s18+$0x6830] =	vst v1  }
0x18: {  	[tilespmem:s18+$0x6840] =	vst v1  }
0x19: {  	[tilespmem:s18+$0x6850] =	vst v1  }
0x1a: {  	[tilespmem:s18+$0x6860] =	vst v1;
	s18 =	sshra.s32 s19, $0x2;
	s19 =	sadd.s32 $0x200, s19  }
0x1b: {  	[tilespmem:s18+$0x6870] =	vst v1  }
0x1c: {  	[tilespmem:s18+$0x6800] =	vst v1  }
0x1d: {  	[tilespmem:s18+$0x6810] =	vst v1  }
0x1e: {  	[tilespmem:s18+$0x6820] =	vst v1  }
0x1f: {  	[tilespmem:s18+$0x6830] =	vst v1  }
0x20: {  	[tilespmem:s18+$0x6840] =	vst v1  }
0x21: {  	[tilespmem:s18+$0x6850] =	vst v1  }
0x22: {  	[tilespmem:s18+$0x6860] =	vst v1  }
0x23: {  	[spmem:s4] =	stream.linear.scatter [tilespmem:s13], [sflag:$0x1], $0x4000, $0x38;
	[tilespmem:$0x14800] =	vst v63  }
0x24: {  	_ =	swait.ge [sflag:s14], $0x4000  }
0x25: {  	[sflag:s14] =	ssyncset.done $0x0  }
0x26: {  	[sflag:s14] =	ssyncadd.s32 $0xFFFFC000  }
0x27: {  	[spmem:s5] =	stream.linear.scatter [tilespmem:s13], [sflag:$0x1], $0x4000, $0x38;
	[tilespmem:$0x14800] =	vst v63  }
0x28: {  	_ =	swait.ge [sflag:s14], $0x4000  }
0x29: {  	[sflag:s14] =	ssyncset.done $0x0  }
0x2a: {  	[sflag:s14] =	ssyncadd.s32 $0xFFFFC000  }
0x2b: {  	[spmem:s6] =	stream.linear.scatter [tilespmem:s13], [sflag:$0x1], $0x2000, $0x38;
	[tilespmem:$0x14800] =	vst v63  }
0x2c: {  	_ =	swait.ge [sflag:s14], $0x2000  }
0x2d: {  	[sflag:s14] =	ssyncset.done $0x0  }
0x2e: {  	s31 =	simm.s32 $0x0;
	[sflag:s14] =	ssyncadd.s32 $0xFFFFE000  }
0x2f: {  	[tilespmem:s31], [sflag:$0x1] =	stream.linear.gather [hbm4b:s7+s31], $0x2800, $0x38;
	[tilespmem:$0x14800] =	vst v63  }
0x30: {  	_ =	swait.ge [sflag:s14], $0x2800  }
0x31: {  	[sflag:s14] =	ssyncset.done $0x0  }
0x32: {  	s18 =	simm.s32 $0x0;
	[sflag:s14] =	ssyncadd.s32 $0xFFFFD800  }
0x33: {  	v3 =	vld [tilespmem:s18+$0x0]  }
0x34: {  	v4 =	vld [tilespmem:s18+$0x10]  }
0x35: {  	v6 =	vld [tilespmem:s18+$0x20]  }
0x36: {  	v5 =	vld [tilespmem:s18+$0x30]  }
0x37: {  	v2 =	vld [tilespmem:s18+$0x40]  }
0x38: {  	v7 =	vsub.s32 v3, v0;
	v3 =	vld [tilespmem:s18+$0x50]  }
0x39: {  	s19 =	simm.s32 $0x200;
	v8 =	vsub.s32 v4, v0;
	v4 =	vld [tilespmem:s18+$0x60];
	v7 =	vmin.u32 v7, $0x13C0  }
.LBB2_4:
0x3a: {  	s20 =	sshra.s32 s19, $0x2;
	p0 =	sne.s32 s19, $0x9E00;
	[tilespmem:s18+$0x0] =	vst v7;
	v7 =	vmin.u32 v8, $0x13C0;
	v6 =	vsub.s32 v6, v0;
	v8 =	vld [tilespmem:s18+$0x70]  }
0x3b: {  	v9 =	vld [tilespmem:s20+$0x0];
	[tilespmem:s18+$0x10] =	vst v7;
	v6 =	vmin.u32 v6, $0x13C0;
	v5 =	vsub.s32 v5, v0  }
0x3c: {  	v10 =	vld [tilespmem:s20+$0x10];
	[tilespmem:s18+$0x20] =	vst v6;
	v5 =	vmin.u32 v5, $0x13C0;
	v2 =	vsub.s32 v2, v0  }
.Ltmp1:
0x3d: {  	v6 =	vld [tilespmem:s20+$0x20];
	[tilespmem:s18+$0x30] =	vst v5;
	v2 =	vmin.u32 v2, $0x13C0;
	v3 =	vsub.s32 v3, v0;
	(pc) =	sbr.rel @p0 .LBB2_4-.Ltmp1, $4  }
0x3e: {  	v5 =	vld [tilespmem:s20+$0x30];
	[tilespmem:s18+$0x40] =	vst v2;
	v3 =	vmin.u32 v3, $0x13C0;
	v4 =	vsub.s32 v4, v0  }
0x3f: {  	v2 =	vld [tilespmem:s20+$0x40];
	[tilespmem:s18+$0x50] =	vst v3;
	v4 =	vmin.u32 v4, $0x13C0;
	v7 =	vsub.s32 v8, v0  }
0x40: {  	v8 =	vsub.s32 v9, v0;
	v3 =	vld [tilespmem:s20+$0x50];
	[tilespmem:s18+$0x60] =	vst v4;
	v9 =	vmin.u32 v7, $0x13C0  }
0x41: {  	s19 =	sadd.s32 $0x200, s19;
	v7 =	vmin.u32 v8, $0x13C0;
	v8 =	vsub.s32 v10, v0;
	v4 =	vld [tilespmem:s20+$0x60];
	[tilespmem:s18+$0x70] =	vst v9;
	s18 =	smov.u32 s20  }
0x42: {  	[tilespmem:s18+$0x0] =	vst v7;
	v62 =	vmin.u32 v8, $0x13C0;
	v6 =	vsub.s32 v6, v0;
	v63 =	vld [tilespmem:s18+$0x70]  }
0x43: {  	[tilespmem:s18+$0x10] =	vst v62;
	v6 =	vmin.u32 v6, $0x13C0;
	v5 =	vsub.s32 v5, v0  }
0x44: {  	[tilespmem:s18+$0x20] =	vst v6;
	v5 =	vmin.u32 v5, $0x13C0;
	v2 =	vsub.s32 v2, v0  }
0x45: {  	[tilespmem:s18+$0x30] =	vst v5;
	v2 =	vmin.u32 v2, $0x13C0;
	v3 =	vsub.s32 v3, v0  }
0x46: {  	[tilespmem:s18+$0x40] =	vst v2;
	v2 =	vmin.u32 v3, $0x13C0;
	v3 =	vsub.s32 v4, v0  }
0x47: {  	[tilespmem:s18+$0x50] =	vst v2;
	v2 =	vmin.u32 v3, $0x13C0;
	v3 =	vsub.s32 v63, v0  }
0x48: {  	[tilespmem:s18+$0x60] =	vst v2;
	v2 =	vmin.u32 v3, $0x13C0  }
0x49: {  	[tilespmem:s18+$0x70] =	vst v2  }
0x4a: {  	[bflag:$0x0] =	sbarrier.arrive $0xFFFF  }
0x4b: {  	[tilespmem:s15], [sflag:$0x1] =	stream.linear.gather [hbm4b:s12+s3], $0x4000, $0x38;
	[tilespmem:$0x14800] =	vst v63  }
0x4c: {  	_ =	swait.ge [sflag:s14], $0x4000  }
0x4d: {  	[sflag:s14] =	ssyncset.done $0x0  }
0x4e: {  	s31 =	simm.s32 $0x0;
	[sflag:s14] =	ssyncadd.s32 $0xFFFFC000  }
0x4f: {  	[spmem:s2] =	stream.indirect.scatter.add.f32 [tilespmem:s15], [sflag:$0x1], $0x80, s31, s16, $0xb8;
	[tilespmem:$0x14800] =	vst v63  }
0x50: {  	_ =	swait.ge [sflag:s14], $0x4000  }
0x51: {  	s19 =	smov.u32 s12;
	s18 =	simm.s32 $0x200;
	[sflag:s14] =	ssyncset.done $0x0  }
.LBB2_6:
0x52: {  	p0 =	sne.s32 s18, $0x9E00;
	[sflag:s14] =	ssyncadd.s32 $0xFFFFC000;
	s19 =	sadd.s32 $0x800, s19  }
0x53: {  	[tilespmem:s15], [sflag:$0x1] =	stream.linear.gather [hbm4b:s19+s3], $0x4000, $0x38;
	[tilespmem:$0x14800] =	vst v63  }
0x54: {  	s20 =	smov.u32 s18;
	s18 =	sadd.s32 $0x200, s18;
	_ =	swait.ge [sflag:s14], $0x4000  }
.Ltmp2:
0x55: {  	[sflag:s14] =	ssyncset.done $0x0;
	(pc) =	sbr.rel @p0 .LBB2_6-.Ltmp2, $4  }
0x56: {  	s20 =	sshra.s32 s20, $0x2;
	[sflag:s14] =	ssyncadd.s32 $0xFFFFC000  }
0x57: {  	[spmem:s2] =	stream.indirect.scatter.add.f32 [tilespmem:s15], [sflag:$0x1], $0x80, s20, s16, $0xb8;
	[tilespmem:$0x14800] =	vst v63  }
0x58: {  	_ =	swait.ge [sflag:s14], $0x4000  }
0x59: {  	[sflag:s14] =	ssyncset.done $0x0  }
0x5a: {  	[sflag:s14] =	ssyncadd.s32 $0xFFFFC000  }
0x5b: {  	[bflag:$0x0] =	sbarrier.arrive $0xFFFF  }
0x5c: {  	[tilespmem:s13], [sflag:$0x1] =	stream.linear.gather [spmem:s4], $0x4000, $0x38;
	[tilespmem:$0x14800] =	vst v63  }
0x5d: {  	_ =	swait.ge [sflag:s14], $0x4000  }
0x5e: {  	[sflag:s14] =	ssyncset.done $0x0  }
0x5f: {  	[sflag:s14] =	ssyncadd.s32 $0xFFFFC000  }
0x60: {  	[hbm4b:s8+s3] =	stream.linear.scatter [tilespmem:s13], [sflag:$0x1], $0x4000, $0x38;
	[tilespmem:$0x14800] =	vst v63  }
0x61: {  	_ =	swait.ge [sflag:s14], $0x4000  }
0x62: {  	[sflag:s14] =	ssyncset.done $0x0  }
0x63: {  	[sflag:s14] =	ssyncadd.s32 $0xFFFFC000  }
0x64: {  	[tilespmem:s13], [sflag:$0x1] =	stream.linear.gather [spmem:s5], $0x4000, $0x38;
	[tilespmem:$0x14800] =	vst v63  }
0x65: {  	_ =	swait.ge [sflag:s14], $0x4000  }
0x66: {  	[sflag:s14] =	ssyncset.done $0x0  }
0x67: {  	[sflag:s14] =	ssyncadd.s32 $0xFFFFC000  }
0x68: {  	[hbm4b:s9+s3] =	stream.linear.scatter [tilespmem:s13], [sflag:$0x1], $0x4000, $0x38;
	[tilespmem:$0x14800] =	vst v63  }
0x69: {  	_ =	swait.ge [sflag:s14], $0x4000  }
0x6a: {  	[sflag:s14] =	ssyncset.done $0x0  }
0x6b: {  	[sflag:s14] =	ssyncadd.s32 $0xFFFFC000  }
0x6c: {  	[tilespmem:s13], [sflag:$0x1] =	stream.linear.gather [spmem:s6], $0x2000, $0x38;
	[tilespmem:$0x14800] =	vst v63  }
0x6d: {  	s17 =	sadd.s32 $0x1, s17;
	_ =	swait.ge [sflag:s14], $0x2000  }
0x6e: {  	p0 =	sne.s32 s17, s11;
	[sflag:s14] =	ssyncset.done $0x0  }
.Ltmp3:
0x6f: {  	[sflag:s14] =	ssyncadd.s32 $0xFFFFE000;
	(pc) =	sbr.rel @p0 .LBB2_1-.Ltmp3, $4  }
0x70: {  	[hbm4b:s10+s3] =	stream.linear.scatter [tilespmem:s13], [sflag:$0x1], $0x2000, $0x38;
	[tilespmem:$0x14800] =	vst v63  }
0x71: {  	_ =	swait.ge [sflag:s14], $0x2000  }
0x72: {  	[sflag:s14] =	ssyncset.done $0x0  }
0x73: {  	[sflag:s14] =	ssyncadd.s32 $0xFFFFE000  }
0x74: {  	_ =	sfence.sel $0x180000  }
0x75: {  	[bflag:$0x0] =	sbarrier.arrive $0xFFFF  }
0x76: {  	p0 =	sne.s32 s1, $0x0;
	_ =	strace $0x9000004A  }
0x77: {  	s0 =	sadd.s32 @!p0 $0x100000, s0;
	[bflag:$0x2] =	sbarrier.arrive $0xFFFF  }
0x78: {  	[sflag:s0] =	ssyncadd.tile.s32 @!p0 $0x1;
	_ =	shalt  }
.Lfunc_end2:
_tile_overlayer_lowered:
.L_overlay_start_2:
0x79: {  	(tag) =	ssettag $0x2  }
0x7a: {  	s0 =	rddreg [dreg:$0x0];
	s2 =	stileid.u32  }
0x7b: {  	s1 =	rddreg [dreg:$0x1];
	p0 =	sne.s32 s2, $0x0  }
0x7c: {  	s3 =	rddreg [dreg:$0x2];
	[bflag:$0x3] =	sbarrier.arrive $0xFFFF;
	s2 =	simm.s32 @!p0 $0x1C01  }
0x7d: {  	[timem:s3], [sflag:s2] =	dma.local @!p0 [hbm:s0], s1  }
0x7e: {  	s0 =	simm.s32 @!p0 $0x1  }
0x7f: {  	_ =	swait.ge @!p0 [sflag:s0], s1  }
0x80: {  	s1 =	ssub.s32 @!p0 $0x0, s1;
	[sflag:s0] =	ssyncset.done @!p0 $0x0  }
0x81: {  	[sflag:s0] =	ssyncadd.s32 @!p0 s1  }
0x82: {  	[bflag:$0x3] =	sbarrier.arrive $0xFFFF  }
0x83: {  	_ =	shalt  }

// kernel: kernel.21.cloned.1.call-start
scs
__scs_entry_jumppad:
0x0: {  	(pc) =	sbr.rel $0x88, $3  }
0x1: {  	(tag) =	ssettag $0x0;
	lr =	simm.s32 $0x1  }
0x2: {  	[smem:$0x3F76] =	sst lr;
	_ =	strace $0xD0000000  }
0x3: {  	_ = 	snop  }
0x4: {  	_ = 	snop  }
0x5: {  	_ = 	snop  }
0x6: {  	_ = 	snop  }
0x7: {  	_ = 	snop  }
__scs_overlays_trampoline_lowered:
0x8: {  	[smem:$0x3F85] =	sst s0  }
0x9: {  	[smem:$0x3F86] =	sst s1  }
0xa: {  	[smem:$0x3F87] =	sst s2  }
0xb: {  	[smem:$0x3F88] =	sst s3  }
0xc: {  	[smem:$0x3F89] =	sst s4  }
0xd: {  	[smem:$0x3F8A] =	sst s5  }
0xe: {  	[smem:$0x3F8B] =	sst s6  }
0xf: {  	[smem:$0x3F8C] =	sst s7  }
0x10: {  	[smem:$0x3F8D] =	sst s8  }
0x11: {  	[smem:$0x3F8E] =	sst s9;
	s0 =	simm.s32 @!p0 $0x0  }
0x12: {  	s1 =	sld [smem:$0x3F74];
	s0 =	simm.s32 @p0 $0x1  }
0x13: {  	[smem:$0x3F8F] =	sst s0;
	s0 =	simm.s32 @!p1 $0x0  }
0x14: {  	s2 =	sld [smem:$0x3F73];
	s0 =	simm.s32 @p1 $0x1  }
0x15: {  	[smem:$0x3F90] =	sst s0;
	s0 =	simm.s32 @!p2 $0x0  }
0x16: {  	s3 =	sld [smem:$0x3FDB];
	s0 =	simm.s32 @p2 $0x1  }
0x17: {  	s4 =	simm.s32 $0x1BF5;
	[smem:$0x3F92] =	sst s0  }
0x18: {  	s0 =	sld [smem:$0x3F75];
	_ =	swait.ge [sflag:s4], $0x0  }
0x19: {  	s7 =	sld [smem:$0x3F76]  }
0x1a: {  	s8 =	sadd.s32 $0xFFFFE003, lr  }
0x1b: {  	s9 =	sadd.s32 $0xFFFFFEF7, lr;
	s5 =	simm.s32 $0xFFFFFFFF;
	p2 =	slt.u32 s8, $0xFFFFF086  }
0x1c: {  	p1 =	slt.u32 s9, $0xF7A;
	s5 =	simm.s32 @!p2 $0x0  }
0x1d: {  	s5 =	simm.s32 @p1 $0x1;
	p0 =	seq.s32 s7, s2  }
0x1e: {  	s7 =	smul.u32 @!p0 $0xF7A, s2;
	p2 =	seq.s32 @!p0 s5, $0x0  }
0x1f: {  	s9 =	smul.u32 $0xF7A, s1;
	s8 =	simm.s32 @!p0 $0x1BF5;
	p2 =	por !p2, p0  }
0x20: {  	[sflag:s8] =	ssyncset.s32 @!p0 $0xFFFFF086;
	s6 =	sadd.s32 @!p0 s3, s7;
	s7 =	simm.s32 @!p0 $0x108  }
0x21: {  	s3 =	sadd.s32 s3, s9;
	s6 =	sadd.s32 @!p0 $0x88, s6;
	s7 =	simm.s32 @p2 $0x1082  }
0x22: {  	[simem:s7], [sflag:s8] =	dma.local @!p0 [hbm:s6], $0xF7A  }
0x23: {  	s9 =	sor.u32 $0xD0000000, s2;
	s6 =	simm.s32 $0x108;
	_ =	swait.ge @!p0 [sflag:s8], $0x0  }
0x24: {  	s3 =	sadd.s32 $0x88, s3;
	s6 =	simm.s32 @!p1 $0x1082;
	[sflag:s4] =	ssyncset.s32 $0xFFFFF086  }
0x25: {  	[simem:s6], [sflag:s4] =	dma.local [hbm:s3], $0xF7A  }
0x26: {  	[smem:$0x3F76] =	sst s1;
	(tag) =	ssettag s2;
	_ =	strace s9  }
0x27: {  	s1 =	sld [smem:$0x3F86]  }
0x28: {  	s2 =	sld [smem:$0x3F87]  }
0x29: {  	s4 =	sld [smem:$0x3F89]  }
0x2a: {  	p0 =	seq.s32 s5, $0x0;
	s5 =	sld [smem:$0x3F8A]  }
0x2b: {  	s6 =	sld [smem:$0x3F8B]  }
0x2c: {  	s7 =	sld [smem:$0x3F8C]  }
0x2d: {  	s3 =	simm.s32 $0x108;
	s8 =	sld [smem:$0x3F8D]  }
0x2e: {  	s3 =	simm.s32 @!p0 $0x1082;
	s9 =	sld [smem:$0x3F8E]  }
0x2f: {  	lr =	sadd.s32 s0, s3;
	s0 =	sld [smem:$0x3F85]  }
0x30: {  	s3 =	sld [smem:$0x3F88]  }
0x31: {  	[smem:$0x3F91] =	sst s10  }
0x32: {  	s10 =	sld [smem:$0x3F8F];
	_ =	sdelay $0x3  }
0x33: {  	p0 =	seq.s32 s10, $0x1;
	s10 =	sld [smem:$0x3F91];
	_ =	sdelay $0x3  }
0x34: {  	[smem:$0x3F91] =	sst s10  }
0x35: {  	s10 =	sld [smem:$0x3F90];
	_ =	sdelay $0x3  }
0x36: {  	p1 =	seq.s32 s10, $0x1;
	s10 =	sld [smem:$0x3F91];
	_ =	sdelay $0x3  }
0x37: {  	[smem:$0x3F91] =	sst s10  }
0x38: {  	s10 =	sld [smem:$0x3F92]  }
0x39: {  	_ = 	snop;
	(pc) =	sbr.ind lr, $3  }
0x3a: {  	_ = 	snop  }
0x3b: {  	_ = 	snop  }
0x3c: {  	p2 =	seq.s32 s10, $0x1;
	s10 =	sld [smem:$0x3F91]  }
0x3d: {  	_ =	shalt  }
0x3e: {  	_ =	shalt  }
0x3f: {  	_ =	shalt  }
0x40: {  	_ =	shalt  }
0x41: {  	_ =	shalt  }
0x42: {  	_ =	shalt  }
0x43: {  	_ =	shalt  }
0x44: {  	_ =	shalt  }
0x45: {  	_ =	shalt  }
0x46: {  	_ =	shalt  }
0x47: {  	_ =	shalt  }
0x48: {  	_ =	shalt  }
0x49: {  	_ =	shalt  }
0x4a: {  	_ =	shalt  }
0x4b: {  	_ =	shalt  }
0x4c: {  	_ =	shalt  }
0x4d: {  	_ =	shalt  }
0x4e: {  	_ =	shalt  }
0x4f: {  	_ =	shalt  }
0x50: {  	_ =	shalt  }
0x51: {  	_ =	shalt  }
0x52: {  	_ =	shalt  }
0x53: {  	_ =	shalt  }
0x54: {  	_ =	shalt  }
0x55: {  	_ =	shalt  }
0x56: {  	_ =	shalt  }
0x57: {  	_ =	shalt  }
0x58: {  	_ =	shalt  }
0x59: {  	_ =	shalt  }
0x5a: {  	_ =	shalt  }
0x5b: {  	_ =	shalt  }
0x5c: {  	_ =	shalt  }
0x5d: {  	_ =	shalt  }
0x5e: {  	_ =	shalt  }
0x5f: {  	_ =	shalt  }
0x60: {  	_ =	shalt  }
0x61: {  	_ =	shalt  }
0x62: {  	_ =	shalt  }
0x63: {  	_ =	shalt  }
0x64: {  	_ =	shalt  }
0x65: {  	_ =	shalt  }
0x66: {  	_ =	shalt  }
0x67: {  	_ =	shalt  }
0x68: {  	_ =	shalt  }
0x69: {  	_ =	shalt  }
0x6a: {  	_ =	shalt  }
0x6b: {  	_ =	shalt  }
0x6c: {  	_ =	shalt  }
0x6d: {  	_ =	shalt  }
0x6e: {  	_ =	shalt  }
0x6f: {  	_ =	shalt  }
0x70: {  	_ =	shalt  }
0x71: {  	_ =	shalt  }
0x72: {  	_ =	shalt  }
0x73: {  	_ =	shalt  }
0x74: {  	_ =	shalt  }
0x75: {  	_ =	shalt  }
0x76: {  	_ =	shalt  }
0x77: {  	_ =	shalt  }
0x78: {  	_ =	shalt  }
0x79: {  	_ =	shalt  }
0x7a: {  	_ =	shalt  }
0x7b: {  	_ =	shalt  }
0x7c: {  	_ =	shalt  }
0x7d: {  	_ =	shalt  }
0x7e: {  	_ =	shalt  }
0x7f: {  	_ =	shalt  }
0x80: {  	_ =	shalt  }
0x81: {  	_ =	shalt  }
0x82: {  	_ =	shalt  }
0x83: {  	_ =	shalt  }
0x84: {  	_ =	shalt  }
0x85: {  	_ =	shalt  }
0x86: {  	_ =	shalt  }
0x87: {  	_ =	shalt  }
.Lfunc_end0:
.L_simem_size_0:
called_computation.2_lowered:
.L_overlay_start_0:
0x88: {  	s2 =	sld [smem:$0x3FD9]  }
0x89: {  	s3 =	sld [smem:$0x3FFE];
	_ =	sdelay $0x1  }
0x8a: {  	s1 =	srdreg.scid  }
0x8b: {  	s0 =	sand.u32 $0x1, s1  }
0x8c: {  	s16 =	sshll.u32 s0, $0xA;
	s2 =	sadd.s32 s3, s2  }
0x8d: {  	s2 =	sadd.s32 s2, s16  }
0x8e: {  	[smem:$0x3F9D] =	sst s2  }
0x8f: {  	_ = 	snop  }
0x90: {  	(tm) =	ssettm $0x1  }
0x91: {  	s17 =	sld [smem:$0x3FFB];
	_ =	sdelay $0x3  }
0x92: {  	_ =	strace s17  }
0x93: {  	s2 =	sld [smem:$0x3FFC];
	_ =	sdelay $0x3  }
0x94: {  	_ =	strace s2  }
0x95: {  	s2 =	sld [smem:$0x3FFD];
	_ =	sdelay $0x3  }
0x96: {  	_ =	strace s2  }
0x97: {  	_ =	strace $0x8FFFFFFF  }
0x98: {  	s18 =	sld [smem:$0x3FDB];
	_ =	sdelay $0x1  }
0x99: {  	s19 =	simm.s32 $_scs_section_size  }
0x9a: {  	s4 =	simm.s32 $_size__tile_overlayer_lowered;
	s5 =	simm.s32 $_tile_overlayer_lowered  }
0x9b: {  	s22 =	simm.s32 $0x1BFF;
	s21 =	sshll.u32 s5, $0x1;
	s2 =	sadd.s32 s19, s18  }
0x9c: {  	s6 =	simm.s32 $0x0;
	s20 =	sshll.u32 s4, $0x1;
	s4 =	sadd.s32 s21, s2  }
0x9d: {  	[timem:s6], [sflag:s22] =	dma.local [hbm:s4], s20  }
0x9e: {  	_ =	swait.ge [sflag:s22], s20  }
0x9f: {  	s3 =	ssub.s32 $0x0, s20;
	[sflag:s22] =	ssyncset.done $0x0  }
0xa0: {  	[sflag:s22] =	ssyncadd.s32 s3;
	_ =	sdelay $0x1  }
0xa1: {  	s23 =	simm.s32 $0x1B8B  }
0xa2: {  	_ =	swait.ge [sflag:s23], $0x1  }
0xa3: {  	[sflag:s23] =	ssyncset.done $0x0  }
0xa4: {  	s25 =	simm.s32 $0x1B8E;
	s24 =	sld [smem:$0x3FFE];
	[sflag:s23] =	ssyncadd.s32 $0xFFFFFFFF  }
0xa5: {  	s26 =	simm.s32 $execute0_lowered;
	[smem:$0x3FD2] =	sst s25  }
0xa6: {  	s4 =	sshll.u32 s26, $0x1;
	_ =	strace $0x8000004C;
	[dreg:$0x1] =	wrdreg $0xFFFFFFFF  }
0xa7: {  	s28 =	simm.s32 $_size_execute0_lowered;
	s2 =	sadd.s32 s2, s4;
	[dreg:$0x0] =	wrdreg $0x0  }
0xa8: {  	s4 =	sshll.u32 s28, $0x1;
	[dreg:$0x2] =	wrdreg s2  }
0xa9: {  	[dreg:$0x3] =	wrdreg s4  }
0xaa: {  	[dreg:$0x4] =	wrdreg $0xC0  }
0xab: {  	_ =	task [dreg:s6], $0x5FFFF  }
0xac: {  	[dreg:$0x1] =	wrdreg $0xFFFFFFFF  }
0xad: {  	[dreg:$0x0] =	wrdreg $0x60  }
0xae: {  	[dreg:$0x2] =	wrdreg s24  }
0xaf: {  	[dreg:$0x3] =	wrdreg $0x9  }
0xb0: {  	_ =	task.clear_ibuf [dreg:s6], $0x4FFFF;
	_ =	strace $0x9000004C  }
0xb1: {  	s29 =	simm.s32 $0x9;
	_ =	strace $0x8000004E  }
0xb2: {  	_ =	swait.ge [sflag:s29], $0x1  }
0xb3: {  	[sflag:s29] =	ssyncadd.s32 $0xFFFFFFFF  }
0xb4: {  	_ =	strace $0x9000004E  }
0xb5: {  	_ =	sfence  }
0xb6: {  	s30 =	sld [smem:$0x0];
	_ =	sdelay $0x2  }
0xb7: {  	s31 =	sshll.u32 s1, $0xD;
	s1 =	sshrl.u32 s1, $0x2  }
0xb8: {  	s3 =	sand.u32 $0x4000, s31;
	s1 =	sadd.s32 s1, s30  }
0xb9: {  	s0 =	sor.u32 s3, s0;
	s1 =	sshll.u32 s1, $0x11  }
0xba: {  	s0 =	sor.u32 s1, s0  }
0xbb: {  	s0 =	sadd.s32 $0x8F2B, s0  }
0xbc: {  	[sflag:s0] =	ssyncadd.remote.s32 $0x1  }
0xbd: {  	_ =	sfence.sel $0xFFFF  }
0xbe: {  	[dreg:$0x0] =	wrdreg $0xFFFFFFFF;
	(pc) =	sbr.abs _section_cstart, $3  }
0xbf: {  	[dreg:$0x1] =	wrdreg $0xFFFFFFFF  }
0xc0: {  	_ =	task.clear_ibuf [dreg:s6], $0x2FFFF;
	_ =	strace $0x9FFFFFFF  }
0xc1: {  	(tm) =	ssettm $0x7FFFFFFF  }
tec
execute0_lowered:
.L_overlay_start_1:
0x0: {  	(tag) =	ssettag $0x1  }
0x1: {  	s5 =	rddreg [dreg:$0x0]  }
0x2: {  	s1 =	srdreg.scid;
	s0 =	rddreg [dreg:$0x1]  }
0x3: {  	s2 =	simm.s32 $0x0;
	s10 =	simm.s32 $0x1400;
	s11 =	simm.s32 $0x80  }
0x4: {  	s12 =	simm.s32 $0x5400;
	s13 =	simm.s32 $0x1;
	s3 =	sand.u32 $0x1, s1  }
0x5: {  	s14 =	simm.s32 $0x0;
	s1 =	stileid.u32;
	s4 =	sshll.u32 s3, $0x4  }
0x6: {  	[smem:$0x7FF] =	sst s2;
	s8 =	ssub.s32 $0x2, s3;
	s6 =	sor.u32 s1, s4  }
0x7: {  	_ =	strace $0x8000004D;
	s9 =	sshrl.u32 s8, $0x1;
	s7 =	smul.u32 $0x280, s6  }
0x8: {  	s3 =	sadd.s32 $0xD000, s5;
	s4 =	sadd.s32 $0x4F9000, s5;
	s8 =	ssub.s32 s8, s9  }
0x9: {  	s6 =	smul.u32 $0x1400, s6;
	s9 =	simm.s32 $0x2;
	s7 =	sadd.s32 s7, s5  }
0xa: {  	s8 =	smax.u32 s8, $0x1;
	s5 =	sadd.s32 $0x34200, s5;
	s7 =	sadd.s32 $0x8000, s7  }
.LBB2_1:
0xb: {  	[tilespmem:s2], [sflag:$0x2] =	stream.linear.gather [hbm4b:s7+s2], $0x1400, $0x38;
	[tilespmem:$0x9400] =	vst v63  }
0xc: {  	_ =	swait.ge [sflag:s9], $0x1400  }
0xd: {  	[sflag:s9] =	ssyncset.done $0x0  }
0xe: {  	s15 =	simm.s32 $0x0;
	[sflag:s9] =	ssyncadd.s32 $0xFFFFEC00  }
.LBB2_2:
0xf: {  	s17 =	sshll.u32 s15, $0x7  }
0x10: {  	s16 =	sadd.s32 s6, s17  }
0x11: {  	s16 =	sshll.u32 s16, $0x4  }
0x12: {  	s19 =	simm.s32 $0x0;
	s18 =	sadd.s32 s4, s16  }
0x13: {  	[tilespmem:s10], [sflag:$0x2] =	stream.linear.gather [hbm4b:s18+s19], $0x4000, $0x38;
	[tilespmem:$0x9400] =	vst v63  }
0x14: {  	_ =	swait.ge [sflag:s9], $0x4000  }
0x15: {  	[sflag:s9] =	ssyncset.done $0x0  }
0x16: {  	[sflag:s9] =	ssyncadd.s32 $0xFFFFC000  }
0x17: {  	[tilespmem:s12], [sflag:$0x1] =	stream.indirect.gather [hbm4b:s3+s11], $0x80, s17, s11, $0xb8;
	[tilespmem:$0x9400] =	vst v63  }
0x18: {  	_ =	swait.ge [sflag:s13], $0x4000  }
0x19: {  	[sflag:s13] =	ssyncset.done $0x0  }
0x1a: {  	s18 =	simm.s32 $0x0;
	[sflag:s13] =	ssyncadd.s32 $0xFFFFC000  }
0x1b: {  	v0 =	vld [tilespmem:s18+$0x1400]  }
0x1c: {  	v1 =	vld [tilespmem:s18+$0x1410]  }
0x1d: {  	v4 =	vld [tilespmem:s18+$0x1420]  }
0x1e: {  	v5 =	vld [tilespmem:s18+$0x1430]  }
0x1f: {  	v2 =	vld [tilespmem:s18+$0x5440]  }
0x20: {  	v3 =	vld [tilespmem:s18+$0x5450]  }
0x21: {  	v6 =	vld [tilespmem:s18+$0x5400]  }
0x22: {  	v7 =	vld [tilespmem:s18+$0x5410]  }
0x23: {  	v8 =	vld [tilespmem:s18+$0x5460]  }
0x24: {  	v9 =	vld [tilespmem:s18+$0x5470];
	v0 =	vadd.f32 v2, v0  }
0x25: {  	v10 =	vld [tilespmem:s18+$0x5420];
	v1 =	vadd.f32 v3, v1  }
0x26: {  	s17 =	simm.s32 $0x80;
	v11 =	vld [tilespmem:s18+$0x5430];
	v3 =	vmax.f32 v0, $0.0e+00;
	v6 =	vadd.f32 v0, v6  }
0x27: {  	v2 =	vld [tilespmem:s17+$0x1400];
	v13 =	vmax.f32 v1, $0.0e+00;
	v12 =	vadd.f32 $1.000000010e-07, v3  }
0x28: {  	v0 =	vld [tilespmem:s17+$0x1420];
	v7 =	vadd.f32 v1, v7;
	v63 =	vadd.f32 $1.000000010e-07, v13;
	v6 =	vmax.f32 v6, $0.0e+00  }
0x29: {  	v8 =	vadd.f32 v8, v4;
	v3 =	vld [tilespmem:s17+$0x1410];
	[tilespmem:s18+$0x5440] =	vst v12;
	v6 =	vadd.f32 $1.000000010e-07, v6  }
0x2a: {  	v7 =	vmax.f32 v7, $0.0e+00;
	v1 =	vld [tilespmem:s17+$0x1430];
	[tilespmem:s18+$0x5450] =	vst v63  }
0x2b: {  	v7 =	vadd.f32 $1.000000010e-07, v7;
	v4 =	vld [tilespmem:s17+$0x5440];
	[tilespmem:s18+$0x5400] =	vst v6;
	v6 =	vadd.f32 v9, v5;
	v9 =	vmax.f32 v8, $0.0e+00  }
0x2c: {  	v8 =	vadd.f32 v8, v10;
	v9 =	vadd.f32 $1.000000010e-07, v9  }
0x2d: {  	v5 =	vld [tilespmem:s17+$0x5450];
	[tilespmem:s18+$0x5410] =	vst v7;
	v10 =	vmax.f32 v6, $0.0e+00;
	v6 =	vadd.f32 v6, v11  }
0x2e: {  	v7 =	vld [tilespmem:s17+$0x5400];
	v10 =	vadd.f32 $1.000000010e-07, v10;
	[tilespmem:s18+$0x5460] =	vst v9;
	v9 =	vmax.f32 v8, $0.0e+00  }
0x2f: {  	v11 =	vadd.f32 $1.000000010e-07, v9;
	v9 =	vmax.f32 v6, $0.0e+00  }
0x30: {  	v8 =	vld [tilespmem:s17+$0x5410];
	[tilespmem:s18+$0x5470] =	vst v10;
	v9 =	vadd.f32 $1.000000010e-07, v9  }
0x31: {  	s19 =	simm.s32 $0x400;
	v6 =	vld [tilespmem:s17+$0x5460];
	[tilespmem:s18+$0x5420] =	vst v11  }
.LBB2_3:
0x32: {  	p0 =	sne.s32 s19, $0xFE00;
	v2 =	vadd.f32 v4, v2;
	v4 =	vld [tilespmem:s17+$0x5470];
	[tilespmem:s18+$0x5430] =	vst v9;
	s18 =	smov.u32 s17  }
0x33: {  	v3 =	vadd.f32 v5, v3;
	v5 =	vld [tilespmem:s18+$0x5420]  }
0x34: {  	s17 =	sshra.s32 s19, $0x2;
	v7 =	vadd.f32 v2, v7;
	v9 =	vmax.f32 v2, $0.0e+00;
	v10 =	vld [tilespmem:s18+$0x5430]  }
0x35: {  	v2 =	vld [tilespmem:s17+$0x1400];
	v9 =	vadd.f32 $1.000000010e-07, v9;
	v8 =	vadd.f32 v3, v8;
	v11 =	vmax.f32 v3, $0.0e+00  }
0x36: {  	v3 =	vld [tilespmem:s17+$0x1410];
	v7 =	vmax.f32 v7, $0.0e+00;
	v11 =	vadd.f32 $1.000000010e-07, v11;
	v6 =	vadd.f32 v6, v0  }
0x37: {  	v0 =	vld [tilespmem:s17+$0x1420];
	v7 =	vadd.f32 $1.000000010e-07, v7;
	[tilespmem:s18+$0x5440] =	vst v9;
	v8 =	vmax.f32 v8, $0.0e+00;
	v9 =	vadd.f32 v4, v1  }
0x38: {  	v1 =	vld [tilespmem:s17+$0x1430];
	v8 =	vadd.f32 $1.000000010e-07, v8;
	[tilespmem:s18+$0x5450] =	vst v11;
	v11 =	vadd.f32 v6, v5;
	v5 =	vmax.f32 v6, $0.0e+00  }
.Ltmp0:
0x39: {  	v4 =	vld [tilespmem:s17+$0x5440];
	[tilespmem:s18+$0x5400] =	vst v7;
	v6 =	vadd.f32 $1.000000010e-07, v5;
	v10 =	vadd.f32 v9, v10;
	v7 =	vmax.f32 v9, $0.0e+00;
	(pc) =	sbr.rel @p0 .LBB2_3-.Ltmp0, $4  }
0x3a: {  	v5 =	vld [tilespmem:s17+$0x5450];
	[tilespmem:s18+$0x5410] =	vst v8;
	v8 =	vmax.f32 v11, $0.0e+00;
	v11 =	vadd.f32 $1.000000010e-07, v7  }
0x3b: {  	v7 =	vld [tilespmem:s17+$0x5400];
	v12 =	vadd.f32 $1.000000010e-07, v8;
	[tilespmem:s18+$0x5460] =	vst v6;
	v6 =	vmax.f32 v10, $0.0e+00  }
0x3c: {  	v8 =	vld [tilespmem:s17+$0x5410];
	v9 =	vadd.f32 $1.000000010e-07, v6;
	[tilespmem:s18+$0x5470] =	vst v11  }
0x3d: {  	s19 =	sadd.s32 $0x200, s19;
	v6 =	vld [tilespmem:s17+$0x5460];
	[tilespmem:s18+$0x5420] =	vst v12  }
0x3e: {  	v10 =	vld [tilespmem:s17+$0x5470];
	v2 =	vadd.f32 v4, v2;
	[tilespmem:s18+$0x5430] =	vst v9  }
0x3f: {  	v3 =	vadd.f32 v5, v3;
	v56 =	vld [tilespmem:s17+$0x5420]  }
0x40: {  	v58 =	vld [tilespmem:s17+$0x5430];
	v57 =	vadd.f32 v2, v7;
	v2 =	vmax.f32 v2, $0.0e+00  }
0x41: {  	v2 =	vadd.f32 $1.000000010e-07, v2;
	v8 =	vadd.f32 v3, v8;
	v3 =	vmax.f32 v3, $0.0e+00  }
0x42: {  	v5 =	vmax.f32 v57, $0.0e+00;
	v3 =	vadd.f32 $1.000000010e-07, v3;
	v0 =	vadd.f32 v6, v0  }
0x43: {  	v5 =	vadd.f32 $1.000000010e-07, v5;
	[tilespmem:s17+$0x5440] =	vst v2;
	v59 =	vmax.f32 v8, $0.0e+00;
	v1 =	vadd.f32 v10, v1  }
0x44: {  	v2 =	vadd.f32 $1.000000010e-07, v59;
	[tilespmem:s17+$0x5450] =	vst v3;
	v60 =	vadd.f32 v0, v56;
	v0 =	vmax.f32 v0, $0.0e+00  }
0x45: {  	[tilespmem:s17+$0x5400] =	vst v5;
	v0 =	vadd.f32 $1.000000010e-07, v0;
	v61 =	vadd.f32 v1, v58;
	v1 =	vmax.f32 v1, $0.0e+00  }
0x46: {  	[tilespmem:s17+$0x5410] =	vst v2;
	v62 =	vmax.f32 v60, $0.0e+00;
	v1 =	vadd.f32 $1.000000010e-07, v1  }
0x47: {  	v2 =	vadd.f32 $1.000000010e-07, v62;
	[tilespmem:s17+$0x5460] =	vst v0;
	v63 =	vmax.f32 v61, $0.0e+00  }
0x48: {  	s15 =	sadd.s32 $0x1, s15;
	v0 =	vadd.f32 $1.000000010e-07, v63;
	[tilespmem:s17+$0x5470] =	vst v1  }
0x49: {  	p0 =	sne.s32 s15, $0x28;
	[tilespmem:s17+$0x5420] =	vst v2  }
.Ltmp1:
0x4a: {  	s16 =	sadd.s32 s5, s16;
	[tilespmem:s17+$0x5430] =	vst v0;
	(pc) =	sbr.rel @p0 .LBB2_2-.Ltmp1, $4  }
0x4b: {  	[hbm4b:s16+s2] =	stream.linear.scatter [tilespmem:s12], [sflag:$0x2], $0x4000, $0x38;
	[tilespmem:$0x9400] =	vst v63  }
0x4c: {  	_ =	swait.ge [sflag:s9], $0x4000  }
0x4d: {  	[sflag:s9] =	ssyncset.done $0x0  }
0x4e: {  	[sflag:s9] =	ssyncadd.s32 $0xFFFFC000  }
0x4f: {  	s14 =	sadd.s32 $0x1, s14  }
0x50: {  	p0 =	sne.s32 s14, s8  }
.Ltmp2:
0x51: {  	_ = 	snop;
	(pc) =	sbr.rel @p0 .LBB2_1-.Ltmp2, $1  }
0x52: {  	_ =	sdelay $0x3  }
0x53: {  	_ =	sfence.sel $0x180000  }
0x54: {  	[bflag:$0x0] =	sbarrier.arrive $0xFFFF  }
0x55: {  	p0 =	sne.s32 s1, $0x0;
	_ =	strace $0x9000004D  }
0x56: {  	s0 =	sadd.s32 @!p0 $0x100000, s0;
	[bflag:$0x2] =	sbarrier.arrive $0xFFFF  }
0x57: {  	[sflag:s0] =	ssyncadd.tile.s32 @!p0 $0x1;
	_ =	shalt  }
.Lfunc_end2:
_tile_overlayer_lowered:
.L_overlay_start_2:
0x58: {  	(tag) =	ssettag $0x2  }
0x59: {  	s0 =	rddreg [dreg:$0x0];
	s2 =	stileid.u32  }
0x5a: {  	s1 =	rddreg [dreg:$0x1];
	p0 =	sne.s32 s2, $0x0  }
0x5b: {  	s3 =	rddreg [dreg:$0x2];
	[bflag:$0x3] =	sbarrier.arrive $0xFFFF;
	s2 =	simm.s32 @!p0 $0x1C02  }
0x5c: {  	[timem:s3], [sflag:s2] =	dma.local @!p0 [hbm:s0], s1  }
0x5d: {  	s0 =	simm.s32 @!p0 $0x2  }
0x5e: {  	_ =	swait.ge @!p0 [sflag:s0], s1  }
0x5f: {  	s1 =	ssub.s32 @!p0 $0x0, s1;
	[sflag:s0] =	ssyncset.done @!p0 $0x0  }
0x60: {  	[sflag:s0] =	ssyncadd.s32 @!p0 s1  }
0x61: {  	[bflag:$0x3] =	sbarrier.arrive $0xFFFF  }
0x62: {  	_ =	shalt  }

// kernel: kernel.24.cloned.1.call-start
scs
__scs_entry_jumppad:
0x0: {  	(pc) =	sbr.rel $0x88, $3  }
0x1: {  	(tag) =	ssettag $0x0;
	lr =	simm.s32 $0x1  }
0x2: {  	[smem:$0x3F76] =	sst lr;
	_ =	strace $0xD0000000  }
0x3: {  	_ = 	snop  }
0x4: {  	_ = 	snop  }
0x5: {  	_ = 	snop  }
0x6: {  	_ = 	snop  }
0x7: {  	_ = 	snop  }
__scs_overlays_trampoline_lowered:
0x8: {  	[smem:$0x3F85] =	sst s0  }
0x9: {  	[smem:$0x3F86] =	sst s1  }
0xa: {  	[smem:$0x3F87] =	sst s2  }
0xb: {  	[smem:$0x3F88] =	sst s3  }
0xc: {  	[smem:$0x3F89] =	sst s4  }
0xd: {  	[smem:$0x3F8A] =	sst s5  }
0xe: {  	[smem:$0x3F8B] =	sst s6  }
0xf: {  	[smem:$0x3F8C] =	sst s7  }
0x10: {  	[smem:$0x3F8D] =	sst s8  }
0x11: {  	[smem:$0x3F8E] =	sst s9;
	s0 =	simm.s32 @!p0 $0x0  }
0x12: {  	s1 =	sld [smem:$0x3F74];
	s0 =	simm.s32 @p0 $0x1  }
0x13: {  	[smem:$0x3F8F] =	sst s0;
	s0 =	simm.s32 @!p1 $0x0  }
0x14: {  	s2 =	sld [smem:$0x3F73];
	s0 =	simm.s32 @p1 $0x1  }
0x15: {  	[smem:$0x3F90] =	sst s0;
	s0 =	simm.s32 @!p2 $0x0  }
0x16: {  	s3 =	sld [smem:$0x3FDB];
	s0 =	simm.s32 @p2 $0x1  }
0x17: {  	s4 =	simm.s32 $0x1BF5;
	[smem:$0x3F92] =	sst s0  }
0x18: {  	s0 =	sld [smem:$0x3F75];
	_ =	swait.ge [sflag:s4], $0x0  }
0x19: {  	s7 =	sld [smem:$0x3F76]  }
0x1a: {  	s8 =	sadd.s32 $0xFFFFE003, lr  }
0x1b: {  	s9 =	sadd.s32 $0xFFFFFEF7, lr;
	s5 =	simm.s32 $0xFFFFFFFF;
	p2 =	slt.u32 s8, $0xFFFFF086  }
0x1c: {  	p1 =	slt.u32 s9, $0xF7A;
	s5 =	simm.s32 @!p2 $0x0  }
0x1d: {  	s5 =	simm.s32 @p1 $0x1;
	p0 =	seq.s32 s7, s2  }
0x1e: {  	s7 =	smul.u32 @!p0 $0xF7A, s2;
	p2 =	seq.s32 @!p0 s5, $0x0  }
0x1f: {  	s9 =	smul.u32 $0xF7A, s1;
	s8 =	simm.s32 @!p0 $0x1BF5;
	p2 =	por !p2, p0  }
0x20: {  	[sflag:s8] =	ssyncset.s32 @!p0 $0xFFFFF086;
	s6 =	sadd.s32 @!p0 s3, s7;
	s7 =	simm.s32 @!p0 $0x108  }
0x21: {  	s3 =	sadd.s32 s3, s9;
	s6 =	sadd.s32 @!p0 $0x88, s6;
	s7 =	simm.s32 @p2 $0x1082  }
0x22: {  	[simem:s7], [sflag:s8] =	dma.local @!p0 [hbm:s6], $0xF7A  }
0x23: {  	s9 =	sor.u32 $0xD0000000, s2;
	s6 =	simm.s32 $0x108;
	_ =	swait.ge @!p0 [sflag:s8], $0x0  }
0x24: {  	s3 =	sadd.s32 $0x88, s3;
	s6 =	simm.s32 @!p1 $0x1082;
	[sflag:s4] =	ssyncset.s32 $0xFFFFF086  }
0x25: {  	[simem:s6], [sflag:s4] =	dma.local [hbm:s3], $0xF7A  }
0x26: {  	[smem:$0x3F76] =	sst s1;
	(tag) =	ssettag s2;
	_ =	strace s9  }
0x27: {  	s1 =	sld [smem:$0x3F86]  }
0x28: {  	s2 =	sld [smem:$0x3F87]  }
0x29: {  	s4 =	sld [smem:$0x3F89]  }
0x2a: {  	p0 =	seq.s32 s5, $0x0;
	s5 =	sld [smem:$0x3F8A]  }
0x2b: {  	s6 =	sld [smem:$0x3F8B]  }
0x2c: {  	s7 =	sld [smem:$0x3F8C]  }
0x2d: {  	s3 =	simm.s32 $0x108;
	s8 =	sld [smem:$0x3F8D]  }
0x2e: {  	s3 =	simm.s32 @!p0 $0x1082;
	s9 =	sld [smem:$0x3F8E]  }
0x2f: {  	lr =	sadd.s32 s0, s3;
	s0 =	sld [smem:$0x3F85]  }
0x30: {  	s3 =	sld [smem:$0x3F88]  }
0x31: {  	[smem:$0x3F91] =	sst s10  }
0x32: {  	s10 =	sld [smem:$0x3F8F];
	_ =	sdelay $0x3  }
0x33: {  	p0 =	seq.s32 s10, $0x1;
	s10 =	sld [smem:$0x3F91];
	_ =	sdelay $0x3  }
0x34: {  	[smem:$0x3F91] =	sst s10  }
0x35: {  	s10 =	sld [smem:$0x3F90];
	_ =	sdelay $0x3  }
0x36: {  	p1 =	seq.s32 s10, $0x1;
	s10 =	sld [smem:$0x3F91];
	_ =	sdelay $0x3  }
0x37: {  	[smem:$0x3F91] =	sst s10  }
0x38: {  	s10 =	sld [smem:$0x3F92]  }
0x39: {  	_ = 	snop;
	(pc) =	sbr.ind lr, $3  }
0x3a: {  	_ = 	snop  }
0x3b: {  	_ = 	snop  }
0x3c: {  	p2 =	seq.s32 s10, $0x1;
	s10 =	sld [smem:$0x3F91]  }
0x3d: {  	_ =	shalt  }
0x3e: {  	_ =	shalt  }
0x3f: {  	_ =	shalt  }
0x40: {  	_ =	shalt  }
0x41: {  	_ =	shalt  }
0x42: {  	_ =	shalt  }
0x43: {  	_ =	shalt  }
0x44: {  	_ =	shalt  }
0x45: {  	_ =	shalt  }
0x46: {  	_ =	shalt  }
0x47: {  	_ =	shalt  }
0x48: {  	_ =	shalt  }
0x49: {  	_ =	shalt  }
0x4a: {  	_ =	shalt  }
0x4b: {  	_ =	shalt  }
0x4c: {  	_ =	shalt  }
0x4d: {  	_ =	shalt  }
0x4e: {  	_ =	shalt  }
0x4f: {  	_ =	shalt  }
0x50: {  	_ =	shalt  }
0x51: {  	_ =	shalt  }
0x52: {  	_ =	shalt  }
0x53: {  	_ =	shalt  }
0x54: {  	_ =	shalt  }
0x55: {  	_ =	shalt  }
0x56: {  	_ =	shalt  }
0x57: {  	_ =	shalt  }
0x58: {  	_ =	shalt  }
0x59: {  	_ =	shalt  }
0x5a: {  	_ =	shalt  }
0x5b: {  	_ =	shalt  }
0x5c: {  	_ =	shalt  }
0x5d: {  	_ =	shalt  }
0x5e: {  	_ =	shalt  }
0x5f: {  	_ =	shalt  }
0x60: {  	_ =	shalt  }
0x61: {  	_ =	shalt  }
0x62: {  	_ =	shalt  }
0x63: {  	_ =	shalt  }
0x64: {  	_ =	shalt  }
0x65: {  	_ =	shalt  }
0x66: {  	_ =	shalt  }
0x67: {  	_ =	shalt  }
0x68: {  	_ =	shalt  }
0x69: {  	_ =	shalt  }
0x6a: {  	_ =	shalt  }
0x6b: {  	_ =	shalt  }
0x6c: {  	_ =	shalt  }
0x6d: {  	_ =	shalt  }
0x6e: {  	_ =	shalt  }
0x6f: {  	_ =	shalt  }
0x70: {  	_ =	shalt  }
0x71: {  	_ =	shalt  }
0x72: {  	_ =	shalt  }
0x73: {  	_ =	shalt  }
0x74: {  	_ =	shalt  }
0x75: {  	_ =	shalt  }
0x76: {  	_ =	shalt  }
0x77: {  	_ =	shalt  }
0x78: {  	_ =	shalt  }
0x79: {  	_ =	shalt  }
0x7a: {  	_ =	shalt  }
0x7b: {  	_ =	shalt  }
0x7c: {  	_ =	shalt  }
0x7d: {  	_ =	shalt  }
0x7e: {  	_ =	shalt  }
0x7f: {  	_ =	shalt  }
0x80: {  	_ =	shalt  }
0x81: {  	_ =	shalt  }
0x82: {  	_ =	shalt  }
0x83: {  	_ =	shalt  }
0x84: {  	_ =	shalt  }
0x85: {  	_ =	shalt  }
0x86: {  	_ =	shalt  }
0x87: {  	_ =	shalt  }
.Lfunc_end0:
.L_simem_size_0:
called_computation.3_lowered:
.L_overlay_start_0:
0x88: {  	s2 =	sld [smem:$0x3FD9]  }
0x89: {  	s3 =	sld [smem:$0x3FFE];
	_ =	sdelay $0x1  }
0x8a: {  	s1 =	srdreg.scid  }
0x8b: {  	s0 =	sand.u32 $0x1, s1  }
0x8c: {  	s14 =	sshll.u32 s0, $0xA;
	s2 =	sadd.s32 s3, s2  }
0x8d: {  	s2 =	sadd.s32 s2, s14  }
0x8e: {  	[smem:$0x3F9D] =	sst s2  }
0x8f: {  	_ = 	snop  }
0x90: {  	s2 =	sld [smem:$0x3FD0];
	_ =	sdelay $0x2  }
0x91: {  	s15 =	simm.s32 $0xA;
	s4 =	simm.s32 $0x10  }
0x92: {  	[smem:s4], [sflag:s15] =	dma.local [hbm:s2], $0x1  }
0x93: {  	_ =	swait.eq [sflag:s15], $0x1  }
0x94: {  	[sflag:s15] =	ssyncset.done $0x0  }
0x95: {  	[sflag:s15] =	ssyncadd.s32 $0xFFFFFFFF  }
0x96: {  	s16 =	sld [smem:$0x11];
	(tm) =	ssettm $0x1  }
0x97: {  	s17 =	sld [smem:$0x3FFB];
	_ =	sdelay $0x3  }
0x98: {  	_ =	strace s17  }
0x99: {  	s3 =	sld [smem:$0x3FFC];
	_ =	sdelay $0x3  }
0x9a: {  	_ =	strace s3  }
0x9b: {  	s3 =	sld [smem:$0x3FFD];
	_ =	sdelay $0x3  }
0x9c: {  	_ =	strace s3  }
0x9d: {  	_ =	strace $0x8FFFFFFF  }
0x9e: {  	s18 =	sld [smem:$0x3FDB];
	_ =	sdelay $0x1  }
0x9f: {  	s19 =	simm.s32 $_scs_section_size  }
0xa0: {  	s5 =	simm.s32 $_size__tile_overlayer_lowered;
	s6 =	simm.s32 $_tile_overlayer_lowered  }
0xa1: {  	s22 =	simm.s32 $0x1BFF;
	s21 =	sshll.u32 s6, $0x1;
	s3 =	sadd.s32 s19, s18  }
0xa2: {  	s7 =	simm.s32 $0x0;
	s20 =	sshll.u32 s5, $0x1;
	s5 =	sadd.s32 s21, s3  }
0xa3: {  	[timem:s7], [sflag:s22] =	dma.local [hbm:s5], s20  }
0xa4: {  	_ =	swait.ge [sflag:s22], s20  }
0xa5: {  	s4 =	ssub.s32 $0x0, s20;
	[sflag:s22] =	ssyncset.done $0x0  }
0xa6: {  	[sflag:s22] =	ssyncadd.s32 s4;
	_ =	sdelay $0x1  }
0xa7: {  	s23 =	simm.s32 $0x1B8B  }
0xa8: {  	_ =	swait.ge [sflag:s23], $0x1  }
0xa9: {  	[sflag:s23] =	ssyncset.done $0x0  }
0xaa: {  	s25 =	simm.s32 $0x1B8E;
	s24 =	sld [smem:$0x3FFE];
	[sflag:s23] =	ssyncadd.s32 $0xFFFFFFFF  }
0xab: {  	s26 =	simm.s32 $execute0_lowered;
	[smem:$0x3FD2] =	sst s25  }
0xac: {  	s5 =	sshll.u32 s26, $0x1;
	_ =	strace $0x8000004F;
	[dreg:$0x1] =	wrdreg $0xFFFFFFFF  }
0xad: {  	s28 =	simm.s32 $_size_execute0_lowered;
	s3 =	sadd.s32 s3, s5;
	[dreg:$0x0] =	wrdreg $0x0  }
0xae: {  	s5 =	sshll.u32 s28, $0x1;
	[dreg:$0x2] =	wrdreg s3  }
0xaf: {  	[dreg:$0x3] =	wrdreg s5  }
0xb0: {  	[dreg:$0x4] =	wrdreg $0xC0  }
0xb1: {  	_ =	task [dreg:s7], $0x5FFFF  }
0xb2: {  	[dreg:$0x1] =	wrdreg $0xFFFFFFFF  }
0xb3: {  	[dreg:$0x0] =	wrdreg $0x60  }
0xb4: {  	[dreg:$0x2] =	wrdreg s24  }
0xb5: {  	[dreg:$0x3] =	wrdreg s16  }
0xb6: {  	[dreg:$0x4] =	wrdreg $0xA8000  }
0xb7: {  	[dreg:$0x5] =	wrdreg $0x9  }
0xb8: {  	_ =	task.clear_ibuf [dreg:s7], $0x6FFFF;
	_ =	strace $0x9000004F  }
0xb9: {  	s29 =	simm.s32 $0x9;
	_ =	strace $0x80000051  }
0xba: {  	_ =	swait.ge [sflag:s29], $0x1  }
0xbb: {  	[sflag:s29] =	ssyncadd.s32 $0xFFFFFFFF  }
0xbc: {  	_ =	strace $0x90000051  }
0xbd: {  	_ =	sfence  }
0xbe: {  	s30 =	sld [smem:$0x0];
	_ =	sdelay $0x2  }
0xbf: {  	s31 =	sshll.u32 s1, $0xD;
	s1 =	sshrl.u32 s1, $0x2  }
0xc0: {  	s3 =	sand.u32 $0x4000, s31;
	s1 =	sadd.s32 s1, s30  }
0xc1: {  	s0 =	sor.u32 s3, s0;
	s1 =	sshll.u32 s1, $0x11  }
0xc2: {  	s0 =	sor.u32 s1, s0  }
0xc3: {  	s0 =	sadd.s32 $0x8F2B, s0  }
0xc4: {  	[sflag:s0] =	ssyncadd.remote.s32 $0x1  }
0xc5: {  	_ =	sfence.sel $0xFFFF  }
0xc6: {  	[dreg:$0x0] =	wrdreg $0xFFFFFFFF;
	(pc) =	sbr.abs _section_cstart, $3  }
0xc7: {  	[dreg:$0x1] =	wrdreg $0xFFFFFFFF  }
0xc8: {  	_ =	task.clear_ibuf [dreg:s7], $0x2FFFF;
	_ =	strace $0x9FFFFFFF  }
0xc9: {  	(tm) =	ssettm $0x7FFFFFFF  }
tec
execute0_lowered:
.L_overlay_start_1:
0x0: {  	(tag) =	ssettag $0x1  }
0x1: {  	s4 =	rddreg [dreg:$0x0]  }
0x2: {  	s7 =	rddreg [dreg:$0x1]  }
0x3: {  	s2 =	rddreg [dreg:$0x2]  }
0x4: {  	s0 =	rddreg [dreg:$0x3];
	s1 =	stileid.u32  }
0x5: {  	s3 =	simm.s32 $0x0;
	s6 =	srdreg.scid;
	s5 =	smul.u32 $0x28000, s1  }
0x6: {  	[smem:$0x7FF] =	sst s3;
	s9 =	smul.u32 $0xA000, s1  }
0x7: {  	s8 =	sand.u32 $0x1, s6;
	s10 =	sadd.s32 $0x2B4200, s4;
	s13 =	smul.u32 $0x500, s1  }
0x8: {  	_ =	strace $0x80000050;
	s6 =	ssub.s32 $0x2, s8;
	s16 =	smul.u32 $0xA0000, s8  }
0x9: {  	s17 =	smul.u32 $0x13C0, s8;
	s12 =	sadd.s32 s5, s4;
	s26 =	sshrl.u32 s6, $0x1  }
0xa: {  	s28 =	sshrl.u32 s5, $0x2;
	s14 =	sadd.s32 $0x4000, s9;
	s15 =	sadd.s32 $0x8000, s9  }
0xb: {  	s7 =	sadd.s32 s7, s13;
	s11 =	ssub.s32 s6, s26;
	s4 =	sadd.s32 s28, s2  }
0xc: {  	s5 =	sadd.s32 s14, s2;
	s6 =	sadd.s32 s15, s2;
	s29 =	sadd.s32 s9, s16  }
0xd: {  	s30 =	sadd.s32 s16, s14;
	s31 =	sadd.s32 s16, s15;
	s12 =	sadd.s32 $0x34200, s12  }
0xe: {  	s14 =	simm.s32 $0x1;
	s15 =	simm.s32 $0x2800;
	s16 =	simm.s32 $0x80  }
0xf: {  	v0 =	vmov s17;
	s17 =	simm.s32 $0x0;
	s8 =	sshrl.u32 s29, $0x3;
	s9 =	sshrl.u32 s30, $0x3  }
0x10: {  	s13 =	sshrl.u32 s31, $0x3;
	s11 =	smax.u32 s11, $0x1;
	s8 =	sadd.s32 s10, s8  }
0x11: {  	v1 =	vimm.f32 $0.0e+00;
	s9 =	sadd.s32 s10, s9;
	s10 =	sadd.s32 s10, s13;
	s13 =	simm.s32 $0x6800  }
.LBB2_1:
0x12: {  	s18 =	simm.s32 $0x0;
	s19 =	simm.s32 $0x200  }
.LBB2_2:
0x13: {  	p0 =	sne.s32 s19, $0xFE00;
	[tilespmem:s18+$0x6870] =	vst v1  }
0x14: {  	[tilespmem:s18+$0x6800] =	vst v1  }
0x15: {  	[tilespmem:s18+$0x6810] =	vst v1  }
.Ltmp0:
0x16: {  	[tilespmem:s18+$0x6820] =	vst v1;
	(pc) =	sbr.rel @p0 .LBB2_2-.Ltmp0, $4  }
0x17: {  	[tilespmem:s18+$0x6830] =	vst v1  }
0x18: {  	[tilespmem:s18+$0x6840] =	vst v1  }
0x19: {  	[tilespmem:s18+$0x6850] =	vst v1  }
0x1a: {  	[tilespmem:s18+$0x6860] =	vst v1;
	s18 =	sshra.s32 s19, $0x2;
	s19 =	sadd.s32 $0x200, s19  }
0x1b: {  	[tilespmem:s18+$0x6870] =	vst v1  }
0x1c: {  	[tilespmem:s18+$0x6800] =	vst v1  }
0x1d: {  	[tilespmem:s18+$0x6810] =	vst v1  }
0x1e: {  	[tilespmem:s18+$0x6820] =	vst v1  }
0x1f: {  	[tilespmem:s18+$0x6830] =	vst v1  }
0x20: {  	[tilespmem:s18+$0x6840] =	vst v1  }
0x21: {  	[tilespmem:s18+$0x6850] =	vst v1  }
0x22: {  	[tilespmem:s18+$0x6860] =	vst v1  }
0x23: {  	[spmem:s4] =	stream.linear.scatter [tilespmem:s13], [sflag:$0x1], $0x4000, $0x38;
	[tilespmem:$0x14800] =	vst v63  }
0x24: {  	_ =	swait.ge [sflag:s14], $0x4000  }
0x25: {  	[sflag:s14] =	ssyncset.done $0x0  }
0x26: {  	[sflag:s14] =	ssyncadd.s32 $0xFFFFC000  }
0x27: {  	[spmem:s5] =	stream.linear.scatter [tilespmem:s13], [sflag:$0x1], $0x4000, $0x38;
	[tilespmem:$0x14800] =	vst v63  }
0x28: {  	_ =	swait.ge [sflag:s14], $0x4000  }
0x29: {  	[sflag:s14] =	ssyncset.done $0x0  }
0x2a: {  	[sflag:s14] =	ssyncadd.s32 $0xFFFFC000  }
0x2b: {  	[spmem:s6] =	stream.linear.scatter [tilespmem:s13], [sflag:$0x1], $0x2000, $0x38;
	[tilespmem:$0x14800] =	vst v63  }
0x2c: {  	_ =	swait.ge [sflag:s14], $0x2000  }
0x2d: {  	[sflag:s14] =	ssyncset.done $0x0  }
0x2e: {  	s31 =	simm.s32 $0x0;
	[sflag:s14] =	ssyncadd.s32 $0xFFFFE000  }
0x2f: {  	[tilespmem:s31], [sflag:$0x1] =	stream.linear.gather [hbm4b:s7+s31], $0x2800, $0x38;
	[tilespmem:$0x14800] =	vst v63  }
0x30: {  	_ =	swait.ge [sflag:s14], $0x2800  }
0x31: {  	[sflag:s14] =	ssyncset.done $0x0  }
0x32: {  	s18 =	simm.s32 $0x0;
	[sflag:s14] =	ssyncadd.s32 $0xFFFFD800  }
0x33: {  	v3 =	vld [tilespmem:s18+$0x0]  }
0x34: {  	v4 =	vld [tilespmem:s18+$0x10]  }
0x35: {  	v6 =	vld [tilespmem:s18+$0x20]  }
0x36: {  	v5 =	vld [tilespmem:s18+$0x30]  }
0x37: {  	v2 =	vld [tilespmem:s18+$0x40]  }
0x38: {  	v7 =	vsub.s32 v3, v0;
	v3 =	vld [tilespmem:s18+$0x50]  }
0x39: {  	s19 =	simm.s32 $0x200;
	v8 =	vsub.s32 v4, v0;
	v4 =	vld [tilespmem:s18+$0x60];
	v7 =	vmin.u32 v7, $0x13C0  }
.LBB2_4:
0x3a: {  	s20 =	sshra.s32 s19, $0x2;
	p0 =	sne.s32 s19, $0x9E00;
	[tilespmem:s18+$0x0] =	vst v7;
	v7 =	vmin.u32 v8, $0x13C0;
	v6 =	vsub.s32 v6, v0;
	v8 =	vld [tilespmem:s18+$0x70]  }
0x3b: {  	v9 =	vld [tilespmem:s20+$0x0];
	[tilespmem:s18+$0x10] =	vst v7;
	v6 =	vmin.u32 v6, $0x13C0;
	v5 =	vsub.s32 v5, v0  }
0x3c: {  	v10 =	vld [tilespmem:s20+$0x10];
	[tilespmem:s18+$0x20] =	vst v6;
	v5 =	vmin.u32 v5, $0x13C0;
	v2 =	vsub.s32 v2, v0  }
.Ltmp1:
0x3d: {  	v6 =	vld [tilespmem:s20+$0x20];
	[tilespmem:s18+$0x30] =	vst v5;
	v2 =	vmin.u32 v2, $0x13C0;
	v3 =	vsub.s32 v3, v0;
	(pc) =	sbr.rel @p0 .LBB2_4-.Ltmp1, $4  }
0x3e: {  	v5 =	vld [tilespmem:s20+$0x30];
	[tilespmem:s18+$0x40] =	vst v2;
	v3 =	vmin.u32 v3, $0x13C0;
	v4 =	vsub.s32 v4, v0  }
0x3f: {  	v2 =	vld [tilespmem:s20+$0x40];
	[tilespmem:s18+$0x50] =	vst v3;
	v4 =	vmin.u32 v4, $0x13C0;
	v7 =	vsub.s32 v8, v0  }
0x40: {  	v8 =	vsub.s32 v9, v0;
	v3 =	vld [tilespmem:s20+$0x50];
	[tilespmem:s18+$0x60] =	vst v4;
	v9 =	vmin.u32 v7, $0x13C0  }
0x41: {  	s19 =	sadd.s32 $0x200, s19;
	v7 =	vmin.u32 v8, $0x13C0;
	v8 =	vsub.s32 v10, v0;
	v4 =	vld [tilespmem:s20+$0x60];
	[tilespmem:s18+$0x70] =	vst v9;
	s18 =	smov.u32 s20  }
0x42: {  	[tilespmem:s18+$0x0] =	vst v7;
	v62 =	vmin.u32 v8, $0x13C0;
	v6 =	vsub.s32 v6, v0;
	v63 =	vld [tilespmem:s18+$0x70]  }
0x43: {  	[tilespmem:s18+$0x10] =	vst v62;
	v6 =	vmin.u32 v6, $0x13C0;
	v5 =	vsub.s32 v5, v0  }
0x44: {  	[tilespmem:s18+$0x20] =	vst v6;
	v5 =	vmin.u32 v5, $0x13C0;
	v2 =	vsub.s32 v2, v0  }
0x45: {  	[tilespmem:s18+$0x30] =	vst v5;
	v2 =	vmin.u32 v2, $0x13C0;
	v3 =	vsub.s32 v3, v0  }
0x46: {  	[tilespmem:s18+$0x40] =	vst v2;
	v2 =	vmin.u32 v3, $0x13C0;
	v3 =	vsub.s32 v4, v0  }
0x47: {  	[tilespmem:s18+$0x50] =	vst v2;
	v2 =	vmin.u32 v3, $0x13C0;
	v3 =	vsub.s32 v63, v0  }
0x48: {  	[tilespmem:s18+$0x60] =	vst v2;
	v2 =	vmin.u32 v3, $0x13C0  }
0x49: {  	[tilespmem:s18+$0x70] =	vst v2  }
0x4a: {  	[bflag:$0x0] =	sbarrier.arrive $0xFFFF  }
0x4b: {  	[tilespmem:s15], [sflag:$0x1] =	stream.linear.gather [hbm4b:s12+s3], $0x4000, $0x38;
	[tilespmem:$0x14800] =	vst v63  }
0x4c: {  	_ =	swait.ge [sflag:s14], $0x4000  }
0x4d: {  	[sflag:s14] =	ssyncset.done $0x0  }
0x4e: {  	s31 =	simm.s32 $0x0;
	[sflag:s14] =	ssyncadd.s32 $0xFFFFC000  }
0x4f: {  	[spmem:s2] =	stream.indirect.scatter.add.f32 [tilespmem:s15], [sflag:$0x1], $0x80, s31, s16, $0xb8;
	[tilespmem:$0x14800] =	vst v63  }
0x50: {  	_ =	swait.ge [sflag:s14], $0x4000  }
0x51: {  	s19 =	smov.u32 s12;
	s18 =	simm.s32 $0x200;
	[sflag:s14] =	ssyncset.done $0x0  }
.LBB2_6:
0x52: {  	p0 =	sne.s32 s18, $0x9E00;
	[sflag:s14] =	ssyncadd.s32 $0xFFFFC000;
	s19 =	sadd.s32 $0x800, s19  }
0x53: {  	[tilespmem:s15], [sflag:$0x1] =	stream.linear.gather [hbm4b:s19+s3], $0x4000, $0x38;
	[tilespmem:$0x14800] =	vst v63  }
0x54: {  	s20 =	smov.u32 s18;
	s18 =	sadd.s32 $0x200, s18;
	_ =	swait.ge [sflag:s14], $0x4000  }
.Ltmp2:
0x55: {  	[sflag:s14] =	ssyncset.done $0x0;
	(pc) =	sbr.rel @p0 .LBB2_6-.Ltmp2, $4  }
0x56: {  	s20 =	sshra.s32 s20, $0x2;
	[sflag:s14] =	ssyncadd.s32 $0xFFFFC000  }
0x57: {  	[spmem:s2] =	stream.indirect.scatter.add.f32 [tilespmem:s15], [sflag:$0x1], $0x80, s20, s16, $0xb8;
	[tilespmem:$0x14800] =	vst v63  }
0x58: {  	_ =	swait.ge [sflag:s14], $0x4000  }
0x59: {  	[sflag:s14] =	ssyncset.done $0x0  }
0x5a: {  	[sflag:s14] =	ssyncadd.s32 $0xFFFFC000  }
0x5b: {  	[bflag:$0x0] =	sbarrier.arrive $0xFFFF  }
0x5c: {  	[tilespmem:s13], [sflag:$0x1] =	stream.linear.gather [spmem:s4], $0x4000, $0x38;
	[tilespmem:$0x14800] =	vst v63  }
0x5d: {  	_ =	swait.ge [sflag:s14], $0x4000  }
0x5e: {  	[sflag:s14] =	ssyncset.done $0x0  }
0x5f: {  	[sflag:s14] =	ssyncadd.s32 $0xFFFFC000  }
0x60: {  	[hbm4b:s8+s3] =	stream.linear.scatter [tilespmem:s13], [sflag:$0x1], $0x4000, $0x38;
	[tilespmem:$0x14800] =	vst v63  }
0x61: {  	_ =	swait.ge [sflag:s14], $0x4000  }
0x62: {  	[sflag:s14] =	ssyncset.done $0x0  }
0x63: {  	[sflag:s14] =	ssyncadd.s32 $0xFFFFC000  }
0x64: {  	[tilespmem:s13], [sflag:$0x1] =	stream.linear.gather [spmem:s5], $0x4000, $0x38;
	[tilespmem:$0x14800] =	vst v63  }
0x65: {  	_ =	swait.ge [sflag:s14], $0x4000  }
0x66: {  	[sflag:s14] =	ssyncset.done $0x0  }
0x67: {  	[sflag:s14] =	ssyncadd.s32 $0xFFFFC000  }
0x68: {  	[hbm4b:s9+s3] =	stream.linear.scatter [tilespmem:s13], [sflag:$0x1], $0x4000, $0x38;
	[tilespmem:$0x14800] =	vst v63  }
0x69: {  	_ =	swait.ge [sflag:s14], $0x4000  }
0x6a: {  	[sflag:s14] =	ssyncset.done $0x0  }
0x6b: {  	[sflag:s14] =	ssyncadd.s32 $0xFFFFC000  }
0x6c: {  	[tilespmem:s13], [sflag:$0x1] =	stream.linear.gather [spmem:s6], $0x2000, $0x38;
	[tilespmem:$0x14800] =	vst v63  }
0x6d: {  	s17 =	sadd.s32 $0x1, s17;
	_ =	swait.ge [sflag:s14], $0x2000  }
0x6e: {  	p0 =	sne.s32 s17, s11;
	[sflag:s14] =	ssyncset.done $0x0  }
.Ltmp3:
0x6f: {  	[sflag:s14] =	ssyncadd.s32 $0xFFFFE000;
	(pc) =	sbr.rel @p0 .LBB2_1-.Ltmp3, $4  }
0x70: {  	[hbm4b:s10+s3] =	stream.linear.scatter [tilespmem:s13], [sflag:$0x1], $0x2000, $0x38;
	[tilespmem:$0x14800] =	vst v63  }
0x71: {  	_ =	swait.ge [sflag:s14], $0x2000  }
0x72: {  	[sflag:s14] =	ssyncset.done $0x0  }
0x73: {  	[sflag:s14] =	ssyncadd.s32 $0xFFFFE000  }
0x74: {  	_ =	sfence.sel $0x180000  }
0x75: {  	[bflag:$0x0] =	sbarrier.arrive $0xFFFF  }
0x76: {  	p0 =	sne.s32 s1, $0x0;
	_ =	strace $0x90000050  }
0x77: {  	s0 =	sadd.s32 @!p0 $0x100000, s0;
	[bflag:$0x2] =	sbarrier.arrive $0xFFFF  }
0x78: {  	[sflag:s0] =	ssyncadd.tile.s32 @!p0 $0x1;
	_ =	shalt  }
.Lfunc_end2:
_tile_overlayer_lowered:
.L_overlay_start_2:
0x79: {  	(tag) =	ssettag $0x2  }
0x7a: {  	s0 =	rddreg [dreg:$0x0];
	s2 =	stileid.u32  }
0x7b: {  	s1 =	rddreg [dreg:$0x1];
	p0 =	sne.s32 s2, $0x0  }
0x7c: {  	s3 =	rddreg [dreg:$0x2];
	[bflag:$0x3] =	sbarrier.arrive $0xFFFF;
	s2 =	simm.s32 @!p0 $0x1C01  }
0x7d: {  	[timem:s3], [sflag:s2] =	dma.local @!p0 [hbm:s0], s1  }
0x7e: {  	s0 =	simm.s32 @!p0 $0x1  }
0x7f: {  	_ =	swait.ge @!p0 [sflag:s0], s1  }
0x80: {  	s1 =	ssub.s32 @!p0 $0x0, s1;
	[sflag:s0] =	ssyncset.done @!p0 $0x0  }
0x81: {  	[sflag:s0] =	ssyncadd.s32 @!p0 s1  }
0x82: {  	[bflag:$0x3] =	sbarrier.arrive $0xFFFF  }
0x83: {  	_ =	shalt  }

// kernel: kernel.27.cloned.1.call-start
scs
__scs_entry_jumppad:
0x0: {  	(pc) =	sbr.rel $0x88, $3  }
0x1: {  	(tag) =	ssettag $0x0;
	lr =	simm.s32 $0x1  }
0x2: {  	[smem:$0x3F76] =	sst lr;
	_ =	strace $0xD0000000  }
0x3: {  	_ = 	snop  }
0x4: {  	_ = 	snop  }
0x5: {  	_ = 	snop  }
0x6: {  	_ = 	snop  }
0x7: {  	_ = 	snop  }
__scs_overlays_trampoline_lowered:
0x8: {  	[smem:$0x3F85] =	sst s0  }
0x9: {  	[smem:$0x3F86] =	sst s1  }
0xa: {  	[smem:$0x3F87] =	sst s2  }
0xb: {  	[smem:$0x3F88] =	sst s3  }
0xc: {  	[smem:$0x3F89] =	sst s4  }
0xd: {  	[smem:$0x3F8A] =	sst s5  }
0xe: {  	[smem:$0x3F8B] =	sst s6  }
0xf: {  	[smem:$0x3F8C] =	sst s7  }
0x10: {  	[smem:$0x3F8D] =	sst s8  }
0x11: {  	[smem:$0x3F8E] =	sst s9;
	s0 =	simm.s32 @!p0 $0x0  }
0x12: {  	s1 =	sld [smem:$0x3F74];
	s0 =	simm.s32 @p0 $0x1  }
0x13: {  	[smem:$0x3F8F] =	sst s0;
	s0 =	simm.s32 @!p1 $0x0  }
0x14: {  	s2 =	sld [smem:$0x3F73];
	s0 =	simm.s32 @p1 $0x1  }
0x15: {  	[smem:$0x3F90] =	sst s0;
	s0 =	simm.s32 @!p2 $0x0  }
0x16: {  	s3 =	sld [smem:$0x3FDB];
	s0 =	simm.s32 @p2 $0x1  }
0x17: {  	s4 =	simm.s32 $0x1BF5;
	[smem:$0x3F92] =	sst s0  }
0x18: {  	s0 =	sld [smem:$0x3F75];
	_ =	swait.ge [sflag:s4], $0x0  }
0x19: {  	s7 =	sld [smem:$0x3F76]  }
0x1a: {  	s8 =	sadd.s32 $0xFFFFE003, lr  }
0x1b: {  	s9 =	sadd.s32 $0xFFFFFEF7, lr;
	s5 =	simm.s32 $0xFFFFFFFF;
	p2 =	slt.u32 s8, $0xFFFFF086  }
0x1c: {  	p1 =	slt.u32 s9, $0xF7A;
	s5 =	simm.s32 @!p2 $0x0  }
0x1d: {  	s5 =	simm.s32 @p1 $0x1;
	p0 =	seq.s32 s7, s2  }
0x1e: {  	s7 =	smul.u32 @!p0 $0xF7A, s2;
	p2 =	seq.s32 @!p0 s5, $0x0  }
0x1f: {  	s9 =	smul.u32 $0xF7A, s1;
	s8 =	simm.s32 @!p0 $0x1BF5;
	p2 =	por !p2, p0  }
0x20: {  	[sflag:s8] =	ssyncset.s32 @!p0 $0xFFFFF086;
	s6 =	sadd.s32 @!p0 s3, s7;
	s7 =	simm.s32 @!p0 $0x108  }
0x21: {  	s3 =	sadd.s32 s3, s9;
	s6 =	sadd.s32 @!p0 $0x88, s6;
	s7 =	simm.s32 @p2 $0x1082  }
0x22: {  	[simem:s7], [sflag:s8] =	dma.local @!p0 [hbm:s6], $0xF7A  }
0x23: {  	s9 =	sor.u32 $0xD0000000, s2;
	s6 =	simm.s32 $0x108;
	_ =	swait.ge @!p0 [sflag:s8], $0x0  }
0x24: {  	s3 =	sadd.s32 $0x88, s3;
	s6 =	simm.s32 @!p1 $0x1082;
	[sflag:s4] =	ssyncset.s32 $0xFFFFF086  }
0x25: {  	[simem:s6], [sflag:s4] =	dma.local [hbm:s3], $0xF7A  }
0x26: {  	[smem:$0x3F76] =	sst s1;
	(tag) =	ssettag s2;
	_ =	strace s9  }
0x27: {  	s1 =	sld [smem:$0x3F86]  }
0x28: {  	s2 =	sld [smem:$0x3F87]  }
0x29: {  	s4 =	sld [smem:$0x3F89]  }
0x2a: {  	p0 =	seq.s32 s5, $0x0;
	s5 =	sld [smem:$0x3F8A]  }
0x2b: {  	s6 =	sld [smem:$0x3F8B]  }
0x2c: {  	s7 =	sld [smem:$0x3F8C]  }
0x2d: {  	s3 =	simm.s32 $0x108;
	s8 =	sld [smem:$0x3F8D]  }
0x2e: {  	s3 =	simm.s32 @!p0 $0x1082;
	s9 =	sld [smem:$0x3F8E]  }
0x2f: {  	lr =	sadd.s32 s0, s3;
	s0 =	sld [smem:$0x3F85]  }
0x30: {  	s3 =	sld [smem:$0x3F88]  }
0x31: {  	[smem:$0x3F91] =	sst s10  }
0x32: {  	s10 =	sld [smem:$0x3F8F];
	_ =	sdelay $0x3  }
0x33: {  	p0 =	seq.s32 s10, $0x1;
	s10 =	sld [smem:$0x3F91];
	_ =	sdelay $0x3  }
0x34: {  	[smem:$0x3F91] =	sst s10  }
0x35: {  	s10 =	sld [smem:$0x3F90];
	_ =	sdelay $0x3  }
0x36: {  	p1 =	seq.s32 s10, $0x1;
	s10 =	sld [smem:$0x3F91];
	_ =	sdelay $0x3  }
0x37: {  	[smem:$0x3F91] =	sst s10  }
0x38: {  	s10 =	sld [smem:$0x3F92]  }
0x39: {  	_ = 	snop;
	(pc) =	sbr.ind lr, $3  }
0x3a: {  	_ = 	snop  }
0x3b: {  	_ = 	snop  }
0x3c: {  	p2 =	seq.s32 s10, $0x1;
	s10 =	sld [smem:$0x3F91]  }
0x3d: {  	_ =	shalt  }
0x3e: {  	_ =	shalt  }
0x3f: {  	_ =	shalt  }
0x40: {  	_ =	shalt  }
0x41: {  	_ =	shalt  }
0x42: {  	_ =	shalt  }
0x43: {  	_ =	shalt  }
0x44: {  	_ =	shalt  }
0x45: {  	_ =	shalt  }
0x46: {  	_ =	shalt  }
0x47: {  	_ =	shalt  }
0x48: {  	_ =	shalt  }
0x49: {  	_ =	shalt  }
0x4a: {  	_ =	shalt  }
0x4b: {  	_ =	shalt  }
0x4c: {  	_ =	shalt  }
0x4d: {  	_ =	shalt  }
0x4e: {  	_ =	shalt  }
0x4f: {  	_ =	shalt  }
0x50: {  	_ =	shalt  }
0x51: {  	_ =	shalt  }
0x52: {  	_ =	shalt  }
0x53: {  	_ =	shalt  }
0x54: {  	_ =	shalt  }
0x55: {  	_ =	shalt  }
0x56: {  	_ =	shalt  }
0x57: {  	_ =	shalt  }
0x58: {  	_ =	shalt  }
0x59: {  	_ =	shalt  }
0x5a: {  	_ =	shalt  }
0x5b: {  	_ =	shalt  }
0x5c: {  	_ =	shalt  }
0x5d: {  	_ =	shalt  }
0x5e: {  	_ =	shalt  }
0x5f: {  	_ =	shalt  }
0x60: {  	_ =	shalt  }
0x61: {  	_ =	shalt  }
0x62: {  	_ =	shalt  }
0x63: {  	_ =	shalt  }
0x64: {  	_ =	shalt  }
0x65: {  	_ =	shalt  }
0x66: {  	_ =	shalt  }
0x67: {  	_ =	shalt  }
0x68: {  	_ =	shalt  }
0x69: {  	_ =	shalt  }
0x6a: {  	_ =	shalt  }
0x6b: {  	_ =	shalt  }
0x6c: {  	_ =	shalt  }
0x6d: {  	_ =	shalt  }
0x6e: {  	_ =	shalt  }
0x6f: {  	_ =	shalt  }
0x70: {  	_ =	shalt  }
0x71: {  	_ =	shalt  }
0x72: {  	_ =	shalt  }
0x73: {  	_ =	shalt  }
0x74: {  	_ =	shalt  }
0x75: {  	_ =	shalt  }
0x76: {  	_ =	shalt  }
0x77: {  	_ =	shalt  }
0x78: {  	_ =	shalt  }
0x79: {  	_ =	shalt  }
0x7a: {  	_ =	shalt  }
0x7b: {  	_ =	shalt  }
0x7c: {  	_ =	shalt  }
0x7d: {  	_ =	shalt  }
0x7e: {  	_ =	shalt  }
0x7f: {  	_ =	shalt  }
0x80: {  	_ =	shalt  }
0x81: {  	_ =	shalt  }
0x82: {  	_ =	shalt  }
0x83: {  	_ =	shalt  }
0x84: {  	_ =	shalt  }
0x85: {  	_ =	shalt  }
0x86: {  	_ =	shalt  }
0x87: {  	_ =	shalt  }
.Lfunc_end0:
.L_simem_size_0:
called_computation.4_lowered:
.L_overlay_start_0:
0x88: {  	s2 =	sld [smem:$0x3FD9]  }
0x89: {  	s3 =	sld [smem:$0x3FFE];
	_ =	sdelay $0x1  }
0x8a: {  	s1 =	srdreg.scid  }
0x8b: {  	s0 =	sand.u32 $0x1, s1  }
0x8c: {  	s16 =	sshll.u32 s0, $0xA;
	s2 =	sadd.s32 s3, s2  }
0x8d: {  	s2 =	sadd.s32 s2, s16  }
0x8e: {  	[smem:$0x3F9D] =	sst s2  }
0x8f: {  	_ = 	snop  }
0x90: {  	(tm) =	ssettm $0x1  }
0x91: {  	s17 =	sld [smem:$0x3FFB];
	_ =	sdelay $0x3  }
0x92: {  	_ =	strace s17  }
0x93: {  	s2 =	sld [smem:$0x3FFC];
	_ =	sdelay $0x3  }
0x94: {  	_ =	strace s2  }
0x95: {  	s2 =	sld [smem:$0x3FFD];
	_ =	sdelay $0x3  }
0x96: {  	_ =	strace s2  }
0x97: {  	_ =	strace $0x8FFFFFFF  }
0x98: {  	s18 =	sld [smem:$0x3FDB];
	_ =	sdelay $0x1  }
0x99: {  	s19 =	simm.s32 $_scs_section_size  }
0x9a: {  	s4 =	simm.s32 $_size__tile_overlayer_lowered;
	s5 =	simm.s32 $_tile_overlayer_lowered  }
0x9b: {  	s22 =	simm.s32 $0x1BFF;
	s21 =	sshll.u32 s5, $0x1;
	s2 =	sadd.s32 s19, s18  }
0x9c: {  	s6 =	simm.s32 $0x0;
	s20 =	sshll.u32 s4, $0x1;
	s4 =	sadd.s32 s21, s2  }
0x9d: {  	[timem:s6], [sflag:s22] =	dma.local [hbm:s4], s20  }
0x9e: {  	_ =	swait.ge [sflag:s22], s20  }
0x9f: {  	s3 =	ssub.s32 $0x0, s20;
	[sflag:s22] =	ssyncset.done $0x0  }
0xa0: {  	[sflag:s22] =	ssyncadd.s32 s3;
	_ =	sdelay $0x1  }
0xa1: {  	s23 =	simm.s32 $0x1B8B  }
0xa2: {  	_ =	swait.ge [sflag:s23], $0x1  }
0xa3: {  	[sflag:s23] =	ssyncset.done $0x0  }
0xa4: {  	s25 =	simm.s32 $0x1B8E;
	s24 =	sld [smem:$0x3FFE];
	[sflag:s23] =	ssyncadd.s32 $0xFFFFFFFF  }
0xa5: {  	s26 =	simm.s32 $execute0_lowered;
	[smem:$0x3FD2] =	sst s25  }
0xa6: {  	s4 =	sshll.u32 s26, $0x1;
	_ =	strace $0x80000052;
	[dreg:$0x1] =	wrdreg $0xFFFFFFFF  }
0xa7: {  	s28 =	simm.s32 $_size_execute0_lowered;
	s2 =	sadd.s32 s2, s4;
	[dreg:$0x0] =	wrdreg $0x0  }
0xa8: {  	s4 =	sshll.u32 s28, $0x1;
	[dreg:$0x2] =	wrdreg s2  }
0xa9: {  	[dreg:$0x3] =	wrdreg s4  }
0xaa: {  	[dreg:$0x4] =	wrdreg $0xC0  }
0xab: {  	_ =	task [dreg:s6], $0x5FFFF  }
0xac: {  	[dreg:$0x1] =	wrdreg $0xFFFFFFFF  }
0xad: {  	[dreg:$0x0] =	wrdreg $0x60  }
0xae: {  	[dreg:$0x2] =	wrdreg s24  }
0xaf: {  	[dreg:$0x3] =	wrdreg $0x9  }
0xb0: {  	_ =	task.clear_ibuf [dreg:s6], $0x4FFFF;
	_ =	strace $0x90000052  }
0xb1: {  	s29 =	simm.s32 $0x9;
	_ =	strace $0x80000054  }
0xb2: {  	_ =	swait.ge [sflag:s29], $0x1  }
0xb3: {  	[sflag:s29] =	ssyncadd.s32 $0xFFFFFFFF  }
0xb4: {  	_ =	strace $0x90000054  }
0xb5: {  	_ =	sfence  }
0xb6: {  	s30 =	sld [smem:$0x0];
	_ =	sdelay $0x2  }
0xb7: {  	s31 =	sshll.u32 s1, $0xD;
	s1 =	sshrl.u32 s1, $0x2  }
0xb8: {  	s3 =	sand.u32 $0x4000, s31;
	s1 =	sadd.s32 s1, s30  }
0xb9: {  	s0 =	sor.u32 s3, s0;
	s1 =	sshll.u32 s1, $0x11  }
0xba: {  	s0 =	sor.u32 s1, s0  }
0xbb: {  	s0 =	sadd.s32 $0x8F2B, s0  }
0xbc: {  	[sflag:s0] =	ssyncadd.remote.s32 $0x1  }
0xbd: {  	_ =	sfence.sel $0xFFFF  }
0xbe: {  	[dreg:$0x0] =	wrdreg $0xFFFFFFFF;
	(pc) =	sbr.abs _section_cstart, $3  }
0xbf: {  	[dreg:$0x1] =	wrdreg $0xFFFFFFFF  }
0xc0: {  	_ =	task.clear_ibuf [dreg:s6], $0x2FFFF;
	_ =	strace $0x9FFFFFFF  }
0xc1: {  	(tm) =	ssettm $0x7FFFFFFF  }
tec
execute0_lowered:
.L_overlay_start_1:
0x0: {  	(tag) =	ssettag $0x1  }
0x1: {  	s5 =	rddreg [dreg:$0x0]  }
0x2: {  	s1 =	srdreg.scid;
	s0 =	rddreg [dreg:$0x1]  }
0x3: {  	s2 =	simm.s32 $0x0;
	s10 =	simm.s32 $0x1400;
	s11 =	simm.s32 $0x80  }
0x4: {  	s12 =	simm.s32 $0x5400;
	s13 =	simm.s32 $0x1;
	s3 =	sand.u32 $0x1, s1  }
0x5: {  	s14 =	simm.s32 $0x0;
	s1 =	stileid.u32;
	s4 =	sshll.u32 s3, $0x4  }
0x6: {  	[smem:$0x7FF] =	sst s2;
	s8 =	ssub.s32 $0x2, s3;
	s6 =	sor.u32 s1, s4  }
0x7: {  	_ =	strace $0x80000053;
	s9 =	sshrl.u32 s8, $0x1;
	s7 =	smul.u32 $0x280, s6  }
0x8: {  	s3 =	sadd.s32 $0x4F9000, s5;
	s4 =	sadd.s32 $0xD000, s5;
	s8 =	ssub.s32 s8, s9  }
0x9: {  	s6 =	smul.u32 $0x1400, s6;
	s9 =	simm.s32 $0x2;
	s7 =	sadd.s32 s7, s5  }
0xa: {  	s8 =	smax.u32 s8, $0x1;
	s5 =	sadd.s32 $0x5B400, s5;
	s7 =	sadd.s32 $0x8000, s7  }
.LBB2_1:
0xb: {  	[tilespmem:s2], [sflag:$0x2] =	stream.linear.gather [hbm4b:s7+s2], $0x1400, $0x38;
	[tilespmem:$0x9400] =	vst v63  }
0xc: {  	_ =	swait.ge [sflag:s9], $0x1400  }
0xd: {  	[sflag:s9] =	ssyncset.done $0x0  }
0xe: {  	s15 =	simm.s32 $0x0;
	[sflag:s9] =	ssyncadd.s32 $0xFFFFEC00  }
.LBB2_2:
0xf: {  	s17 =	sshll.u32 s15, $0x7  }
0x10: {  	s16 =	sadd.s32 s6, s17  }
0x11: {  	s16 =	sshll.u32 s16, $0x4  }
0x12: {  	s19 =	simm.s32 $0x0;
	s18 =	sadd.s32 s3, s16  }
0x13: {  	[tilespmem:s10], [sflag:$0x2] =	stream.linear.gather [hbm4b:s18+s19], $0x4000, $0x38;
	[tilespmem:$0x9400] =	vst v63  }
0x14: {  	_ =	swait.ge [sflag:s9], $0x4000  }
0x15: {  	[sflag:s9] =	ssyncset.done $0x0  }
0x16: {  	[sflag:s9] =	ssyncadd.s32 $0xFFFFC000  }
0x17: {  	[tilespmem:s12], [sflag:$0x1] =	stream.indirect.gather [hbm4b:s4+s11], $0x80, s17, s11, $0xb8;
	[tilespmem:$0x9400] =	vst v63  }
0x18: {  	_ =	swait.ge [sflag:s13], $0x4000  }
0x19: {  	[sflag:s13] =	ssyncset.done $0x0  }
0x1a: {  	s17 =	simm.s32 $0x0;
	[sflag:s13] =	ssyncadd.s32 $0xFFFFC000  }
0x1b: {  	v5 =	vld [tilespmem:s17+$0x5400]  }
0x1c: {  	v6 =	vld [tilespmem:s17+$0x5410]  }
0x1d: {  	v1 =	vld [tilespmem:s17+$0x5420]  }
0x1e: {  	v0 =	vld [tilespmem:s17+$0x5430]  }
0x1f: {  	v2 =	vld [tilespmem:s17+$0x1400]  }
0x20: {  	v4 =	vld [tilespmem:s17+$0x1410]  }
0x21: {  	s18 =	simm.s32 $0x200;
	v3 =	vld [tilespmem:s17+$0x1420]  }
.LBB2_3:
0x22: {  	s19 =	sshra.s32 s18, $0x2;
	p0 =	sne.s32 s18, $0xFE00;
	v7 =	vld [tilespmem:s17+$0x1430];
	v8 =	vmov v1  }
0x23: {  	v9 =	vld [tilespmem:s19+$0x5400];
	v10 =	vmov v0  }
0x24: {  	v11 =	vld [tilespmem:s19+$0x5410];
	v2 =	vadd.f32 v5, v2  }
.Ltmp0:
0x25: {  	v1 =	vld [tilespmem:s19+$0x5420];
	v4 =	vadd.f32 v6, v4;
	(pc) =	sbr.rel @p0 .LBB2_3-.Ltmp0, $4  }
0x26: {  	v0 =	vld [tilespmem:s19+$0x5430];
	[tilespmem:s17+$0x1400] =	vst v2;
	v3 =	vadd.f32 v8, v3  }
0x27: {  	v2 =	vld [tilespmem:s19+$0x1400];
	[tilespmem:s17+$0x1410] =	vst v4;
	v7 =	vadd.f32 v10, v7  }
0x28: {  	v4 =	vld [tilespmem:s19+$0x1410];
	[tilespmem:s17+$0x1420] =	vst v3;
	v5 =	vmov v9  }
0x29: {  	s18 =	sadd.s32 $0x200, s18;
	v3 =	vld [tilespmem:s19+$0x1420];
	[tilespmem:s17+$0x1430] =	vst v7;
	v6 =	vmov v11;
	s17 =	smov.u32 s19  }
0x2a: {  	v7 =	vld [tilespmem:s17+$0x1430];
	_ =	sdelay $0x1  }
0x2b: {  	v2 =	vadd.f32 v5, v2  }
0x2c: {  	v4 =	vadd.f32 v6, v4  }
0x2d: {  	[tilespmem:s17+$0x1400] =	vst v2;
	v1 =	vadd.f32 v1, v3  }
0x2e: {  	s15 =	sadd.s32 $0x1, s15;
	[tilespmem:s17+$0x1410] =	vst v4;
	v0 =	vadd.f32 v0, v7  }
0x2f: {  	p0 =	sne.s32 s15, $0x28;
	[tilespmem:s17+$0x1420] =	vst v1  }
.Ltmp1:
0x30: {  	s16 =	sadd.s32 s5, s16;
	[tilespmem:s17+$0x1430] =	vst v0;
	(pc) =	sbr.rel @p0 .LBB2_2-.Ltmp1, $4  }
0x31: {  	[hbm4b:s16+s2] =	stream.linear.scatter [tilespmem:s10], [sflag:$0x2], $0x4000, $0x38;
	[tilespmem:$0x9400] =	vst v63  }
0x32: {  	_ =	swait.ge [sflag:s9], $0x4000  }
0x33: {  	[sflag:s9] =	ssyncset.done $0x0  }
0x34: {  	[sflag:s9] =	ssyncadd.s32 $0xFFFFC000  }
0x35: {  	s14 =	sadd.s32 $0x1, s14  }
0x36: {  	p0 =	sne.s32 s14, s8  }
.Ltmp2:
0x37: {  	_ = 	snop;
	(pc) =	sbr.rel @p0 .LBB2_1-.Ltmp2, $1  }
0x38: {  	_ =	sdelay $0x3  }
0x39: {  	_ =	sfence.sel $0x180000  }
0x3a: {  	[bflag:$0x0] =	sbarrier.arrive $0xFFFF  }
0x3b: {  	p0 =	sne.s32 s1, $0x0;
	_ =	strace $0x90000053  }
0x3c: {  	s0 =	sadd.s32 @!p0 $0x100000, s0;
	[bflag:$0x2] =	sbarrier.arrive $0xFFFF  }
0x3d: {  	[sflag:s0] =	ssyncadd.tile.s32 @!p0 $0x1;
	_ =	shalt  }
.Lfunc_end2:
_tile_overlayer_lowered:
.L_overlay_start_2:
0x3e: {  	(tag) =	ssettag $0x2  }
0x3f: {  	s0 =	rddreg [dreg:$0x0];
	s2 =	stileid.u32  }
0x40: {  	s1 =	rddreg [dreg:$0x1];
	p0 =	sne.s32 s2, $0x0  }
0x41: {  	s3 =	rddreg [dreg:$0x2];
	[bflag:$0x3] =	sbarrier.arrive $0xFFFF;
	s2 =	simm.s32 @!p0 $0x1C02  }
0x42: {  	[timem:s3], [sflag:s2] =	dma.local @!p0 [hbm:s0], s1  }
0x43: {  	s0 =	simm.s32 @!p0 $0x2  }
0x44: {  	_ =	swait.ge @!p0 [sflag:s0], s1  }
0x45: {  	s1 =	ssub.s32 @!p0 $0x0, s1;
	[sflag:s0] =	ssyncset.done @!p0 $0x0  }
0x46: {  	[sflag:s0] =	ssyncadd.s32 @!p0 s1  }
0x47: {  	[bflag:$0x3] =	sbarrier.arrive $0xFFFF  }
0x48: {  	_ =	shalt  }

</sc_bundles>
